<compile_context>
chip_gen: v7x
topology: tpu7x:2x2x1
jax: 0.10.2.dev20260603
libtpu: 0.0.44.dev20260713+nightly
codegen_flags: <defaults>
</compile_context>

<pallas_src>
import functools

import jax
import jax.numpy as jnp
from jax import lax
from jax.experimental import pallas as pl
from jax.experimental.pallas import tpu as pltpu
from jax.experimental.pallas import tpu_sc as plsc

T = 512
B = 16
C = 128
W = 16
NEG_INF = -1e30
BIG = 1 << 30
PK = 4096


def _logaddexp(a, b):
    m = jnp.maximum(a, b)
    y = jnp.exp(-jnp.abs(a - b))
    s = y / (y + 2.0)
    q = s * s
    p = jnp.float32(1.0 / 13)
    for coef in (1.0 / 11, 1.0 / 9, 1.0 / 7, 1.0 / 5, 1.0 / 3, 1.0):
        p = p * q + jnp.float32(coef)
    return m + (s + s) * p


def _scalar(x):
    if getattr(x, "ndim", 0) == 0:
        return x
    return x[0]


def _sc_body(data_hbm, len_hbm, probs_hbm, lens_hbm, labels_hbm,
             data_v, bp_v, cbuf_v, ibuf_v, stb_v, stn_v, lens_v, last_v,
             selv_v, seli_v, lenall_v, clist_v, slot_v, lab_v, outf_v,
             outi_v):
    wid = lax.axis_index("s") * 2 + lax.axis_index("c")

    @pl.when(wid < B)
    def _():
        b = wid
        pltpu.sync_copy(data_hbm.at[b], data_v)
        pltpu.sync_copy(len_hbm, lenall_v)
        iota = lax.iota(jnp.int32, 16)
        neg_inf = jnp.full((16,), NEG_INF, jnp.float32)
        bvec = jnp.full((16,), b, jnp.int32)
        L = plsc.load_gather(lenall_v, [bvec])[0]

        def step(t, carry):
            lpb, lpnb, tot, lens, last, slot = carry
            tvec = jnp.full((16,), t, jnp.int32)
            lp0 = plsc.load_gather(data_v, [tvec, jnp.zeros((16,), jnp.int32)])
            lp_last = plsc.load_gather(data_v, [tvec, last])
            stay_lpb = tot + lp0
            stay_lpnb = lpnb + lp_last
            stay = _logaddexp(stay_lpb, stay_lpnb)
            stay_packed = slot * PK + iota
            val, idx = plsc.sort_key_val(stay, stay_packed)

            stb_v[...] = stay_lpb
            stn_v[...] = stay_lpnb
            lens_v[...] = lens
            last_v[...] = last
            slot_v[...] = slot

            pbase = (16 + slot * 128) * PK + (16 + iota * 128)

            bmax = jnp.max(tot)
            wstar = plsc.all_reduce_ffs(tot == bmax)
            last_star = plsc.load_gather(last_v, [wstar])
            slot_star = plsc.load_gather(slot_v, [wstar])
            star_pbase = (16 + slot_star * 128) * PK + 16 + wstar * 128

            def premerge_body(g, vi):
                v, i = vi
                ci = g * 16 + iota
                lp16 = plsc.load_gather(data_v, [tvec, ci])
                chv = jnp.where((ci != 0) & (ci != last_star),
                                bmax + lp16, neg_inf)
                chp = star_pbase + ci * (PK + 1)
                bv, bi = plsc.sort_key_val(chv, chp, descending=True)
                take = bv > v
                nv, ni = plsc.sort_key_val(jnp.where(take, bv, v),
                                           jnp.where(take, bi, i))
                return (nv, ni)

            val, idx = lax.fori_loop(0, C // 16, premerge_body, (val, idx),
                                     unroll=8)
            tau = val[0]

            def pre_body(g, ns):
                cvec = g * 16 + iota
                lp16 = plsc.load_gather(data_v, [tvec, cvec])
                m = (lp16 + bmax >= tau) & (cvec > 0)
                cnt = _scalar(plsc.all_reduce_population_count(m))
                plsc.store_compressed(clist_v.at[pl.ds(ns, 16)], cvec, mask=m)
                return ns + cnt

            ns = lax.fori_loop(0, C // 16, pre_body, jnp.int32(0), unroll=8)

            def class_body(j, _):
                cvec = plsc.load_gather(clist_v, [jnp.full((16,), j, jnp.int32)])
                lp_c = plsc.load_gather(data_v, [tvec, cvec])
                cand = jnp.where(last == cvec, lpb, tot) + lp_c
                msk = (cand >= tau) & ((iota != wstar) | (cvec == last_star))
                cbuf_v[pl.ds(j * 16, 16)] = jnp.where(msk, cand, neg_inf)
                ibuf_v[pl.ds(j * 16, 16)] = pbase + cvec * (PK + 1)
                return 0

            lax.fori_loop(0, ns, class_body, 0)
            nch = ns

            def merge_body(j, vi):
                v, i = vi
                base = j * 16
                bv = cbuf_v[pl.ds(base, 16)]
                bi = ibuf_v[pl.ds(base, 16)]
                bv, bi = plsc.sort_key_val(bv, bi, descending=True)
                take = bv > v
                nv, ni = plsc.sort_key_val(jnp.where(take, bv, v),
                                           jnp.where(take, bi, i))
                return (nv, ni)

            val, idx = lax.fori_loop(0, nch, merge_body, (val, idx))

            v16 = val[0]
            n_sel_eq = _scalar(plsc.all_reduce_population_count(val == v16))

            def eq_body(j, n):
                bv = cbuf_v[pl.ds(j * 16, 16)]
                m = bv == v16
                return n + _scalar(plsc.all_reduce_population_count(m))

            def eq_star_body(g, n):
                ci = g * 16 + iota
                lp16 = plsc.load_gather(data_v, [tvec, ci])
                m = (bmax + lp16 == v16) & (ci != 0) & (ci != last_star)
                return n + _scalar(plsc.all_reduce_population_count(m))

            n_all_eq = lax.fori_loop(
                0, nch, eq_body,
                lax.fori_loop(
                    0, C // 16, eq_star_body,
                    _scalar(plsc.all_reduce_population_count(stay == v16)),
                    unroll=8))

            def fixup(cur_idx):
                big = jnp.full((16,), BIG, jnp.int32)
                ch = jnp.where(stay == v16, stay_packed, big)
                ch, _ = plsc.sort_key_val(ch, ch, descending=True)
                fixv, _ = plsc.sort_key_val(jnp.minimum(big, ch), ch)

                def fix_body(j, fv):
                    bv = cbuf_v[pl.ds(j * 16, 16)]
                    bi = ibuf_v[pl.ds(j * 16, 16)]
                    m = bv == v16
                    ch2 = jnp.where(m, bi, big)
                    ch2, _ = plsc.sort_key_val(ch2, ch2, descending=True)
                    nf = jnp.minimum(fv, ch2)
                    nf, _ = plsc.sort_key_val(nf, nf)
                    return nf

                def fix_star_body(g, fv):
                    ci = g * 16 + iota
                    lp16 = plsc.load_gather(data_v, [tvec, ci])
                    m = (bmax + lp16 == v16) & (ci != 0) & (ci != last_star)
                    ch2 = jnp.where(m, star_pbase + ci * (PK + 1), big)
                    ch2, _ = plsc.sort_key_val(ch2, ch2, descending=True)
                    nf = jnp.minimum(fv, ch2)
                    nf, _ = plsc.sort_key_val(nf, nf)
                    return nf

                fixv = lax.fori_loop(0, nch, fix_body,
                                     lax.fori_loop(0, C // 16, fix_star_body,
                                                   fixv))
                return jnp.where(iota < n_sel_eq, fixv, cur_idx)

            idx = lax.cond(n_all_eq != n_sel_eq, fixup, lambda i: i, idx)

            selv_v[...] = val
            seli_v[...] = idx

            def rank_slow():
                def rank_body(k, r):
                    kvec = jnp.full((16,), k, jnp.int32)
                    vk = plsc.load_gather(selv_v, [kvec])
                    pk = plsc.load_gather(seli_v, [kvec])
                    beats = (vk > val) | ((vk == val) & (pk < idx))
                    return r + beats.astype(jnp.int32)

                return lax.fori_loop(0, 16, rank_body,
                                     jnp.zeros((16,), jnp.int32), unroll=4)

            prev = plsc.load_gather(selv_v, [jnp.maximum(iota - 1, 0)])
            ndup = _scalar(plsc.all_reduce_population_count(
                (prev == val) & (iota > 0)))
            rank = lax.cond(ndup == 0, lambda: 15 - iota, rank_slow)

            midx = idx & (PK - 1)
            is_stay = midx < 16
            parent = jnp.where(is_stay, midx, (midx - 16) >> 7)
            c_new = jnp.where(is_stay, 0, (midx - 16) & 127)
            g_slpb = plsc.load_gather(stb_v, [parent])
            g_slpnb = plsc.load_gather(stn_v, [parent])
            g_lens = plsc.load_gather(lens_v, [parent])
            g_last = plsc.load_gather(last_v, [parent])
            n_lpb = jnp.where(is_stay, g_slpb, neg_inf)
            n_lpnb = jnp.where(is_stay, g_slpnb, val)
            n_lens = jnp.where(is_stay, g_lens, g_lens + 1)
            n_last = jnp.where(is_stay, g_last, c_new)
            row = bp_v[t >> 1, :]
            odd = (t & 1) == 1
            bp_v[t >> 1, :] = jnp.where(odd, row | (midx << 16), midx)
            return (n_lpb, n_lpnb, val, n_lens, n_last, rank)

        lpb0 = jnp.where(iota == 0, 0.0, neg_inf)
        lpb, lpnb, total, lens, last, slot = lax.fori_loop(
            0, L, step, (lpb0, neg_inf, lpb0, jnp.zeros((16,), jnp.int32),
                         jnp.zeros((16,), jnp.int32), iota))

        m = jnp.max(total)
        key = jnp.where(total == m, slot, jnp.full((16,), BIG, jnp.int32))
        best = _scalar(plsc.all_reduce_ffs(key == jnp.min(key)))
        lens_v[...] = lens
        blen = plsc.load_gather(lens_v, [jnp.full((16,), best, jnp.int32)])[0]
        outf_v[...] = jnp.full((16,), 0.0, jnp.float32) - m
        outi_v[...] = jnp.full((16,), blen, jnp.int32)

        def zero_body(i, _):
            lab_v[pl.ds(i * 16, 16)] = jnp.zeros((16,), jnp.int32)
            return 0

        lax.fori_loop(0, 33, zero_body, 0)

        lane0 = iota == 0

        def bt_body(i, carry):
            cur, pos = carry
            tt = L - 1 - i
            iv32 = plsc.load_gather(
                bp_v, [jnp.full((16,), tt >> 1, jnp.int32),
                       jnp.full((16,), cur, jnp.int32)])[0]
            iv = jnp.where((tt & 1) == 1, iv32 >> 16, iv32 & 0xFFFF)
            stayf = iv < 16
            c = jnp.where(stayf, 0, (iv - 16) & 127)
            ncur = jnp.where(stayf, iv, (iv - 16) >> 7)
            ext = c != 0
            npos = pos - ext.astype(jnp.int32)
            addr = jnp.where(ext, npos, 520)
            plsc.store_scatter(lab_v, [jnp.full((16,), addr, jnp.int32)],
                               jnp.full((16,), c, jnp.int32), mask=lane0)
            return (ncur, npos)

        lax.fori_loop(0, L, bt_body, (best, blen))

        pltpu.sync_copy(lab_v.at[pl.ds(0, T)], labels_hbm.at[b])
        pltpu.sync_copy(outf_v, probs_hbm.at[b])
        pltpu.sync_copy(outi_v, lens_hbm.at[b])



@jax.jit
def _sc_decode(data_bt, data_length):
    mesh = plsc.VectorSubcoreMesh(core_axis_name="c", subcore_axis_name="s")
    fn = functools.partial(
        pl.kernel,
        out_type=[
            jax.ShapeDtypeStruct((B, 16), jnp.float32),
            jax.ShapeDtypeStruct((B, 16), jnp.int32),
            jax.ShapeDtypeStruct((B, T), jnp.int32),
        ],
        mesh=mesh,
        compiler_params=pltpu.CompilerParams(needs_layout_passes=False),
        scratch_types=[
            pltpu.VMEM((T, C), jnp.float32),
            pltpu.VMEM((T // 2, W), jnp.int32),
            pltpu.VMEM((2080,), jnp.float32),
            pltpu.VMEM((2080,), jnp.int32),
            pltpu.VMEM((16,), jnp.float32),
            pltpu.VMEM((16,), jnp.float32),
            pltpu.VMEM((16,), jnp.int32),
            pltpu.VMEM((16,), jnp.int32),
            pltpu.VMEM((16,), jnp.float32),
            pltpu.VMEM((16,), jnp.int32),
            pltpu.VMEM((16,), jnp.int32),
            pltpu.VMEM((144,), jnp.int32),
            pltpu.VMEM((16,), jnp.int32),
            pltpu.VMEM((528,), jnp.int32),
            pltpu.VMEM((16,), jnp.float32),
            pltpu.VMEM((16,), jnp.int32),
        ],
    )(_sc_body)
    return fn(data_bt, data_length)


def kernel(data, data_length):
    data_bt = jnp.transpose(data, (1, 0, 2))
    probs8, lens8, labels = _sc_decode(data_bt, data_length.astype(jnp.int32))
    return probs8[:, :1], lens8[:, :1], labels.reshape(B, 1, T)

# --- scband reference (transcript-rebuilt; emitter-appended) ---
"""Pipeline reference for scband-ctcinference-layer-55516747268899 (READ-ONLY COPY).

The authoritative reference and input builder live on the scoring server;
editing this copy changes nothing except your own understanding.
"""

import jax, jax.numpy as jnp
import numpy as np

MAX_TIME = 512
BATCH = 16
NUM_CLASSES = 128
BEAM_WIDTH = 16
TOP_PATHS = 1
BLANK = 0
NEG_INF = -1e30


def setup_inputs(seed: int = 0) -> dict:
    key = jax.random.key(seed)
    k1, k2 = jax.random.split(key)
    logits = jax.random.normal(k1, (MAX_TIME, BATCH, NUM_CLASSES), dtype=jnp.float32)
    # layer expects log probabilities when from_logits=False
    data = jax.nn.log_softmax(logits, axis=-1)
    data_length = jax.random.randint(k2, (BATCH,), 0, MAX_TIME).astype(jnp.int32)
    return {"data": data, "data_length": data_length}


def _beam_search(data, data_length):
    # CTC prefix beam search (Hannun-style recursion). Beams keep separate
    # log-probs for paths ending in blank (lpb) vs non-blank (lpnb).
    T, B, C = data.shape
    W = BEAM_WIDTH
    seqs0 = jnp.zeros((B, W, T), dtype=jnp.int32)
    lens0 = jnp.zeros((B, W), dtype=jnp.int32)
    lpb0 = jnp.full((B, W), NEG_INF, dtype=data.dtype).at[:, 0].set(0.0)
    lpnb0 = jnp.full((B, W), NEG_INF, dtype=data.dtype)
    last0 = jnp.zeros((B, W), dtype=jnp.int32)
    class_ids = jnp.arange(C)

    def step(carry, xs):
        seqs, lens, lpb, lpnb, last = carry
        lp_t, t = xs  # lp_t: [B, C]
        tot = jnp.logaddexp(lpb, lpnb)  # [B, W]
        # --- stay candidates (prefix unchanged): emit blank, or repeat last label ---
        stay_lpb = tot + lp_t[:, BLANK][:, None]
        lp_last = jnp.take_along_axis(lp_t, last, axis=1)
        stay_lpnb = lpnb + lp_last
        stay_score = jnp.logaddexp(stay_lpb, stay_lpnb)
        # --- extend candidates: append class c != blank ---
        same = last[:, :, None] == class_ids[None, None, :]
        ext_base = jnp.where(same, lpb[:, :, None], tot[:, :, None])
        ext_lp = ext_base + lp_t[:, None, :]  # [B, W, C]
        ext_lp = jnp.where((class_ids == BLANK)[None, None, :], NEG_INF, ext_lp)
        ext_flat = ext_lp.reshape(B, W * C)
        cand = jnp.concatenate([stay_score, ext_flat], axis=1)  # [B, W + W*C]
        top_scores, top_idx = jax.lax.top_k(cand, W)
        is_stay = top_idx < W
        parent = jnp.where(is_stay, top_idx, (top_idx - W) // C)
        new_char = jnp.where(is_stay, jnp.zeros_like(top_idx), (top_idx - W) % C).astype(jnp.int32)
        gather2 = lambda a: jnp.take_along_axis(a, parent, axis=1)
        p_seqs = jnp.take_along_axis(seqs, parent[:, :, None], axis=1)
        p_lens = gather2(lens)
        p_last = gather2(last)
        p_stay_lpb = gather2(stay_lpb)
        p_stay_lpnb = gather2(stay_lpnb)
        ext_sel = jnp.take_along_axis(ext_flat, jnp.maximum(top_idx - W, 0), axis=1)
        n_lpb = jnp.where(is_stay, p_stay_lpb, NEG_INF)
        n_lpnb = jnp.where(is_stay, p_stay_lpnb, ext_sel)
        n_lens = jnp.where(is_stay, p_lens, p_lens + 1)
        n_last = jnp.where(is_stay, p_last, new_char)
        pos = jnp.clip(p_lens, 0, T - 1)
        write = (~is_stay)[:, :, None] & (jnp.arange(T)[None, None, :] == pos[:, :, None])
        n_seqs = jnp.where(write, new_char[:, :, None], p_seqs)
        # respect per-batch data_length
        active = (t < data_length)[:, None]
        seqs = jnp.where(active[:, :, None], n_seqs, seqs)
        lens = jnp.where(active, n_lens, lens)
        lpb = jnp.where(active, n_lpb, lpb)
        lpnb = jnp.where(active, n_lpnb, lpnb)
        last = jnp.where(active, n_last, last)
        return (seqs, lens, lpb, lpnb, last), None

    ts = jnp.arange(T)
    (seqs, lens, lpb, lpnb, last), _ = jax.lax.scan(
        step, (seqs0, lens0, lpb0, lpnb0, last0), (data, ts))
    total = jnp.logaddexp(lpb, lpnb)
    top_scores, top_idx = jax.lax.top_k(total, TOP_PATHS)
    label_probs = -top_scores  # negative log probabilities, as in the IPU op
    label_lens = jnp.take_along_axis(lens, top_idx, axis=1)
    labels = jnp.take_along_axis(seqs, top_idx[:, :, None], axis=1)
    return label_probs, label_lens, labels


def reference(data, data_length):
    return _beam_search(data, data_length)

if __name__ == "__main__":
    import jax
    _d = setup_inputs()
    print(jax.jit(kernel)(*tuple(_d.values())))

</pallas_src>

<mosaic_0001>
#map = affine_map<(d0, d1) -> (0, 0, 0)>
#map1 = affine_map<(d0, d1) -> (0)>
#map2 = affine_map<(d0, d1) -> (0, 0)>
module attributes {stable_mosaic.version = 14 : i64} {
  func.func @_sc_body(%arg0: i32, %arg1: i32, %arg2: memref<16x512x128xf32, #tpu.memory_space<hbm>>, %arg3: memref<16xi32, #tpu.memory_space<hbm>>, %arg4: memref<16x16xf32, #tpu.memory_space<hbm>>, %arg5: memref<16x16xi32, #tpu.memory_space<hbm>>, %arg6: memref<16x512xi32, #tpu.memory_space<hbm>>, %arg7: memref<512x128xf32, #tpu.memory_space<vmem>>, %arg8: memref<256x16xi32, #tpu.memory_space<vmem>>, %arg9: memref<2080xf32, #tpu.memory_space<vmem>>, %arg10: memref<2080xi32, #tpu.memory_space<vmem>>, %arg11: memref<16xf32, #tpu.memory_space<vmem>>, %arg12: memref<16xf32, #tpu.memory_space<vmem>>, %arg13: memref<16xi32, #tpu.memory_space<vmem>>, %arg14: memref<16xi32, #tpu.memory_space<vmem>>, %arg15: memref<16xf32, #tpu.memory_space<vmem>>, %arg16: memref<16xi32, #tpu.memory_space<vmem>>, %arg17: memref<16xi32, #tpu.memory_space<vmem>>, %arg18: memref<144xi32, #tpu.memory_space<vmem>>, %arg19: memref<16xi32, #tpu.memory_space<vmem>>, %arg20: memref<528xi32, #tpu.memory_space<vmem>>, %arg21: memref<16xf32, #tpu.memory_space<vmem>>, %arg22: memref<16xi32, #tpu.memory_space<vmem>>) attributes {dimension_semantics = [#tpu.dimension_semantics<core_parallel>, #tpu.dimension_semantics<subcore_parallel>], iteration_bounds = array<i64: 2, 16>, scalar_prefetch = 0 : i64, scratch_operands = 16 : i64, tpu.core_type = #tpu.core_type<sc_vector_subcore>, window_params = [{transform_indices = #map}, {transform_indices = #map1}, {transform_indices = #map2}, {transform_indices = #map2}, {transform_indices = #map2}]} {
    %mul3A = arith.constant 2 : i32
    %mul3A_0 = arith.muli %arg1, %mul3A : i32
    %add3A = arith.addi %mul3A_0, %arg0 : i32
    %lt3A = arith.constant 16 : i32
    %lt3A_1 = arith.cmpi slt, %add3A, %lt3A : i32
    %convert_element_type3A = arith.extui %lt3A_1 : i1 to i32
    %cond3A = arith.constant 0 : i32
    %cond3A_2 = arith.cmpi ne, %convert_element_type3A, %cond3A : i32
    scf.if %cond3A_2 {
      "tpu.region"() ({
        %run_scoped3A = tpu.sem_alloc : memref<!tpu.dma_semaphore, #tpu.memory_space<semaphore_mem>>
        %dma_start3A = arith.constant 0 : i32
        %dma_start3A_74 = arith.constant 0 : i32
        %dma_start3A_75 = tpu.memref_slice %arg2[%add3A, %dma_start3A, %dma_start3A_74] : memref<16x512x128xf32, #tpu.memory_space<hbm>> -> memref<1x512x128xf32, #tpu.memory_space<hbm>>
        %dma_start3A_76 = tpu.memref_squeeze %dma_start3A_75 : memref<1x512x128xf32, #tpu.memory_space<hbm>> -> memref<512x128xf32, #tpu.memory_space<hbm>>
        %dma_start3A_77 = arith.constant 0 : i32
        %dma_start3A_78 = arith.constant 0 : i32
        %dma_start3A_79 = tpu.memref_slice %arg2[%add3A, %dma_start3A_77, %dma_start3A_78] : memref<16x512x128xf32, #tpu.memory_space<hbm>> -> memref<1x512x128xf32, #tpu.memory_space<hbm>>
        %dma_start3A_80 = tpu.memref_squeeze %dma_start3A_79 : memref<1x512x128xf32, #tpu.memory_space<hbm>> -> memref<512x128xf32, #tpu.memory_space<hbm>>
        tpu.enqueue_dma source(%dma_start3A_80 : memref<512x128xf32, #tpu.memory_space<hbm>>) target(%arg7 : memref<512x128xf32, #tpu.memory_space<vmem>>) target_semaphore(%run_scoped3A : memref<!tpu.dma_semaphore, #tpu.memory_space<semaphore_mem>>)
        %dma_wait3A = arith.constant 0 : i32
        %dma_wait3A_81 = arith.constant 0 : i32
        %dma_wait3A_82 = tpu.memref_slice %arg2[%add3A, %dma_wait3A, %dma_wait3A_81] : memref<16x512x128xf32, #tpu.memory_space<hbm>> -> memref<1x512x128xf32, #tpu.memory_space<hbm>>
        %dma_wait3A_83 = tpu.memref_squeeze %dma_wait3A_82 : memref<1x512x128xf32, #tpu.memory_space<hbm>> -> memref<512x128xf32, #tpu.memory_space<hbm>>
        %dma_wait3A_84 = arith.constant 0 : i32
        %dma_wait3A_85 = arith.constant 0 : i32
        %dma_wait3A_86 = tpu.memref_slice %arg2[%add3A, %dma_wait3A_84, %dma_wait3A_85] : memref<16x512x128xf32, #tpu.memory_space<hbm>> -> memref<1x512x128xf32, #tpu.memory_space<hbm>>
        %dma_wait3A_87 = tpu.memref_squeeze %dma_wait3A_86 : memref<1x512x128xf32, #tpu.memory_space<hbm>> -> memref<512x128xf32, #tpu.memory_space<hbm>>
        tpu.wait_dma2 semaphore(%run_scoped3A : memref<!tpu.dma_semaphore, #tpu.memory_space<semaphore_mem>>) src(%dma_wait3A_87 : memref<512x128xf32, #tpu.memory_space<hbm>>) dst(%arg7 : memref<512x128xf32, #tpu.memory_space<vmem>>)
        tpu.yield
      }) : () -> ()
      "tpu.region"() ({
        %run_scoped3A = tpu.sem_alloc : memref<!tpu.dma_semaphore, #tpu.memory_space<semaphore_mem>>
        tpu.enqueue_dma source(%arg3 : memref<16xi32, #tpu.memory_space<hbm>>) target(%arg17 : memref<16xi32, #tpu.memory_space<vmem>>) target_semaphore(%run_scoped3A : memref<!tpu.dma_semaphore, #tpu.memory_space<semaphore_mem>>)
        tpu.wait_dma2 semaphore(%run_scoped3A : memref<!tpu.dma_semaphore, #tpu.memory_space<semaphore_mem>>) src(%arg3 : memref<16xi32, #tpu.memory_space<hbm>>) dst(%arg17 : memref<16xi32, #tpu.memory_space<vmem>>)
        tpu.yield
      }) : () -> ()
      %iota3A = tpu.iota {dimensions = array<i32: 0>} : vector<16xi32>
      %broadcast_in_dim3A = arith.constant -1.000000e+30 : f32
      %broadcast_in_dim3A_3 = vector.broadcast %broadcast_in_dim3A : f32 to vector<16xf32>
      %broadcast_in_dim3A_4 = vector.broadcast %add3A : i32 to vector<16xi32>
      %gather3A = tpu.vector_load_idx %arg17[%broadcast_in_dim3A_4] : memref<16xi32, #tpu.memory_space<vmem>>[vector<16xi32>], vector<16xi32>,
      %slice3A = vector.extract_strided_slice %gather3A {offsets = [0], sizes = [1], strides = [1]} : vector<16xi32> to vector<1xi32>
      %squeeze3A = vector.extract %slice3A[0] : i32 from vector<1xi32>
      %eq3A = arith.constant 0 : i32
      %eq3A_5 = vector.broadcast %eq3A : i32 to vector<16xi32>
      %eq3A_6 = arith.cmpi eq, %iota3A, %eq3A_5 : vector<16xi32>
      %jit3A = arith.constant 0.000000e+00 : f32
      %broadcast_in_dim3A_7 = vector.broadcast %jit3A : f32 to vector<16xf32>
      %select_n3A = arith.select %eq3A_6, %broadcast_in_dim3A_7, %broadcast_in_dim3A_3 : vector<16xi1>, vector<16xf32>
      %broadcast_in_dim3A_8 = arith.constant 0 : i32
      %broadcast_in_dim3A_9 = vector.broadcast %broadcast_in_dim3A_8 : i32 to vector<16xi32>
      %broadcast_in_dim3A_10 = arith.constant 0 : i32
      %broadcast_in_dim3A_11 = vector.broadcast %broadcast_in_dim3A_10 : i32 to vector<16xi32>
      %while3A = arith.constant 0 : i32
      %while3A_12 = arith.subi %squeeze3A, %while3A : i32
      %while3A_13 = arith.addi %while3A, %while3A_12 : i32
      %while3A_14 = arith.constant 1 : i32
      %while3A_15 = arith.divsi %while3A_12, %while3A_14 : i32
      %while3A_16 = arith.muli %while3A_15, %while3A_14 : i32
      %while3A_17 = arith.addi %while3A, %while3A_16 : i32
      %while3A_18 = arith.constant 1 : i32
      %while3A_19:6 = scf.for %while3A_74 = %while3A to %while3A_17 step %while3A_18 iter_args(%while3A_75 = %select_n3A, %while3A_76 = %broadcast_in_dim3A_3, %while3A_77 = %select_n3A, %while3A_78 = %broadcast_in_dim3A_9, %while3A_79 = %broadcast_in_dim3A_11, %while3A_80 = %iota3A) -> (vector<16xf32>, vector<16xf32>, vector<16xf32>, vector<16xi32>, vector<16xi32>, vector<16xi32>)  : i32 {
        %broadcast_in_dim3A_81 = vector.broadcast %while3A_74 : i32 to vector<16xi32>
        %broadcast_in_dim3A_82 = arith.constant 0 : i32
        %broadcast_in_dim3A_83 = vector.broadcast %broadcast_in_dim3A_82 : i32 to vector<16xi32>
        %gather3A_84 = tpu.vector_load_idx %arg7[%broadcast_in_dim3A_81, %broadcast_in_dim3A_83] : memref<512x128xf32, #tpu.memory_space<vmem>>[vector<16xi32>, vector<16xi32>], vector<16xf32>,
        %gather3A_85 = tpu.vector_load_idx %arg7[%broadcast_in_dim3A_81, %while3A_79] : memref<512x128xf32, #tpu.memory_space<vmem>>[vector<16xi32>, vector<16xi32>], vector<16xf32>,
        %add3A_86 = arith.addf %while3A_77, %gather3A_84 : vector<16xf32>
        %add3A_87 = arith.addf %while3A_76, %gather3A_85 : vector<16xf32>
        %max3A = arith.maximumf %add3A_86, %add3A_87 : vector<16xf32>
        %sub3A_88 = arith.subf %add3A_86, %add3A_87 : vector<16xf32>
        %abs3A = math.absf %sub3A_88 : vector<16xf32>
        %neg3A = arith.constant 0.000000e+00 : f32
        %neg3A_89 = vector.broadcast %neg3A : f32 to vector<16xf32>
        %neg3A_90 = arith.subf %neg3A_89, %abs3A : vector<16xf32>
        %exp3A = math.exp %neg3A_90 : vector<16xf32>
        %add3A_91 = arith.constant 2.000000e+00 : f32
        %add3A_92 = vector.broadcast %add3A_91 : f32 to vector<16xf32>
        %add3A_93 = arith.addf %exp3A, %add3A_92 : vector<16xf32>
        %div3A = arith.divf %exp3A, %add3A_93 : vector<16xf32>
        %mul3A_94 = arith.mulf %div3A, %div3A : vector<16xf32>
        %mul3A_95 = arith.constant 0.0769230798 : f32
        %mul3A_96 = vector.broadcast %mul3A_95 : f32 to vector<16xf32>
        %mul3A_97 = arith.mulf %mul3A_96, %mul3A_94 : vector<16xf32>
        %add3A_98 = arith.constant 0.0909090936 : f32
        %add3A_99 = vector.broadcast %add3A_98 : f32 to vector<16xf32>
        %add3A_100 = arith.addf %mul3A_97, %add3A_99 : vector<16xf32>
        %mul3A_101 = arith.mulf %add3A_100, %mul3A_94 : vector<16xf32>
        %add3A_102 = arith.constant 0.111111112 : f32
        %add3A_103 = vector.broadcast %add3A_102 : f32 to vector<16xf32>
        %add3A_104 = arith.addf %mul3A_101, %add3A_103 : vector<16xf32>
        %mul3A_105 = arith.mulf %add3A_104, %mul3A_94 : vector<16xf32>
        %add3A_106 = arith.constant 0.142857149 : f32
        %add3A_107 = vector.broadcast %add3A_106 : f32 to vector<16xf32>
        %add3A_108 = arith.addf %mul3A_105, %add3A_107 : vector<16xf32>
        %mul3A_109 = arith.mulf %add3A_108, %mul3A_94 : vector<16xf32>
        %add3A_110 = arith.constant 2.000000e-01 : f32
        %add3A_111 = vector.broadcast %add3A_110 : f32 to vector<16xf32>
        %add3A_112 = arith.addf %mul3A_109, %add3A_111 : vector<16xf32>
        %mul3A_113 = arith.mulf %add3A_112, %mul3A_94 : vector<16xf32>
        %add3A_114 = arith.constant 0.333333343 : f32
        %add3A_115 = vector.broadcast %add3A_114 : f32 to vector<16xf32>
        %add3A_116 = arith.addf %mul3A_113, %add3A_115 : vector<16xf32>
        %mul3A_117 = arith.mulf %add3A_116, %mul3A_94 : vector<16xf32>
        %add3A_118 = arith.constant 1.000000e+00 : f32
        %add3A_119 = vector.broadcast %add3A_118 : f32 to vector<16xf32>
        %add3A_120 = arith.addf %mul3A_117, %add3A_119 : vector<16xf32>
        %add3A_121 = arith.addf %div3A, %div3A : vector<16xf32>
        %mul3A_122 = arith.mulf %add3A_121, %add3A_120 : vector<16xf32>
        %add3A_123 = arith.addf %max3A, %mul3A_122 : vector<16xf32>
        %mul3A_124 = arith.constant 4096 : i32
        %mul3A_125 = vector.broadcast %mul3A_124 : i32 to vector<16xi32>
        %mul3A_126 = arith.muli %while3A_80, %mul3A_125 : vector<16xi32>
        %add3A_127 = arith.addi %mul3A_126, %iota3A : vector<16xi32>
        %masked_sort3A = arith.constant dense<true> : vector<16xi1>
        %masked_sort3A_128, %masked_sort3A_129, %masked_sort3A_130 = tpu.sort %add3A_123, %add3A_127 masked %masked_sort3A : (vector<16xf32>, vector<16xi32>, vector<16xi1>) -> (vector<16xi1>, vector<16xf32>, vector<16xi32>)
        %swap3A_131 = arith.constant 0 : index
        %swap3A_132 = tpu.vector_load %arg11[%swap3A_131] {strides = array<i32>} : memref<16xf32, #tpu.memory_space<vmem>>, vector<16xf32>,
        tpu.vector_store %arg11[%swap3A_131], %add3A_86 {strides = array<i32>} : memref<16xf32, #tpu.memory_space<vmem>>, vector<16xf32>,
        %swap3A_133 = arith.constant 0 : index
        %swap3A_134 = tpu.vector_load %arg12[%swap3A_133] {strides = array<i32>} : memref<16xf32, #tpu.memory_space<vmem>>, vector<16xf32>,
        tpu.vector_store %arg12[%swap3A_133], %add3A_87 {strides = array<i32>} : memref<16xf32, #tpu.memory_space<vmem>>, vector<16xf32>,
        %swap3A_135 = arith.constant 0 : index
        %swap3A_136 = tpu.vector_load %arg13[%swap3A_135] {strides = array<i32>} : memref<16xi32, #tpu.memory_space<vmem>>, vector<16xi32>,
        tpu.vector_store %arg13[%swap3A_135], %while3A_78 {strides = array<i32>} : memref<16xi32, #tpu.memory_space<vmem>>, vector<16xi32>,
        %swap3A_137 = arith.constant 0 : index
        %swap3A_138 = tpu.vector_load %arg14[%swap3A_137] {strides = array<i32>} : memref<16xi32, #tpu.memory_space<vmem>>, vector<16xi32>,
        tpu.vector_store %arg14[%swap3A_137], %while3A_79 {strides = array<i32>} : memref<16xi32, #tpu.memory_space<vmem>>, vector<16xi32>,
        %swap3A_139 = arith.constant 0 : index
        %swap3A_140 = tpu.vector_load %arg19[%swap3A_139] {strides = array<i32>} : memref<16xi32, #tpu.memory_space<vmem>>, vector<16xi32>,
        tpu.vector_store %arg19[%swap3A_139], %while3A_80 {strides = array<i32>} : memref<16xi32, #tpu.memory_space<vmem>>, vector<16xi32>,
        %mul3A_141 = arith.constant 128 : i32
        %mul3A_142 = vector.broadcast %mul3A_141 : i32 to vector<16xi32>
        %mul3A_143 = arith.muli %while3A_80, %mul3A_142 : vector<16xi32>
        %add3A_144 = arith.constant 16 : i32
        %add3A_145 = vector.broadcast %add3A_144 : i32 to vector<16xi32>
        %add3A_146 = arith.addi %add3A_145, %mul3A_143 : vector<16xi32>
        %mul3A_147 = arith.constant 4096 : i32
        %mul3A_148 = vector.broadcast %mul3A_147 : i32 to vector<16xi32>
        %mul3A_149 = arith.muli %add3A_146, %mul3A_148 : vector<16xi32>
        %mul3A_150 = arith.constant 128 : i32
        %mul3A_151 = vector.broadcast %mul3A_150 : i32 to vector<16xi32>
        %mul3A_152 = arith.muli %iota3A, %mul3A_151 : vector<16xi32>
        %add3A_153 = arith.constant 16 : i32
        %add3A_154 = vector.broadcast %add3A_153 : i32 to vector<16xi32>
        %add3A_155 = arith.addi %add3A_154, %mul3A_152 : vector<16xi32>
        %add3A_156 = arith.addi %mul3A_149, %add3A_155 : vector<16xi32>
        %reduce_max3A_157 = arith.constant true
        %reduce_max3A_158 = vector.broadcast %reduce_max3A_157 : i1 to vector<16xi1>
        %reduce_max3A_159 = tpu.scan <max>, %while3A_77 masked %reduce_max3A_158 : vector<16xf32>, vector<16xi1> -> vector<16xf32>
        %reduce_max3A_160 = vector.extract %reduce_max3A_159[15] : f32 from vector<16xf32>
        %eq3A_161 = vector.broadcast %reduce_max3A_160 : f32 to vector<16xf32>
        %eq3A_162 = arith.cmpf oeq, %while3A_77, %eq3A_161 : vector<16xf32>
        %all_reduce_ffs3A_163 = tpu.all_reduce %eq3A_162 {dim = 0 : i64, kind = #tpu.reduction_kind<find_first_set>} : vector<16xi1> -> vector<16xi32>
        %gather3A_164 = tpu.vector_load_idx %arg14[%all_reduce_ffs3A_163] : memref<16xi32, #tpu.memory_space<vmem>>[vector<16xi32>], vector<16xi32>,
        %gather3A_165 = tpu.vector_load_idx %arg19[%all_reduce_ffs3A_163] : memref<16xi32, #tpu.memory_space<vmem>>[vector<16xi32>], vector<16xi32>,
        %mul3A_166 = arith.constant 128 : i32
        %mul3A_167 = vector.broadcast %mul3A_166 : i32 to vector<16xi32>
        %mul3A_168 = arith.muli %gather3A_165, %mul3A_167 : vector<16xi32>
        %add3A_169 = arith.constant 16 : i32
        %add3A_170 = vector.broadcast %add3A_169 : i32 to vector<16xi32>
        %add3A_171 = arith.addi %add3A_170, %mul3A_168 : vector<16xi32>
        %mul3A_172 = arith.constant 4096 : i32
        %mul3A_173 = vector.broadcast %mul3A_172 : i32 to vector<16xi32>
        %mul3A_174 = arith.muli %add3A_171, %mul3A_173 : vector<16xi32>
        %add3A_175 = arith.constant 16 : i32
        %add3A_176 = vector.broadcast %add3A_175 : i32 to vector<16xi32>
        %add3A_177 = arith.addi %mul3A_174, %add3A_176 : vector<16xi32>
        %mul3A_178 = arith.constant 128 : i32
        %mul3A_179 = vector.broadcast %mul3A_178 : i32 to vector<16xi32>
        %mul3A_180 = arith.muli %all_reduce_ffs3A_163, %mul3A_179 : vector<16xi32>
        %add3A_181 = arith.addi %add3A_177, %mul3A_180 : vector<16xi32>
        %scan3A_182 = arith.constant 0 : i32
        %mul3A_183 = arith.constant 16 : i32
        %mul3A_184 = arith.muli %scan3A_182, %mul3A_183 : i32
        %add3A_185 = vector.broadcast %mul3A_184 : i32 to vector<16xi32>
        %add3A_186 = arith.addi %add3A_185, %iota3A : vector<16xi32>
        %gather3A_187 = tpu.vector_load_idx %arg7[%broadcast_in_dim3A_81, %add3A_186] : memref<512x128xf32, #tpu.memory_space<vmem>>[vector<16xi32>, vector<16xi32>], vector<16xf32>,
        %ne3A = arith.constant 0 : i32
        %ne3A_188 = vector.broadcast %ne3A : i32 to vector<16xi32>
        %ne3A_189 = arith.cmpi ne, %add3A_186, %ne3A_188 : vector<16xi32>
        %ne3A_190 = arith.cmpi ne, %add3A_186, %gather3A_164 : vector<16xi32>
        %and3A = arith.andi %ne3A_189, %ne3A_190 : vector<16xi1>
        %add3A_191 = vector.broadcast %reduce_max3A_160 : f32 to vector<16xf32>
        %add3A_192 = arith.addf %add3A_191, %gather3A_187 : vector<16xf32>
        %select_n3A_193 = arith.select %and3A, %add3A_192, %broadcast_in_dim3A_3 : vector<16xi1>, vector<16xf32>
        %mul3A_194 = arith.constant 4097 : i32
        %mul3A_195 = vector.broadcast %mul3A_194 : i32 to vector<16xi32>
        %mul3A_196 = arith.muli %add3A_186, %mul3A_195 : vector<16xi32>
        %add3A_197 = arith.addi %add3A_181, %mul3A_196 : vector<16xi32>
        %masked_sort3A_198 = arith.constant dense<true> : vector<16xi1>
        %masked_sort3A_199, %masked_sort3A_200, %masked_sort3A_201 = tpu.sort %select_n3A_193, %add3A_197 masked %masked_sort3A_198 {descending = true} : (vector<16xf32>, vector<16xi32>, vector<16xi1>) -> (vector<16xi1>, vector<16xf32>, vector<16xi32>)
        %gt3A = arith.cmpf ogt, %masked_sort3A_200, %masked_sort3A_129 : vector<16xf32>
        %select_n3A_202 = arith.select %gt3A, %masked_sort3A_200, %masked_sort3A_129 : vector<16xi1>, vector<16xf32>
        %select_n3A_203 = arith.select %gt3A, %masked_sort3A_201, %masked_sort3A_130 : vector<16xi1>, vector<16xi32>
        %masked_sort3A_204 = arith.constant dense<true> : vector<16xi1>
        %masked_sort3A_205, %masked_sort3A_206, %masked_sort3A_207 = tpu.sort %select_n3A_202, %select_n3A_203 masked %masked_sort3A_204 : (vector<16xf32>, vector<16xi32>, vector<16xi1>) -> (vector<16xi1>, vector<16xf32>, vector<16xi32>)
        %scan3A_208 = arith.constant 1 : i32
        %mul3A_209 = arith.constant 16 : i32
        %mul3A_210 = arith.muli %scan3A_208, %mul3A_209 : i32
        %add3A_211 = vector.broadcast %mul3A_210 : i32 to vector<16xi32>
        %add3A_212 = arith.addi %add3A_211, %iota3A : vector<16xi32>
        %gather3A_213 = tpu.vector_load_idx %arg7[%broadcast_in_dim3A_81, %add3A_212] : memref<512x128xf32, #tpu.memory_space<vmem>>[vector<16xi32>, vector<16xi32>], vector<16xf32>,
        %ne3A_214 = arith.constant 0 : i32
        %ne3A_215 = vector.broadcast %ne3A_214 : i32 to vector<16xi32>
        %ne3A_216 = arith.cmpi ne, %add3A_212, %ne3A_215 : vector<16xi32>
        %ne3A_217 = arith.cmpi ne, %add3A_212, %gather3A_164 : vector<16xi32>
        %and3A_218 = arith.andi %ne3A_216, %ne3A_217 : vector<16xi1>
        %add3A_219 = vector.broadcast %reduce_max3A_160 : f32 to vector<16xf32>
        %add3A_220 = arith.addf %add3A_219, %gather3A_213 : vector<16xf32>
        %select_n3A_221 = arith.select %and3A_218, %add3A_220, %broadcast_in_dim3A_3 : vector<16xi1>, vector<16xf32>
        %mul3A_222 = arith.constant 4097 : i32
        %mul3A_223 = vector.broadcast %mul3A_222 : i32 to vector<16xi32>
        %mul3A_224 = arith.muli %add3A_212, %mul3A_223 : vector<16xi32>
        %add3A_225 = arith.addi %add3A_181, %mul3A_224 : vector<16xi32>
        %masked_sort3A_226 = arith.constant dense<true> : vector<16xi1>
        %masked_sort3A_227, %masked_sort3A_228, %masked_sort3A_229 = tpu.sort %select_n3A_221, %add3A_225 masked %masked_sort3A_226 {descending = true} : (vector<16xf32>, vector<16xi32>, vector<16xi1>) -> (vector<16xi1>, vector<16xf32>, vector<16xi32>)
        %gt3A_230 = arith.cmpf ogt, %masked_sort3A_228, %masked_sort3A_206 : vector<16xf32>
        %select_n3A_231 = arith.select %gt3A_230, %masked_sort3A_228, %masked_sort3A_206 : vector<16xi1>, vector<16xf32>
        %select_n3A_232 = arith.select %gt3A_230, %masked_sort3A_229, %masked_sort3A_207 : vector<16xi1>, vector<16xi32>
        %masked_sort3A_233 = arith.constant dense<true> : vector<16xi1>
        %masked_sort3A_234, %masked_sort3A_235, %masked_sort3A_236 = tpu.sort %select_n3A_231, %select_n3A_232 masked %masked_sort3A_233 : (vector<16xf32>, vector<16xi32>, vector<16xi1>) -> (vector<16xi1>, vector<16xf32>, vector<16xi32>)
        %scan3A_237 = arith.constant 2 : i32
        %mul3A_238 = arith.constant 16 : i32
        %mul3A_239 = arith.muli %scan3A_237, %mul3A_238 : i32
        %add3A_240 = vector.broadcast %mul3A_239 : i32 to vector<16xi32>
        %add3A_241 = arith.addi %add3A_240, %iota3A : vector<16xi32>
        %gather3A_242 = tpu.vector_load_idx %arg7[%broadcast_in_dim3A_81, %add3A_241] : memref<512x128xf32, #tpu.memory_space<vmem>>[vector<16xi32>, vector<16xi32>], vector<16xf32>,
        %ne3A_243 = arith.constant 0 : i32
        %ne3A_244 = vector.broadcast %ne3A_243 : i32 to vector<16xi32>
        %ne3A_245 = arith.cmpi ne, %add3A_241, %ne3A_244 : vector<16xi32>
        %ne3A_246 = arith.cmpi ne, %add3A_241, %gather3A_164 : vector<16xi32>
        %and3A_247 = arith.andi %ne3A_245, %ne3A_246 : vector<16xi1>
        %add3A_248 = vector.broadcast %reduce_max3A_160 : f32 to vector<16xf32>
        %add3A_249 = arith.addf %add3A_248, %gather3A_242 : vector<16xf32>
        %select_n3A_250 = arith.select %and3A_247, %add3A_249, %broadcast_in_dim3A_3 : vector<16xi1>, vector<16xf32>
        %mul3A_251 = arith.constant 4097 : i32
        %mul3A_252 = vector.broadcast %mul3A_251 : i32 to vector<16xi32>
        %mul3A_253 = arith.muli %add3A_241, %mul3A_252 : vector<16xi32>
        %add3A_254 = arith.addi %add3A_181, %mul3A_253 : vector<16xi32>
        %masked_sort3A_255 = arith.constant dense<true> : vector<16xi1>
        %masked_sort3A_256, %masked_sort3A_257, %masked_sort3A_258 = tpu.sort %select_n3A_250, %add3A_254 masked %masked_sort3A_255 {descending = true} : (vector<16xf32>, vector<16xi32>, vector<16xi1>) -> (vector<16xi1>, vector<16xf32>, vector<16xi32>)
        %gt3A_259 = arith.cmpf ogt, %masked_sort3A_257, %masked_sort3A_235 : vector<16xf32>
        %select_n3A_260 = arith.select %gt3A_259, %masked_sort3A_257, %masked_sort3A_235 : vector<16xi1>, vector<16xf32>
        %select_n3A_261 = arith.select %gt3A_259, %masked_sort3A_258, %masked_sort3A_236 : vector<16xi1>, vector<16xi32>
        %masked_sort3A_262 = arith.constant dense<true> : vector<16xi1>
        %masked_sort3A_263, %masked_sort3A_264, %masked_sort3A_265 = tpu.sort %select_n3A_260, %select_n3A_261 masked %masked_sort3A_262 : (vector<16xf32>, vector<16xi32>, vector<16xi1>) -> (vector<16xi1>, vector<16xf32>, vector<16xi32>)
        %scan3A_266 = arith.constant 3 : i32
        %mul3A_267 = arith.constant 16 : i32
        %mul3A_268 = arith.muli %scan3A_266, %mul3A_267 : i32
        %add3A_269 = vector.broadcast %mul3A_268 : i32 to vector<16xi32>
        %add3A_270 = arith.addi %add3A_269, %iota3A : vector<16xi32>
        %gather3A_271 = tpu.vector_load_idx %arg7[%broadcast_in_dim3A_81, %add3A_270] : memref<512x128xf32, #tpu.memory_space<vmem>>[vector<16xi32>, vector<16xi32>], vector<16xf32>,
        %ne3A_272 = arith.constant 0 : i32
        %ne3A_273 = vector.broadcast %ne3A_272 : i32 to vector<16xi32>
        %ne3A_274 = arith.cmpi ne, %add3A_270, %ne3A_273 : vector<16xi32>
        %ne3A_275 = arith.cmpi ne, %add3A_270, %gather3A_164 : vector<16xi32>
        %and3A_276 = arith.andi %ne3A_274, %ne3A_275 : vector<16xi1>
        %add3A_277 = vector.broadcast %reduce_max3A_160 : f32 to vector<16xf32>
        %add3A_278 = arith.addf %add3A_277, %gather3A_271 : vector<16xf32>
        %select_n3A_279 = arith.select %and3A_276, %add3A_278, %broadcast_in_dim3A_3 : vector<16xi1>, vector<16xf32>
        %mul3A_280 = arith.constant 4097 : i32
        %mul3A_281 = vector.broadcast %mul3A_280 : i32 to vector<16xi32>
        %mul3A_282 = arith.muli %add3A_270, %mul3A_281 : vector<16xi32>
        %add3A_283 = arith.addi %add3A_181, %mul3A_282 : vector<16xi32>
        %masked_sort3A_284 = arith.constant dense<true> : vector<16xi1>
        %masked_sort3A_285, %masked_sort3A_286, %masked_sort3A_287 = tpu.sort %select_n3A_279, %add3A_283 masked %masked_sort3A_284 {descending = true} : (vector<16xf32>, vector<16xi32>, vector<16xi1>) -> (vector<16xi1>, vector<16xf32>, vector<16xi32>)
        %gt3A_288 = arith.cmpf ogt, %masked_sort3A_286, %masked_sort3A_264 : vector<16xf32>
        %select_n3A_289 = arith.select %gt3A_288, %masked_sort3A_286, %masked_sort3A_264 : vector<16xi1>, vector<16xf32>
        %select_n3A_290 = arith.select %gt3A_288, %masked_sort3A_287, %masked_sort3A_265 : vector<16xi1>, vector<16xi32>
        %masked_sort3A_291 = arith.constant dense<true> : vector<16xi1>
        %masked_sort3A_292, %masked_sort3A_293, %masked_sort3A_294 = tpu.sort %select_n3A_289, %select_n3A_290 masked %masked_sort3A_291 : (vector<16xf32>, vector<16xi32>, vector<16xi1>) -> (vector<16xi1>, vector<16xf32>, vector<16xi32>)
        %scan3A_295 = arith.constant 4 : i32
        %mul3A_296 = arith.constant 16 : i32
        %mul3A_297 = arith.muli %scan3A_295, %mul3A_296 : i32
        %add3A_298 = vector.broadcast %mul3A_297 : i32 to vector<16xi32>
        %add3A_299 = arith.addi %add3A_298, %iota3A : vector<16xi32>
        %gather3A_300 = tpu.vector_load_idx %arg7[%broadcast_in_dim3A_81, %add3A_299] : memref<512x128xf32, #tpu.memory_space<vmem>>[vector<16xi32>, vector<16xi32>], vector<16xf32>,
        %ne3A_301 = arith.constant 0 : i32
        %ne3A_302 = vector.broadcast %ne3A_301 : i32 to vector<16xi32>
        %ne3A_303 = arith.cmpi ne, %add3A_299, %ne3A_302 : vector<16xi32>
        %ne3A_304 = arith.cmpi ne, %add3A_299, %gather3A_164 : vector<16xi32>
        %and3A_305 = arith.andi %ne3A_303, %ne3A_304 : vector<16xi1>
        %add3A_306 = vector.broadcast %reduce_max3A_160 : f32 to vector<16xf32>
        %add3A_307 = arith.addf %add3A_306, %gather3A_300 : vector<16xf32>
        %select_n3A_308 = arith.select %and3A_305, %add3A_307, %broadcast_in_dim3A_3 : vector<16xi1>, vector<16xf32>
        %mul3A_309 = arith.constant 4097 : i32
        %mul3A_310 = vector.broadcast %mul3A_309 : i32 to vector<16xi32>
        %mul3A_311 = arith.muli %add3A_299, %mul3A_310 : vector<16xi32>
        %add3A_312 = arith.addi %add3A_181, %mul3A_311 : vector<16xi32>
        %masked_sort3A_313 = arith.constant dense<true> : vector<16xi1>
        %masked_sort3A_314, %masked_sort3A_315, %masked_sort3A_316 = tpu.sort %select_n3A_308, %add3A_312 masked %masked_sort3A_313 {descending = true} : (vector<16xf32>, vector<16xi32>, vector<16xi1>) -> (vector<16xi1>, vector<16xf32>, vector<16xi32>)
        %gt3A_317 = arith.cmpf ogt, %masked_sort3A_315, %masked_sort3A_293 : vector<16xf32>
        %select_n3A_318 = arith.select %gt3A_317, %masked_sort3A_315, %masked_sort3A_293 : vector<16xi1>, vector<16xf32>
        %select_n3A_319 = arith.select %gt3A_317, %masked_sort3A_316, %masked_sort3A_294 : vector<16xi1>, vector<16xi32>
        %masked_sort3A_320 = arith.constant dense<true> : vector<16xi1>
        %masked_sort3A_321, %masked_sort3A_322, %masked_sort3A_323 = tpu.sort %select_n3A_318, %select_n3A_319 masked %masked_sort3A_320 : (vector<16xf32>, vector<16xi32>, vector<16xi1>) -> (vector<16xi1>, vector<16xf32>, vector<16xi32>)
        %scan3A_324 = arith.constant 5 : i32
        %mul3A_325 = arith.constant 16 : i32
        %mul3A_326 = arith.muli %scan3A_324, %mul3A_325 : i32
        %add3A_327 = vector.broadcast %mul3A_326 : i32 to vector<16xi32>
        %add3A_328 = arith.addi %add3A_327, %iota3A : vector<16xi32>
        %gather3A_329 = tpu.vector_load_idx %arg7[%broadcast_in_dim3A_81, %add3A_328] : memref<512x128xf32, #tpu.memory_space<vmem>>[vector<16xi32>, vector<16xi32>], vector<16xf32>,
        %ne3A_330 = arith.constant 0 : i32
        %ne3A_331 = vector.broadcast %ne3A_330 : i32 to vector<16xi32>
        %ne3A_332 = arith.cmpi ne, %add3A_328, %ne3A_331 : vector<16xi32>
        %ne3A_333 = arith.cmpi ne, %add3A_328, %gather3A_164 : vector<16xi32>
        %and3A_334 = arith.andi %ne3A_332, %ne3A_333 : vector<16xi1>
        %add3A_335 = vector.broadcast %reduce_max3A_160 : f32 to vector<16xf32>
        %add3A_336 = arith.addf %add3A_335, %gather3A_329 : vector<16xf32>
        %select_n3A_337 = arith.select %and3A_334, %add3A_336, %broadcast_in_dim3A_3 : vector<16xi1>, vector<16xf32>
        %mul3A_338 = arith.constant 4097 : i32
        %mul3A_339 = vector.broadcast %mul3A_338 : i32 to vector<16xi32>
        %mul3A_340 = arith.muli %add3A_328, %mul3A_339 : vector<16xi32>
        %add3A_341 = arith.addi %add3A_181, %mul3A_340 : vector<16xi32>
        %masked_sort3A_342 = arith.constant dense<true> : vector<16xi1>
        %masked_sort3A_343, %masked_sort3A_344, %masked_sort3A_345 = tpu.sort %select_n3A_337, %add3A_341 masked %masked_sort3A_342 {descending = true} : (vector<16xf32>, vector<16xi32>, vector<16xi1>) -> (vector<16xi1>, vector<16xf32>, vector<16xi32>)
        %gt3A_346 = arith.cmpf ogt, %masked_sort3A_344, %masked_sort3A_322 : vector<16xf32>
        %select_n3A_347 = arith.select %gt3A_346, %masked_sort3A_344, %masked_sort3A_322 : vector<16xi1>, vector<16xf32>
        %select_n3A_348 = arith.select %gt3A_346, %masked_sort3A_345, %masked_sort3A_323 : vector<16xi1>, vector<16xi32>
        %masked_sort3A_349 = arith.constant dense<true> : vector<16xi1>
        %masked_sort3A_350, %masked_sort3A_351, %masked_sort3A_352 = tpu.sort %select_n3A_347, %select_n3A_348 masked %masked_sort3A_349 : (vector<16xf32>, vector<16xi32>, vector<16xi1>) -> (vector<16xi1>, vector<16xf32>, vector<16xi32>)
        %scan3A_353 = arith.constant 6 : i32
        %mul3A_354 = arith.constant 16 : i32
        %mul3A_355 = arith.muli %scan3A_353, %mul3A_354 : i32
        %add3A_356 = vector.broadcast %mul3A_355 : i32 to vector<16xi32>
        %add3A_357 = arith.addi %add3A_356, %iota3A : vector<16xi32>
        %gather3A_358 = tpu.vector_load_idx %arg7[%broadcast_in_dim3A_81, %add3A_357] : memref<512x128xf32, #tpu.memory_space<vmem>>[vector<16xi32>, vector<16xi32>], vector<16xf32>,
        %ne3A_359 = arith.constant 0 : i32
        %ne3A_360 = vector.broadcast %ne3A_359 : i32 to vector<16xi32>
        %ne3A_361 = arith.cmpi ne, %add3A_357, %ne3A_360 : vector<16xi32>
        %ne3A_362 = arith.cmpi ne, %add3A_357, %gather3A_164 : vector<16xi32>
        %and3A_363 = arith.andi %ne3A_361, %ne3A_362 : vector<16xi1>
        %add3A_364 = vector.broadcast %reduce_max3A_160 : f32 to vector<16xf32>
        %add3A_365 = arith.addf %add3A_364, %gather3A_358 : vector<16xf32>
        %select_n3A_366 = arith.select %and3A_363, %add3A_365, %broadcast_in_dim3A_3 : vector<16xi1>, vector<16xf32>
        %mul3A_367 = arith.constant 4097 : i32
        %mul3A_368 = vector.broadcast %mul3A_367 : i32 to vector<16xi32>
        %mul3A_369 = arith.muli %add3A_357, %mul3A_368 : vector<16xi32>
        %add3A_370 = arith.addi %add3A_181, %mul3A_369 : vector<16xi32>
        %masked_sort3A_371 = arith.constant dense<true> : vector<16xi1>
        %masked_sort3A_372, %masked_sort3A_373, %masked_sort3A_374 = tpu.sort %select_n3A_366, %add3A_370 masked %masked_sort3A_371 {descending = true} : (vector<16xf32>, vector<16xi32>, vector<16xi1>) -> (vector<16xi1>, vector<16xf32>, vector<16xi32>)
        %gt3A_375 = arith.cmpf ogt, %masked_sort3A_373, %masked_sort3A_351 : vector<16xf32>
        %select_n3A_376 = arith.select %gt3A_375, %masked_sort3A_373, %masked_sort3A_351 : vector<16xi1>, vector<16xf32>
        %select_n3A_377 = arith.select %gt3A_375, %masked_sort3A_374, %masked_sort3A_352 : vector<16xi1>, vector<16xi32>
        %masked_sort3A_378 = arith.constant dense<true> : vector<16xi1>
        %masked_sort3A_379, %masked_sort3A_380, %masked_sort3A_381 = tpu.sort %select_n3A_376, %select_n3A_377 masked %masked_sort3A_378 : (vector<16xf32>, vector<16xi32>, vector<16xi1>) -> (vector<16xi1>, vector<16xf32>, vector<16xi32>)
        %scan3A_382 = arith.constant 7 : i32
        %mul3A_383 = arith.constant 16 : i32
        %mul3A_384 = arith.muli %scan3A_382, %mul3A_383 : i32
        %add3A_385 = vector.broadcast %mul3A_384 : i32 to vector<16xi32>
        %add3A_386 = arith.addi %add3A_385, %iota3A : vector<16xi32>
        %gather3A_387 = tpu.vector_load_idx %arg7[%broadcast_in_dim3A_81, %add3A_386] : memref<512x128xf32, #tpu.memory_space<vmem>>[vector<16xi32>, vector<16xi32>], vector<16xf32>,
        %ne3A_388 = arith.constant 0 : i32
        %ne3A_389 = vector.broadcast %ne3A_388 : i32 to vector<16xi32>
        %ne3A_390 = arith.cmpi ne, %add3A_386, %ne3A_389 : vector<16xi32>
        %ne3A_391 = arith.cmpi ne, %add3A_386, %gather3A_164 : vector<16xi32>
        %and3A_392 = arith.andi %ne3A_390, %ne3A_391 : vector<16xi1>
        %add3A_393 = vector.broadcast %reduce_max3A_160 : f32 to vector<16xf32>
        %add3A_394 = arith.addf %add3A_393, %gather3A_387 : vector<16xf32>
        %select_n3A_395 = arith.select %and3A_392, %add3A_394, %broadcast_in_dim3A_3 : vector<16xi1>, vector<16xf32>
        %mul3A_396 = arith.constant 4097 : i32
        %mul3A_397 = vector.broadcast %mul3A_396 : i32 to vector<16xi32>
        %mul3A_398 = arith.muli %add3A_386, %mul3A_397 : vector<16xi32>
        %add3A_399 = arith.addi %add3A_181, %mul3A_398 : vector<16xi32>
        %masked_sort3A_400 = arith.constant dense<true> : vector<16xi1>
        %masked_sort3A_401, %masked_sort3A_402, %masked_sort3A_403 = tpu.sort %select_n3A_395, %add3A_399 masked %masked_sort3A_400 {descending = true} : (vector<16xf32>, vector<16xi32>, vector<16xi1>) -> (vector<16xi1>, vector<16xf32>, vector<16xi32>)
        %gt3A_404 = arith.cmpf ogt, %masked_sort3A_402, %masked_sort3A_380 : vector<16xf32>
        %select_n3A_405 = arith.select %gt3A_404, %masked_sort3A_402, %masked_sort3A_380 : vector<16xi1>, vector<16xf32>
        %select_n3A_406 = arith.select %gt3A_404, %masked_sort3A_403, %masked_sort3A_381 : vector<16xi1>, vector<16xi32>
        %masked_sort3A_407 = arith.constant dense<true> : vector<16xi1>
        %masked_sort3A_408, %masked_sort3A_409, %masked_sort3A_410 = tpu.sort %select_n3A_405, %select_n3A_406 masked %masked_sort3A_407 : (vector<16xf32>, vector<16xi32>, vector<16xi1>) -> (vector<16xi1>, vector<16xf32>, vector<16xi32>)
        %scan3A_411 = arith.constant 8 : i32
        %slice3A_412 = vector.extract_strided_slice %masked_sort3A_409 {offsets = [0], sizes = [1], strides = [1]} : vector<16xf32> to vector<1xf32>
        %squeeze3A_413 = vector.extract %slice3A_412[0] : f32 from vector<1xf32>
        %scan3A_414 = arith.constant 0 : i32
        %scan3A_415 = arith.constant 0 : i32
        %mul3A_416 = arith.constant 16 : i32
        %mul3A_417 = arith.muli %scan3A_415, %mul3A_416 : i32
        %add3A_418 = vector.broadcast %mul3A_417 : i32 to vector<16xi32>
        %add3A_419 = arith.addi %add3A_418, %iota3A : vector<16xi32>
        %gather3A_420 = tpu.vector_load_idx %arg7[%broadcast_in_dim3A_81, %add3A_419] : memref<512x128xf32, #tpu.memory_space<vmem>>[vector<16xi32>, vector<16xi32>], vector<16xf32>,
        %add3A_421 = vector.broadcast %reduce_max3A_160 : f32 to vector<16xf32>
        %add3A_422 = arith.addf %gather3A_420, %add3A_421 : vector<16xf32>
        %ge3A = vector.broadcast %squeeze3A_413 : f32 to vector<16xf32>
        %ge3A_423 = arith.cmpf oge, %add3A_422, %ge3A : vector<16xf32>
        %gt3A_424 = arith.constant 0 : i32
        %gt3A_425 = vector.broadcast %gt3A_424 : i32 to vector<16xi32>
        %gt3A_426 = arith.cmpi sgt, %add3A_419, %gt3A_425 : vector<16xi32>
        %and3A_427 = arith.andi %ge3A_423, %gt3A_426 : vector<16xi1>
        %all_reduce_population_count3A = tpu.all_reduce %and3A_427 {dim = 0 : i64, kind = #tpu.reduction_kind<sum>} : vector<16xi1> -> vector<16xi32>
        %slice3A_428 = vector.extract_strided_slice %all_reduce_population_count3A {offsets = [0], sizes = [1], strides = [1]} : vector<16xi32> to vector<1xi32>
        %squeeze3A_429 = vector.extract %slice3A_428[0] : i32 from vector<1xi32>
        %swap3A_430 = arith.index_cast %scan3A_414 : i32 to index
        %swap3A_431 = tpu.vector_load %arg18[%swap3A_430] masked %and3A_427 {strides = array<i32>} : memref<144xi32, #tpu.memory_space<vmem>>, vector<16xi32>, vector<16xi1>
        tpu.vector_store %arg18[%swap3A_430], %add3A_419 masked %and3A_427 {strides = array<i32>} : memref<144xi32, #tpu.memory_space<vmem>>, vector<16xi32>, vector<16xi1>
        %add3A_432 = arith.addi %scan3A_414, %squeeze3A_429 : i32
        %scan3A_433 = arith.constant 1 : i32
        %mul3A_434 = arith.constant 16 : i32
        %mul3A_435 = arith.muli %scan3A_433, %mul3A_434 : i32
        %add3A_436 = vector.broadcast %mul3A_435 : i32 to vector<16xi32>
        %add3A_437 = arith.addi %add3A_436, %iota3A : vector<16xi32>
        %gather3A_438 = tpu.vector_load_idx %arg7[%broadcast_in_dim3A_81, %add3A_437] : memref<512x128xf32, #tpu.memory_space<vmem>>[vector<16xi32>, vector<16xi32>], vector<16xf32>,
        %add3A_439 = vector.broadcast %reduce_max3A_160 : f32 to vector<16xf32>
        %add3A_440 = arith.addf %gather3A_438, %add3A_439 : vector<16xf32>
        %ge3A_441 = vector.broadcast %squeeze3A_413 : f32 to vector<16xf32>
        %ge3A_442 = arith.cmpf oge, %add3A_440, %ge3A_441 : vector<16xf32>
        %gt3A_443 = arith.constant 0 : i32
        %gt3A_444 = vector.broadcast %gt3A_443 : i32 to vector<16xi32>
        %gt3A_445 = arith.cmpi sgt, %add3A_437, %gt3A_444 : vector<16xi32>
        %and3A_446 = arith.andi %ge3A_442, %gt3A_445 : vector<16xi1>
        %all_reduce_population_count3A_447 = tpu.all_reduce %and3A_446 {dim = 0 : i64, kind = #tpu.reduction_kind<sum>} : vector<16xi1> -> vector<16xi32>
        %slice3A_448 = vector.extract_strided_slice %all_reduce_population_count3A_447 {offsets = [0], sizes = [1], strides = [1]} : vector<16xi32> to vector<1xi32>
        %squeeze3A_449 = vector.extract %slice3A_448[0] : i32 from vector<1xi32>
        %swap3A_450 = arith.index_cast %add3A_432 : i32 to index
        %swap3A_451 = tpu.vector_load %arg18[%swap3A_450] masked %and3A_446 {strides = array<i32>} : memref<144xi32, #tpu.memory_space<vmem>>, vector<16xi32>, vector<16xi1>
        tpu.vector_store %arg18[%swap3A_450], %add3A_437 masked %and3A_446 {strides = array<i32>} : memref<144xi32, #tpu.memory_space<vmem>>, vector<16xi32>, vector<16xi1>
        %add3A_452 = arith.addi %add3A_432, %squeeze3A_449 : i32
        %scan3A_453 = arith.constant 2 : i32
        %mul3A_454 = arith.constant 16 : i32
        %mul3A_455 = arith.muli %scan3A_453, %mul3A_454 : i32
        %add3A_456 = vector.broadcast %mul3A_455 : i32 to vector<16xi32>
        %add3A_457 = arith.addi %add3A_456, %iota3A : vector<16xi32>
        %gather3A_458 = tpu.vector_load_idx %arg7[%broadcast_in_dim3A_81, %add3A_457] : memref<512x128xf32, #tpu.memory_space<vmem>>[vector<16xi32>, vector<16xi32>], vector<16xf32>,
        %add3A_459 = vector.broadcast %reduce_max3A_160 : f32 to vector<16xf32>
        %add3A_460 = arith.addf %gather3A_458, %add3A_459 : vector<16xf32>
        %ge3A_461 = vector.broadcast %squeeze3A_413 : f32 to vector<16xf32>
        %ge3A_462 = arith.cmpf oge, %add3A_460, %ge3A_461 : vector<16xf32>
        %gt3A_463 = arith.constant 0 : i32
        %gt3A_464 = vector.broadcast %gt3A_463 : i32 to vector<16xi32>
        %gt3A_465 = arith.cmpi sgt, %add3A_457, %gt3A_464 : vector<16xi32>
        %and3A_466 = arith.andi %ge3A_462, %gt3A_465 : vector<16xi1>
        %all_reduce_population_count3A_467 = tpu.all_reduce %and3A_466 {dim = 0 : i64, kind = #tpu.reduction_kind<sum>} : vector<16xi1> -> vector<16xi32>
        %slice3A_468 = vector.extract_strided_slice %all_reduce_population_count3A_467 {offsets = [0], sizes = [1], strides = [1]} : vector<16xi32> to vector<1xi32>
        %squeeze3A_469 = vector.extract %slice3A_468[0] : i32 from vector<1xi32>
        %swap3A_470 = arith.index_cast %add3A_452 : i32 to index
        %swap3A_471 = tpu.vector_load %arg18[%swap3A_470] masked %and3A_466 {strides = array<i32>} : memref<144xi32, #tpu.memory_space<vmem>>, vector<16xi32>, vector<16xi1>
        tpu.vector_store %arg18[%swap3A_470], %add3A_457 masked %and3A_466 {strides = array<i32>} : memref<144xi32, #tpu.memory_space<vmem>>, vector<16xi32>, vector<16xi1>
        %add3A_472 = arith.addi %add3A_452, %squeeze3A_469 : i32
        %scan3A_473 = arith.constant 3 : i32
        %mul3A_474 = arith.constant 16 : i32
        %mul3A_475 = arith.muli %scan3A_473, %mul3A_474 : i32
        %add3A_476 = vector.broadcast %mul3A_475 : i32 to vector<16xi32>
        %add3A_477 = arith.addi %add3A_476, %iota3A : vector<16xi32>
        %gather3A_478 = tpu.vector_load_idx %arg7[%broadcast_in_dim3A_81, %add3A_477] : memref<512x128xf32, #tpu.memory_space<vmem>>[vector<16xi32>, vector<16xi32>], vector<16xf32>,
        %add3A_479 = vector.broadcast %reduce_max3A_160 : f32 to vector<16xf32>
        %add3A_480 = arith.addf %gather3A_478, %add3A_479 : vector<16xf32>
        %ge3A_481 = vector.broadcast %squeeze3A_413 : f32 to vector<16xf32>
        %ge3A_482 = arith.cmpf oge, %add3A_480, %ge3A_481 : vector<16xf32>
        %gt3A_483 = arith.constant 0 : i32
        %gt3A_484 = vector.broadcast %gt3A_483 : i32 to vector<16xi32>
        %gt3A_485 = arith.cmpi sgt, %add3A_477, %gt3A_484 : vector<16xi32>
        %and3A_486 = arith.andi %ge3A_482, %gt3A_485 : vector<16xi1>
        %all_reduce_population_count3A_487 = tpu.all_reduce %and3A_486 {dim = 0 : i64, kind = #tpu.reduction_kind<sum>} : vector<16xi1> -> vector<16xi32>
        %slice3A_488 = vector.extract_strided_slice %all_reduce_population_count3A_487 {offsets = [0], sizes = [1], strides = [1]} : vector<16xi32> to vector<1xi32>
        %squeeze3A_489 = vector.extract %slice3A_488[0] : i32 from vector<1xi32>
        %swap3A_490 = arith.index_cast %add3A_472 : i32 to index
        %swap3A_491 = tpu.vector_load %arg18[%swap3A_490] masked %and3A_486 {strides = array<i32>} : memref<144xi32, #tpu.memory_space<vmem>>, vector<16xi32>, vector<16xi1>
        tpu.vector_store %arg18[%swap3A_490], %add3A_477 masked %and3A_486 {strides = array<i32>} : memref<144xi32, #tpu.memory_space<vmem>>, vector<16xi32>, vector<16xi1>
        %add3A_492 = arith.addi %add3A_472, %squeeze3A_489 : i32
        %scan3A_493 = arith.constant 4 : i32
        %mul3A_494 = arith.constant 16 : i32
        %mul3A_495 = arith.muli %scan3A_493, %mul3A_494 : i32
        %add3A_496 = vector.broadcast %mul3A_495 : i32 to vector<16xi32>
        %add3A_497 = arith.addi %add3A_496, %iota3A : vector<16xi32>
        %gather3A_498 = tpu.vector_load_idx %arg7[%broadcast_in_dim3A_81, %add3A_497] : memref<512x128xf32, #tpu.memory_space<vmem>>[vector<16xi32>, vector<16xi32>], vector<16xf32>,
        %add3A_499 = vector.broadcast %reduce_max3A_160 : f32 to vector<16xf32>
        %add3A_500 = arith.addf %gather3A_498, %add3A_499 : vector<16xf32>
        %ge3A_501 = vector.broadcast %squeeze3A_413 : f32 to vector<16xf32>
        %ge3A_502 = arith.cmpf oge, %add3A_500, %ge3A_501 : vector<16xf32>
        %gt3A_503 = arith.constant 0 : i32
        %gt3A_504 = vector.broadcast %gt3A_503 : i32 to vector<16xi32>
        %gt3A_505 = arith.cmpi sgt, %add3A_497, %gt3A_504 : vector<16xi32>
        %and3A_506 = arith.andi %ge3A_502, %gt3A_505 : vector<16xi1>
        %all_reduce_population_count3A_507 = tpu.all_reduce %and3A_506 {dim = 0 : i64, kind = #tpu.reduction_kind<sum>} : vector<16xi1> -> vector<16xi32>
        %slice3A_508 = vector.extract_strided_slice %all_reduce_population_count3A_507 {offsets = [0], sizes = [1], strides = [1]} : vector<16xi32> to vector<1xi32>
        %squeeze3A_509 = vector.extract %slice3A_508[0] : i32 from vector<1xi32>
        %swap3A_510 = arith.index_cast %add3A_492 : i32 to index
        %swap3A_511 = tpu.vector_load %arg18[%swap3A_510] masked %and3A_506 {strides = array<i32>} : memref<144xi32, #tpu.memory_space<vmem>>, vector<16xi32>, vector<16xi1>
        tpu.vector_store %arg18[%swap3A_510], %add3A_497 masked %and3A_506 {strides = array<i32>} : memref<144xi32, #tpu.memory_space<vmem>>, vector<16xi32>, vector<16xi1>
        %add3A_512 = arith.addi %add3A_492, %squeeze3A_509 : i32
        %scan3A_513 = arith.constant 5 : i32
        %mul3A_514 = arith.constant 16 : i32
        %mul3A_515 = arith.muli %scan3A_513, %mul3A_514 : i32
        %add3A_516 = vector.broadcast %mul3A_515 : i32 to vector<16xi32>
        %add3A_517 = arith.addi %add3A_516, %iota3A : vector<16xi32>
        %gather3A_518 = tpu.vector_load_idx %arg7[%broadcast_in_dim3A_81, %add3A_517] : memref<512x128xf32, #tpu.memory_space<vmem>>[vector<16xi32>, vector<16xi32>], vector<16xf32>,
        %add3A_519 = vector.broadcast %reduce_max3A_160 : f32 to vector<16xf32>
        %add3A_520 = arith.addf %gather3A_518, %add3A_519 : vector<16xf32>
        %ge3A_521 = vector.broadcast %squeeze3A_413 : f32 to vector<16xf32>
        %ge3A_522 = arith.cmpf oge, %add3A_520, %ge3A_521 : vector<16xf32>
        %gt3A_523 = arith.constant 0 : i32
        %gt3A_524 = vector.broadcast %gt3A_523 : i32 to vector<16xi32>
        %gt3A_525 = arith.cmpi sgt, %add3A_517, %gt3A_524 : vector<16xi32>
        %and3A_526 = arith.andi %ge3A_522, %gt3A_525 : vector<16xi1>
        %all_reduce_population_count3A_527 = tpu.all_reduce %and3A_526 {dim = 0 : i64, kind = #tpu.reduction_kind<sum>} : vector<16xi1> -> vector<16xi32>
        %slice3A_528 = vector.extract_strided_slice %all_reduce_population_count3A_527 {offsets = [0], sizes = [1], strides = [1]} : vector<16xi32> to vector<1xi32>
        %squeeze3A_529 = vector.extract %slice3A_528[0] : i32 from vector<1xi32>
        %swap3A_530 = arith.index_cast %add3A_512 : i32 to index
        %swap3A_531 = tpu.vector_load %arg18[%swap3A_530] masked %and3A_526 {strides = array<i32>} : memref<144xi32, #tpu.memory_space<vmem>>, vector<16xi32>, vector<16xi1>
        tpu.vector_store %arg18[%swap3A_530], %add3A_517 masked %and3A_526 {strides = array<i32>} : memref<144xi32, #tpu.memory_space<vmem>>, vector<16xi32>, vector<16xi1>
        %add3A_532 = arith.addi %add3A_512, %squeeze3A_529 : i32
        %scan3A_533 = arith.constant 6 : i32
        %mul3A_534 = arith.constant 16 : i32
        %mul3A_535 = arith.muli %scan3A_533, %mul3A_534 : i32
        %add3A_536 = vector.broadcast %mul3A_535 : i32 to vector<16xi32>
        %add3A_537 = arith.addi %add3A_536, %iota3A : vector<16xi32>
        %gather3A_538 = tpu.vector_load_idx %arg7[%broadcast_in_dim3A_81, %add3A_537] : memref<512x128xf32, #tpu.memory_space<vmem>>[vector<16xi32>, vector<16xi32>], vector<16xf32>,
        %add3A_539 = vector.broadcast %reduce_max3A_160 : f32 to vector<16xf32>
        %add3A_540 = arith.addf %gather3A_538, %add3A_539 : vector<16xf32>
        %ge3A_541 = vector.broadcast %squeeze3A_413 : f32 to vector<16xf32>
        %ge3A_542 = arith.cmpf oge, %add3A_540, %ge3A_541 : vector<16xf32>
        %gt3A_543 = arith.constant 0 : i32
        %gt3A_544 = vector.broadcast %gt3A_543 : i32 to vector<16xi32>
        %gt3A_545 = arith.cmpi sgt, %add3A_537, %gt3A_544 : vector<16xi32>
        %and3A_546 = arith.andi %ge3A_542, %gt3A_545 : vector<16xi1>
        %all_reduce_population_count3A_547 = tpu.all_reduce %and3A_546 {dim = 0 : i64, kind = #tpu.reduction_kind<sum>} : vector<16xi1> -> vector<16xi32>
        %slice3A_548 = vector.extract_strided_slice %all_reduce_population_count3A_547 {offsets = [0], sizes = [1], strides = [1]} : vector<16xi32> to vector<1xi32>
        %squeeze3A_549 = vector.extract %slice3A_548[0] : i32 from vector<1xi32>
        %swap3A_550 = arith.index_cast %add3A_532 : i32 to index
        %swap3A_551 = tpu.vector_load %arg18[%swap3A_550] masked %and3A_546 {strides = array<i32>} : memref<144xi32, #tpu.memory_space<vmem>>, vector<16xi32>, vector<16xi1>
        tpu.vector_store %arg18[%swap3A_550], %add3A_537 masked %and3A_546 {strides = array<i32>} : memref<144xi32, #tpu.memory_space<vmem>>, vector<16xi32>, vector<16xi1>
        %add3A_552 = arith.addi %add3A_532, %squeeze3A_549 : i32
        %scan3A_553 = arith.constant 7 : i32
        %mul3A_554 = arith.constant 16 : i32
        %mul3A_555 = arith.muli %scan3A_553, %mul3A_554 : i32
        %add3A_556 = vector.broadcast %mul3A_555 : i32 to vector<16xi32>
        %add3A_557 = arith.addi %add3A_556, %iota3A : vector<16xi32>
        %gather3A_558 = tpu.vector_load_idx %arg7[%broadcast_in_dim3A_81, %add3A_557] : memref<512x128xf32, #tpu.memory_space<vmem>>[vector<16xi32>, vector<16xi32>], vector<16xf32>,
        %add3A_559 = vector.broadcast %reduce_max3A_160 : f32 to vector<16xf32>
        %add3A_560 = arith.addf %gather3A_558, %add3A_559 : vector<16xf32>
        %ge3A_561 = vector.broadcast %squeeze3A_413 : f32 to vector<16xf32>
        %ge3A_562 = arith.cmpf oge, %add3A_560, %ge3A_561 : vector<16xf32>
        %gt3A_563 = arith.constant 0 : i32
        %gt3A_564 = vector.broadcast %gt3A_563 : i32 to vector<16xi32>
        %gt3A_565 = arith.cmpi sgt, %add3A_557, %gt3A_564 : vector<16xi32>
        %and3A_566 = arith.andi %ge3A_562, %gt3A_565 : vector<16xi1>
        %all_reduce_population_count3A_567 = tpu.all_reduce %and3A_566 {dim = 0 : i64, kind = #tpu.reduction_kind<sum>} : vector<16xi1> -> vector<16xi32>
        %slice3A_568 = vector.extract_strided_slice %all_reduce_population_count3A_567 {offsets = [0], sizes = [1], strides = [1]} : vector<16xi32> to vector<1xi32>
        %squeeze3A_569 = vector.extract %slice3A_568[0] : i32 from vector<1xi32>
        %swap3A_570 = arith.index_cast %add3A_552 : i32 to index
        %swap3A_571 = tpu.vector_load %arg18[%swap3A_570] masked %and3A_566 {strides = array<i32>} : memref<144xi32, #tpu.memory_space<vmem>>, vector<16xi32>, vector<16xi1>
        tpu.vector_store %arg18[%swap3A_570], %add3A_557 masked %and3A_566 {strides = array<i32>} : memref<144xi32, #tpu.memory_space<vmem>>, vector<16xi32>, vector<16xi1>
        %add3A_572 = arith.addi %add3A_552, %squeeze3A_569 : i32
        %scan3A_573 = arith.constant 8 : i32
        %while3A_574 = arith.constant 0 : i32
        %while3A_575 = arith.constant 0 : i32
        %while3A_576 = arith.subi %add3A_572, %while3A_574 : i32
        %while3A_577 = arith.addi %while3A_574, %while3A_576 : i32
        %while3A_578 = arith.constant 1 : i32
        %while3A_579 = arith.divsi %while3A_576, %while3A_578 : i32
        %while3A_580 = arith.muli %while3A_579, %while3A_578 : i32
        %while3A_581 = arith.addi %while3A_574, %while3A_580 : i32
        %while3A_582 = arith.constant 1 : i32
        %while3A_583 = scf.for %while3A_859 = %while3A_574 to %while3A_581 step %while3A_582 iter_args(%while3A_860 = %while3A_575) -> (i32)  : i32 {
          %broadcast_in_dim3A_861 = vector.broadcast %while3A_859 : i32 to vector<16xi32>
          %gather3A_862 = tpu.vector_load_idx %arg18[%broadcast_in_dim3A_861] : memref<144xi32, #tpu.memory_space<vmem>>[vector<16xi32>], vector<16xi32>,
          %gather3A_863 = tpu.vector_load_idx %arg7[%broadcast_in_dim3A_81, %gather3A_862] : memref<512x128xf32, #tpu.memory_space<vmem>>[vector<16xi32>, vector<16xi32>], vector<16xf32>,
          %eq3A_864 = arith.cmpi eq, %while3A_79, %gather3A_862 : vector<16xi32>
          %select_n3A_865 = arith.select %eq3A_864, %while3A_75, %while3A_77 : vector<16xi1>, vector<16xf32>
          %add3A_866 = arith.addf %select_n3A_865, %gather3A_863 : vector<16xf32>
          %ge3A_867 = vector.broadcast %squeeze3A_413 : f32 to vector<16xf32>
          %ge3A_868 = arith.cmpf oge, %add3A_866, %ge3A_867 : vector<16xf32>
          %ne3A_869 = arith.cmpi ne, %iota3A, %all_reduce_ffs3A_163 : vector<16xi32>
          %eq3A_870 = arith.cmpi eq, %gather3A_862, %gather3A_164 : vector<16xi32>
          %or3A_871 = arith.ori %ne3A_869, %eq3A_870 : vector<16xi1>
          %and3A_872 = arith.andi %ge3A_868, %or3A_871 : vector<16xi1>
          %select_n3A_873 = arith.select %and3A_872, %add3A_866, %broadcast_in_dim3A_3 : vector<16xi1>, vector<16xf32>
          %mul3A_874 = arith.constant 16 : i32
          %mul3A_875 = arith.muli %while3A_859, %mul3A_874 : i32
          %swap3A_876 = arith.index_cast %mul3A_875 : i32 to index
          %swap3A_877 = tpu.vector_load %arg9[%swap3A_876] {strides = array<i32>} : memref<2080xf32, #tpu.memory_space<vmem>>, vector<16xf32>,
          tpu.vector_store %arg9[%swap3A_876], %select_n3A_873 {strides = array<i32>} : memref<2080xf32, #tpu.memory_space<vmem>>, vector<16xf32>,
          %mul3A_878 = arith.constant 4097 : i32
          %mul3A_879 = vector.broadcast %mul3A_878 : i32 to vector<16xi32>
          %mul3A_880 = arith.muli %gather3A_862, %mul3A_879 : vector<16xi32>
          %add3A_881 = arith.addi %add3A_156, %mul3A_880 : vector<16xi32>
          %mul3A_882 = arith.constant 16 : i32
          %mul3A_883 = arith.muli %while3A_859, %mul3A_882 : i32
          %swap3A_884 = arith.index_cast %mul3A_883 : i32 to index
          %swap3A_885 = tpu.vector_load %arg10[%swap3A_884] {strides = array<i32>} : memref<2080xi32, #tpu.memory_space<vmem>>, vector<16xi32>,
          tpu.vector_store %arg10[%swap3A_884], %add3A_881 {strides = array<i32>} : memref<2080xi32, #tpu.memory_space<vmem>>, vector<16xi32>,
          %while3A_886 = arith.constant 0 : i32
          scf.yield %while3A_886 : i32
        }
        %while3A_584 = arith.constant 1 : i32
        %while3A_585 = scf.for %while3A_859 = %while3A_581 to %while3A_577 step %while3A_584 iter_args(%while3A_860 = %while3A_583) -> (i32)  : i32 {
          %broadcast_in_dim3A_861 = vector.broadcast %while3A_859 : i32 to vector<16xi32>
          %gather3A_862 = tpu.vector_load_idx %arg18[%broadcast_in_dim3A_861] : memref<144xi32, #tpu.memory_space<vmem>>[vector<16xi32>], vector<16xi32>,
          %gather3A_863 = tpu.vector_load_idx %arg7[%broadcast_in_dim3A_81, %gather3A_862] : memref<512x128xf32, #tpu.memory_space<vmem>>[vector<16xi32>, vector<16xi32>], vector<16xf32>,
          %eq3A_864 = arith.cmpi eq, %while3A_79, %gather3A_862 : vector<16xi32>
          %select_n3A_865 = arith.select %eq3A_864, %while3A_75, %while3A_77 : vector<16xi1>, vector<16xf32>
          %add3A_866 = arith.addf %select_n3A_865, %gather3A_863 : vector<16xf32>
          %ge3A_867 = vector.broadcast %squeeze3A_413 : f32 to vector<16xf32>
          %ge3A_868 = arith.cmpf oge, %add3A_866, %ge3A_867 : vector<16xf32>
          %ne3A_869 = arith.cmpi ne, %iota3A, %all_reduce_ffs3A_163 : vector<16xi32>
          %eq3A_870 = arith.cmpi eq, %gather3A_862, %gather3A_164 : vector<16xi32>
          %or3A_871 = arith.ori %ne3A_869, %eq3A_870 : vector<16xi1>
          %and3A_872 = arith.andi %ge3A_868, %or3A_871 : vector<16xi1>
          %select_n3A_873 = arith.select %and3A_872, %add3A_866, %broadcast_in_dim3A_3 : vector<16xi1>, vector<16xf32>
          %mul3A_874 = arith.constant 16 : i32
          %mul3A_875 = arith.muli %while3A_859, %mul3A_874 : i32
          %swap3A_876 = arith.index_cast %mul3A_875 : i32 to index
          %swap3A_877 = tpu.vector_load %arg9[%swap3A_876] {strides = array<i32>} : memref<2080xf32, #tpu.memory_space<vmem>>, vector<16xf32>,
          tpu.vector_store %arg9[%swap3A_876], %select_n3A_873 {strides = array<i32>} : memref<2080xf32, #tpu.memory_space<vmem>>, vector<16xf32>,
          %mul3A_878 = arith.constant 4097 : i32
          %mul3A_879 = vector.broadcast %mul3A_878 : i32 to vector<16xi32>
          %mul3A_880 = arith.muli %gather3A_862, %mul3A_879 : vector<16xi32>
          %add3A_881 = arith.addi %add3A_156, %mul3A_880 : vector<16xi32>
          %mul3A_882 = arith.constant 16 : i32
          %mul3A_883 = arith.muli %while3A_859, %mul3A_882 : i32
          %swap3A_884 = arith.index_cast %mul3A_883 : i32 to index
          %swap3A_885 = tpu.vector_load %arg10[%swap3A_884] {strides = array<i32>} : memref<2080xi32, #tpu.memory_space<vmem>>, vector<16xi32>,
          tpu.vector_store %arg10[%swap3A_884], %add3A_881 {strides = array<i32>} : memref<2080xi32, #tpu.memory_space<vmem>>, vector<16xi32>,
          %while3A_886 = arith.constant 0 : i32
          scf.yield %while3A_886 : i32
        }
        %while3A_586 = arith.constant 0 : i32
        %while3A_587 = arith.subi %add3A_572, %while3A_586 : i32
        %while3A_588 = arith.addi %while3A_586, %while3A_587 : i32
        %while3A_589 = arith.constant 1 : i32
        %while3A_590 = arith.divsi %while3A_587, %while3A_589 : i32
        %while3A_591 = arith.muli %while3A_590, %while3A_589 : i32
        %while3A_592 = arith.addi %while3A_586, %while3A_591 : i32
        %while3A_593 = arith.constant 1 : i32
        %while3A_594:2 = scf.for %while3A_859 = %while3A_586 to %while3A_592 step %while3A_593 iter_args(%while3A_860 = %masked_sort3A_409, %while3A_861 = %masked_sort3A_410) -> (vector<16xf32>, vector<16xi32>)  : i32 {
          %mul3A_862 = arith.constant 16 : i32
          %mul3A_863 = arith.muli %while3A_859, %mul3A_862 : i32
          %get3A_864 = arith.index_cast %mul3A_863 : i32 to index
          %get3A_865 = tpu.vector_load %arg9[%get3A_864] {strides = array<i32>} : memref<2080xf32, #tpu.memory_space<vmem>>, vector<16xf32>,
          %get3A_866 = arith.index_cast %mul3A_863 : i32 to index
          %get3A_867 = tpu.vector_load %arg10[%get3A_866] {strides = array<i32>} : memref<2080xi32, #tpu.memory_space<vmem>>, vector<16xi32>,
          %masked_sort3A_868 = arith.constant dense<true> : vector<16xi1>
          %masked_sort3A_869, %masked_sort3A_870, %masked_sort3A_871 = tpu.sort %get3A_865, %get3A_867 masked %masked_sort3A_868 {descending = true} : (vector<16xf32>, vector<16xi32>, vector<16xi1>) -> (vector<16xi1>, vector<16xf32>, vector<16xi32>)
          %gt3A_872 = arith.cmpf ogt, %masked_sort3A_870, %while3A_860 : vector<16xf32>
          %select_n3A_873 = arith.select %gt3A_872, %masked_sort3A_870, %while3A_860 : vector<16xi1>, vector<16xf32>
          %select_n3A_874 = arith.select %gt3A_872, %masked_sort3A_871, %while3A_861 : vector<16xi1>, vector<16xi32>
          %masked_sort3A_875 = arith.constant dense<true> : vector<16xi1>
          %masked_sort3A_876, %masked_sort3A_877, %masked_sort3A_878 = tpu.sort %select_n3A_873, %select_n3A_874 masked %masked_sort3A_875 : (vector<16xf32>, vector<16xi32>, vector<16xi1>) -> (vector<16xi1>, vector<16xf32>, vector<16xi32>)
          scf.yield %masked_sort3A_877, %masked_sort3A_878 : vector<16xf32>, vector<16xi32>
        }
        %while3A_595 = arith.constant 1 : i32
        %while3A_596:2 = scf.for %while3A_859 = %while3A_592 to %while3A_588 step %while3A_595 iter_args(%while3A_860 = %while3A_594#0, %while3A_861 = %while3A_594#1) -> (vector<16xf32>, vector<16xi32>)  : i32 {
          %mul3A_862 = arith.constant 16 : i32
          %mul3A_863 = arith.muli %while3A_859, %mul3A_862 : i32
          %get3A_864 = arith.index_cast %mul3A_863 : i32 to index
          %get3A_865 = tpu.vector_load %arg9[%get3A_864] {strides = array<i32>} : memref<2080xf32, #tpu.memory_space<vmem>>, vector<16xf32>,
          %get3A_866 = arith.index_cast %mul3A_863 : i32 to index
          %get3A_867 = tpu.vector_load %arg10[%get3A_866] {strides = array<i32>} : memref<2080xi32, #tpu.memory_space<vmem>>, vector<16xi32>,
          %masked_sort3A_868 = arith.constant dense<true> : vector<16xi1>
          %masked_sort3A_869, %masked_sort3A_870, %masked_sort3A_871 = tpu.sort %get3A_865, %get3A_867 masked %masked_sort3A_868 {descending = true} : (vector<16xf32>, vector<16xi32>, vector<16xi1>) -> (vector<16xi1>, vector<16xf32>, vector<16xi32>)
          %gt3A_872 = arith.cmpf ogt, %masked_sort3A_870, %while3A_860 : vector<16xf32>
          %select_n3A_873 = arith.select %gt3A_872, %masked_sort3A_870, %while3A_860 : vector<16xi1>, vector<16xf32>
          %select_n3A_874 = arith.select %gt3A_872, %masked_sort3A_871, %while3A_861 : vector<16xi1>, vector<16xi32>
          %masked_sort3A_875 = arith.constant dense<true> : vector<16xi1>
          %masked_sort3A_876, %masked_sort3A_877, %masked_sort3A_878 = tpu.sort %select_n3A_873, %select_n3A_874 masked %masked_sort3A_875 : (vector<16xf32>, vector<16xi32>, vector<16xi1>) -> (vector<16xi1>, vector<16xf32>, vector<16xi32>)
          scf.yield %masked_sort3A_877, %masked_sort3A_878 : vector<16xf32>, vector<16xi32>
        }
        %slice3A_597 = vector.extract_strided_slice %while3A_596#0 {offsets = [0], sizes = [1], strides = [1]} : vector<16xf32> to vector<1xf32>
        %squeeze3A_598 = vector.extract %slice3A_597[0] : f32 from vector<1xf32>
        %eq3A_599 = vector.broadcast %squeeze3A_598 : f32 to vector<16xf32>
        %eq3A_600 = arith.cmpf oeq, %while3A_596#0, %eq3A_599 : vector<16xf32>
        %all_reduce_population_count3A_601 = tpu.all_reduce %eq3A_600 {dim = 0 : i64, kind = #tpu.reduction_kind<sum>} : vector<16xi1> -> vector<16xi32>
        %slice3A_602 = vector.extract_strided_slice %all_reduce_population_count3A_601 {offsets = [0], sizes = [1], strides = [1]} : vector<16xi32> to vector<1xi32>
        %squeeze3A_603 = vector.extract %slice3A_602[0] : i32 from vector<1xi32>
        %eq3A_604 = vector.broadcast %squeeze3A_598 : f32 to vector<16xf32>
        %eq3A_605 = arith.cmpf oeq, %add3A_123, %eq3A_604 : vector<16xf32>
        %all_reduce_population_count3A_606 = tpu.all_reduce %eq3A_605 {dim = 0 : i64, kind = #tpu.reduction_kind<sum>} : vector<16xi1> -> vector<16xi32>
        %slice3A_607 = vector.extract_strided_slice %all_reduce_population_count3A_606 {offsets = [0], sizes = [1], strides = [1]} : vector<16xi32> to vector<1xi32>
        %squeeze3A_608 = vector.extract %slice3A_607[0] : i32 from vector<1xi32>
        %scan3A_609 = arith.constant 0 : i32
        %mul3A_610 = arith.constant 16 : i32
        %mul3A_611 = arith.muli %scan3A_609, %mul3A_610 : i32
        %add3A_612 = vector.broadcast %mul3A_611 : i32 to vector<16xi32>
        %add3A_613 = arith.addi %add3A_612, %iota3A : vector<16xi32>
        %gather3A_614 = tpu.vector_load_idx %arg7[%broadcast_in_dim3A_81, %add3A_613] : memref<512x128xf32, #tpu.memory_space<vmem>>[vector<16xi32>, vector<16xi32>], vector<16xf32>,
        %add3A_615 = vector.broadcast %reduce_max3A_160 : f32 to vector<16xf32>
        %add3A_616 = arith.addf %add3A_615, %gather3A_614 : vector<16xf32>
        %eq3A_617 = vector.broadcast %squeeze3A_598 : f32 to vector<16xf32>
        %eq3A_618 = arith.cmpf oeq, %add3A_616, %eq3A_617 : vector<16xf32>
        %ne3A_619 = arith.constant 0 : i32
        %ne3A_620 = vector.broadcast %ne3A_619 : i32 to vector<16xi32>
        %ne3A_621 = arith.cmpi ne, %add3A_613, %ne3A_620 : vector<16xi32>
        %and3A_622 = arith.andi %eq3A_618, %ne3A_621 : vector<16xi1>
        %ne3A_623 = arith.cmpi ne, %add3A_613, %gather3A_164 : vector<16xi32>
        %and3A_624 = arith.andi %and3A_622, %ne3A_623 : vector<16xi1>
        %all_reduce_population_count3A_625 = tpu.all_reduce %and3A_624 {dim = 0 : i64, kind = #tpu.reduction_kind<sum>} : vector<16xi1> -> vector<16xi32>
        %slice3A_626 = vector.extract_strided_slice %all_reduce_population_count3A_625 {offsets = [0], sizes = [1], strides = [1]} : vector<16xi32> to vector<1xi32>
        %squeeze3A_627 = vector.extract %slice3A_626[0] : i32 from vector<1xi32>
        %add3A_628 = arith.addi %squeeze3A_608, %squeeze3A_627 : i32
        %scan3A_629 = arith.constant 1 : i32
        %mul3A_630 = arith.constant 16 : i32
        %mul3A_631 = arith.muli %scan3A_629, %mul3A_630 : i32
        %add3A_632 = vector.broadcast %mul3A_631 : i32 to vector<16xi32>
        %add3A_633 = arith.addi %add3A_632, %iota3A : vector<16xi32>
        %gather3A_634 = tpu.vector_load_idx %arg7[%broadcast_in_dim3A_81, %add3A_633] : memref<512x128xf32, #tpu.memory_space<vmem>>[vector<16xi32>, vector<16xi32>], vector<16xf32>,
        %add3A_635 = vector.broadcast %reduce_max3A_160 : f32 to vector<16xf32>
        %add3A_636 = arith.addf %add3A_635, %gather3A_634 : vector<16xf32>
        %eq3A_637 = vector.broadcast %squeeze3A_598 : f32 to vector<16xf32>
        %eq3A_638 = arith.cmpf oeq, %add3A_636, %eq3A_637 : vector<16xf32>
        %ne3A_639 = arith.constant 0 : i32
        %ne3A_640 = vector.broadcast %ne3A_639 : i32 to vector<16xi32>
        %ne3A_641 = arith.cmpi ne, %add3A_633, %ne3A_640 : vector<16xi32>
        %and3A_642 = arith.andi %eq3A_638, %ne3A_641 : vector<16xi1>
        %ne3A_643 = arith.cmpi ne, %add3A_633, %gather3A_164 : vector<16xi32>
        %and3A_644 = arith.andi %and3A_642, %ne3A_643 : vector<16xi1>
        %all_reduce_population_count3A_645 = tpu.all_reduce %and3A_644 {dim = 0 : i64, kind = #tpu.reduction_kind<sum>} : vector<16xi1> -> vector<16xi32>
        %slice3A_646 = vector.extract_strided_slice %all_reduce_population_count3A_645 {offsets = [0], sizes = [1], strides = [1]} : vector<16xi32> to vector<1xi32>
        %squeeze3A_647 = vector.extract %slice3A_646[0] : i32 from vector<1xi32>
        %add3A_648 = arith.addi %add3A_628, %squeeze3A_647 : i32
        %scan3A_649 = arith.constant 2 : i32
        %mul3A_650 = arith.constant 16 : i32
        %mul3A_651 = arith.muli %scan3A_649, %mul3A_650 : i32
        %add3A_652 = vector.broadcast %mul3A_651 : i32 to vector<16xi32>
        %add3A_653 = arith.addi %add3A_652, %iota3A : vector<16xi32>
        %gather3A_654 = tpu.vector_load_idx %arg7[%broadcast_in_dim3A_81, %add3A_653] : memref<512x128xf32, #tpu.memory_space<vmem>>[vector<16xi32>, vector<16xi32>], vector<16xf32>,
        %add3A_655 = vector.broadcast %reduce_max3A_160 : f32 to vector<16xf32>
        %add3A_656 = arith.addf %add3A_655, %gather3A_654 : vector<16xf32>
        %eq3A_657 = vector.broadcast %squeeze3A_598 : f32 to vector<16xf32>
        %eq3A_658 = arith.cmpf oeq, %add3A_656, %eq3A_657 : vector<16xf32>
        %ne3A_659 = arith.constant 0 : i32
        %ne3A_660 = vector.broadcast %ne3A_659 : i32 to vector<16xi32>
        %ne3A_661 = arith.cmpi ne, %add3A_653, %ne3A_660 : vector<16xi32>
        %and3A_662 = arith.andi %eq3A_658, %ne3A_661 : vector<16xi1>
        %ne3A_663 = arith.cmpi ne, %add3A_653, %gather3A_164 : vector<16xi32>
        %and3A_664 = arith.andi %and3A_662, %ne3A_663 : vector<16xi1>
        %all_reduce_population_count3A_665 = tpu.all_reduce %and3A_664 {dim = 0 : i64, kind = #tpu.reduction_kind<sum>} : vector<16xi1> -> vector<16xi32>
        %slice3A_666 = vector.extract_strided_slice %all_reduce_population_count3A_665 {offsets = [0], sizes = [1], strides = [1]} : vector<16xi32> to vector<1xi32>
        %squeeze3A_667 = vector.extract %slice3A_666[0] : i32 from vector<1xi32>
        %add3A_668 = arith.addi %add3A_648, %squeeze3A_667 : i32
        %scan3A_669 = arith.constant 3 : i32
        %mul3A_670 = arith.constant 16 : i32
        %mul3A_671 = arith.muli %scan3A_669, %mul3A_670 : i32
        %add3A_672 = vector.broadcast %mul3A_671 : i32 to vector<16xi32>
        %add3A_673 = arith.addi %add3A_672, %iota3A : vector<16xi32>
        %gather3A_674 = tpu.vector_load_idx %arg7[%broadcast_in_dim3A_81, %add3A_673] : memref<512x128xf32, #tpu.memory_space<vmem>>[vector<16xi32>, vector<16xi32>], vector<16xf32>,
        %add3A_675 = vector.broadcast %reduce_max3A_160 : f32 to vector<16xf32>
        %add3A_676 = arith.addf %add3A_675, %gather3A_674 : vector<16xf32>
        %eq3A_677 = vector.broadcast %squeeze3A_598 : f32 to vector<16xf32>
        %eq3A_678 = arith.cmpf oeq, %add3A_676, %eq3A_677 : vector<16xf32>
        %ne3A_679 = arith.constant 0 : i32
        %ne3A_680 = vector.broadcast %ne3A_679 : i32 to vector<16xi32>
        %ne3A_681 = arith.cmpi ne, %add3A_673, %ne3A_680 : vector<16xi32>
        %and3A_682 = arith.andi %eq3A_678, %ne3A_681 : vector<16xi1>
        %ne3A_683 = arith.cmpi ne, %add3A_673, %gather3A_164 : vector<16xi32>
        %and3A_684 = arith.andi %and3A_682, %ne3A_683 : vector<16xi1>
        %all_reduce_population_count3A_685 = tpu.all_reduce %and3A_684 {dim = 0 : i64, kind = #tpu.reduction_kind<sum>} : vector<16xi1> -> vector<16xi32>
        %slice3A_686 = vector.extract_strided_slice %all_reduce_population_count3A_685 {offsets = [0], sizes = [1], strides = [1]} : vector<16xi32> to vector<1xi32>
        %squeeze3A_687 = vector.extract %slice3A_686[0] : i32 from vector<1xi32>
        %add3A_688 = arith.addi %add3A_668, %squeeze3A_687 : i32
        %scan3A_689 = arith.constant 4 : i32
        %mul3A_690 = arith.constant 16 : i32
        %mul3A_691 = arith.muli %scan3A_689, %mul3A_690 : i32
        %add3A_692 = vector.broadcast %mul3A_691 : i32 to vector<16xi32>
        %add3A_693 = arith.addi %add3A_692, %iota3A : vector<16xi32>
        %gather3A_694 = tpu.vector_load_idx %arg7[%broadcast_in_dim3A_81, %add3A_693] : memref<512x128xf32, #tpu.memory_space<vmem>>[vector<16xi32>, vector<16xi32>], vector<16xf32>,
        %add3A_695 = vector.broadcast %reduce_max3A_160 : f32 to vector<16xf32>
        %add3A_696 = arith.addf %add3A_695, %gather3A_694 : vector<16xf32>
        %eq3A_697 = vector.broadcast %squeeze3A_598 : f32 to vector<16xf32>
        %eq3A_698 = arith.cmpf oeq, %add3A_696, %eq3A_697 : vector<16xf32>
        %ne3A_699 = arith.constant 0 : i32
        %ne3A_700 = vector.broadcast %ne3A_699 : i32 to vector<16xi32>
        %ne3A_701 = arith.cmpi ne, %add3A_693, %ne3A_700 : vector<16xi32>
        %and3A_702 = arith.andi %eq3A_698, %ne3A_701 : vector<16xi1>
        %ne3A_703 = arith.cmpi ne, %add3A_693, %gather3A_164 : vector<16xi32>
        %and3A_704 = arith.andi %and3A_702, %ne3A_703 : vector<16xi1>
        %all_reduce_population_count3A_705 = tpu.all_reduce %and3A_704 {dim = 0 : i64, kind = #tpu.reduction_kind<sum>} : vector<16xi1> -> vector<16xi32>
        %slice3A_706 = vector.extract_strided_slice %all_reduce_population_count3A_705 {offsets = [0], sizes = [1], strides = [1]} : vector<16xi32> to vector<1xi32>
        %squeeze3A_707 = vector.extract %slice3A_706[0] : i32 from vector<1xi32>
        %add3A_708 = arith.addi %add3A_688, %squeeze3A_707 : i32
        %scan3A_709 = arith.constant 5 : i32
        %mul3A_710 = arith.constant 16 : i32
        %mul3A_711 = arith.muli %scan3A_709, %mul3A_710 : i32
        %add3A_712 = vector.broadcast %mul3A_711 : i32 to vector<16xi32>
        %add3A_713 = arith.addi %add3A_712, %iota3A : vector<16xi32>
        %gather3A_714 = tpu.vector_load_idx %arg7[%broadcast_in_dim3A_81, %add3A_713] : memref<512x128xf32, #tpu.memory_space<vmem>>[vector<16xi32>, vector<16xi32>], vector<16xf32>,
        %add3A_715 = vector.broadcast %reduce_max3A_160 : f32 to vector<16xf32>
        %add3A_716 = arith.addf %add3A_715, %gather3A_714 : vector<16xf32>
        %eq3A_717 = vector.broadcast %squeeze3A_598 : f32 to vector<16xf32>
        %eq3A_718 = arith.cmpf oeq, %add3A_716, %eq3A_717 : vector<16xf32>
        %ne3A_719 = arith.constant 0 : i32
        %ne3A_720 = vector.broadcast %ne3A_719 : i32 to vector<16xi32>
        %ne3A_721 = arith.cmpi ne, %add3A_713, %ne3A_720 : vector<16xi32>
        %and3A_722 = arith.andi %eq3A_718, %ne3A_721 : vector<16xi1>
        %ne3A_723 = arith.cmpi ne, %add3A_713, %gather3A_164 : vector<16xi32>
        %and3A_724 = arith.andi %and3A_722, %ne3A_723 : vector<16xi1>
        %all_reduce_population_count3A_725 = tpu.all_reduce %and3A_724 {dim = 0 : i64, kind = #tpu.reduction_kind<sum>} : vector<16xi1> -> vector<16xi32>
        %slice3A_726 = vector.extract_strided_slice %all_reduce_population_count3A_725 {offsets = [0], sizes = [1], strides = [1]} : vector<16xi32> to vector<1xi32>
        %squeeze3A_727 = vector.extract %slice3A_726[0] : i32 from vector<1xi32>
        %add3A_728 = arith.addi %add3A_708, %squeeze3A_727 : i32
        %scan3A_729 = arith.constant 6 : i32
        %mul3A_730 = arith.constant 16 : i32
        %mul3A_731 = arith.muli %scan3A_729, %mul3A_730 : i32
        %add3A_732 = vector.broadcast %mul3A_731 : i32 to vector<16xi32>
        %add3A_733 = arith.addi %add3A_732, %iota3A : vector<16xi32>
        %gather3A_734 = tpu.vector_load_idx %arg7[%broadcast_in_dim3A_81, %add3A_733] : memref<512x128xf32, #tpu.memory_space<vmem>>[vector<16xi32>, vector<16xi32>], vector<16xf32>,
        %add3A_735 = vector.broadcast %reduce_max3A_160 : f32 to vector<16xf32>
        %add3A_736 = arith.addf %add3A_735, %gather3A_734 : vector<16xf32>
        %eq3A_737 = vector.broadcast %squeeze3A_598 : f32 to vector<16xf32>
        %eq3A_738 = arith.cmpf oeq, %add3A_736, %eq3A_737 : vector<16xf32>
        %ne3A_739 = arith.constant 0 : i32
        %ne3A_740 = vector.broadcast %ne3A_739 : i32 to vector<16xi32>
        %ne3A_741 = arith.cmpi ne, %add3A_733, %ne3A_740 : vector<16xi32>
        %and3A_742 = arith.andi %eq3A_738, %ne3A_741 : vector<16xi1>
        %ne3A_743 = arith.cmpi ne, %add3A_733, %gather3A_164 : vector<16xi32>
        %and3A_744 = arith.andi %and3A_742, %ne3A_743 : vector<16xi1>
        %all_reduce_population_count3A_745 = tpu.all_reduce %and3A_744 {dim = 0 : i64, kind = #tpu.reduction_kind<sum>} : vector<16xi1> -> vector<16xi32>
        %slice3A_746 = vector.extract_strided_slice %all_reduce_population_count3A_745 {offsets = [0], sizes = [1], strides = [1]} : vector<16xi32> to vector<1xi32>
        %squeeze3A_747 = vector.extract %slice3A_746[0] : i32 from vector<1xi32>
        %add3A_748 = arith.addi %add3A_728, %squeeze3A_747 : i32
        %scan3A_749 = arith.constant 7 : i32
        %mul3A_750 = arith.constant 16 : i32
        %mul3A_751 = arith.muli %scan3A_749, %mul3A_750 : i32
        %add3A_752 = vector.broadcast %mul3A_751 : i32 to vector<16xi32>
        %add3A_753 = arith.addi %add3A_752, %iota3A : vector<16xi32>
        %gather3A_754 = tpu.vector_load_idx %arg7[%broadcast_in_dim3A_81, %add3A_753] : memref<512x128xf32, #tpu.memory_space<vmem>>[vector<16xi32>, vector<16xi32>], vector<16xf32>,
        %add3A_755 = vector.broadcast %reduce_max3A_160 : f32 to vector<16xf32>
        %add3A_756 = arith.addf %add3A_755, %gather3A_754 : vector<16xf32>
        %eq3A_757 = vector.broadcast %squeeze3A_598 : f32 to vector<16xf32>
        %eq3A_758 = arith.cmpf oeq, %add3A_756, %eq3A_757 : vector<16xf32>
        %ne3A_759 = arith.constant 0 : i32
        %ne3A_760 = vector.broadcast %ne3A_759 : i32 to vector<16xi32>
        %ne3A_761 = arith.cmpi ne, %add3A_753, %ne3A_760 : vector<16xi32>
        %and3A_762 = arith.andi %eq3A_758, %ne3A_761 : vector<16xi1>
        %ne3A_763 = arith.cmpi ne, %add3A_753, %gather3A_164 : vector<16xi32>
        %and3A_764 = arith.andi %and3A_762, %ne3A_763 : vector<16xi1>
        %all_reduce_population_count3A_765 = tpu.all_reduce %and3A_764 {dim = 0 : i64, kind = #tpu.reduction_kind<sum>} : vector<16xi1> -> vector<16xi32>
        %slice3A_766 = vector.extract_strided_slice %all_reduce_population_count3A_765 {offsets = [0], sizes = [1], strides = [1]} : vector<16xi32> to vector<1xi32>
        %squeeze3A_767 = vector.extract %slice3A_766[0] : i32 from vector<1xi32>
        %add3A_768 = arith.addi %add3A_748, %squeeze3A_767 : i32
        %scan3A_769 = arith.constant 8 : i32
        %while3A_770 = arith.constant 0 : i32
        %while3A_771 = arith.subi %add3A_572, %while3A_770 : i32
        %while3A_772 = arith.addi %while3A_770, %while3A_771 : i32
        %while3A_773 = arith.constant 1 : i32
        %while3A_774 = arith.divsi %while3A_771, %while3A_773 : i32
        %while3A_775 = arith.muli %while3A_774, %while3A_773 : i32
        %while3A_776 = arith.addi %while3A_770, %while3A_775 : i32
        %while3A_777 = arith.constant 1 : i32
        %while3A_778 = scf.for %while3A_859 = %while3A_770 to %while3A_776 step %while3A_777 iter_args(%while3A_860 = %add3A_768) -> (i32)  : i32 {
          %mul3A_861 = arith.constant 16 : i32
          %mul3A_862 = arith.muli %while3A_859, %mul3A_861 : i32
          %get3A_863 = arith.index_cast %mul3A_862 : i32 to index
          %get3A_864 = tpu.vector_load %arg9[%get3A_863] {strides = array<i32>} : memref<2080xf32, #tpu.memory_space<vmem>>, vector<16xf32>,
          %eq3A_865 = vector.broadcast %squeeze3A_598 : f32 to vector<16xf32>
          %eq3A_866 = arith.cmpf oeq, %get3A_864, %eq3A_865 : vector<16xf32>
          %all_reduce_population_count3A_867 = tpu.all_reduce %eq3A_866 {dim = 0 : i64, kind = #tpu.reduction_kind<sum>} : vector<16xi1> -> vector<16xi32>
          %slice3A_868 = vector.extract_strided_slice %all_reduce_population_count3A_867 {offsets = [0], sizes = [1], strides = [1]} : vector<16xi32> to vector<1xi32>
          %squeeze3A_869 = vector.extract %slice3A_868[0] : i32 from vector<1xi32>
          %add3A_870 = arith.addi %while3A_860, %squeeze3A_869 : i32
          scf.yield %add3A_870 : i32
        }
        %while3A_779 = arith.constant 1 : i32
        %while3A_780 = scf.for %while3A_859 = %while3A_776 to %while3A_772 step %while3A_779 iter_args(%while3A_860 = %while3A_778) -> (i32)  : i32 {
          %mul3A_861 = arith.constant 16 : i32
          %mul3A_862 = arith.muli %while3A_859, %mul3A_861 : i32
          %get3A_863 = arith.index_cast %mul3A_862 : i32 to index
          %get3A_864 = tpu.vector_load %arg9[%get3A_863] {strides = array<i32>} : memref<2080xf32, #tpu.memory_space<vmem>>, vector<16xf32>,
          %eq3A_865 = vector.broadcast %squeeze3A_598 : f32 to vector<16xf32>
          %eq3A_866 = arith.cmpf oeq, %get3A_864, %eq3A_865 : vector<16xf32>
          %all_reduce_population_count3A_867 = tpu.all_reduce %eq3A_866 {dim = 0 : i64, kind = #tpu.reduction_kind<sum>} : vector<16xi1> -> vector<16xi32>
          %slice3A_868 = vector.extract_strided_slice %all_reduce_population_count3A_867 {offsets = [0], sizes = [1], strides = [1]} : vector<16xi32> to vector<1xi32>
          %squeeze3A_869 = vector.extract %slice3A_868[0] : i32 from vector<1xi32>
          %add3A_870 = arith.addi %while3A_860, %squeeze3A_869 : i32
          scf.yield %add3A_870 : i32
        }
        %ne3A_781 = arith.cmpi ne, %while3A_780, %squeeze3A_603 : i32
        %convert_element_type3A_782 = arith.extui %ne3A_781 : i1 to i32
        %cond3A_783 = arith.constant 0 : i32
        %cond3A_784 = arith.cmpi ne, %convert_element_type3A_782, %cond3A_783 : i32
        %cond3A_785 = scf.if %cond3A_784 -> (vector<16xi32>) {
          %broadcast_in_dim3A_859 = arith.constant 1073741824 : i32
          %broadcast_in_dim3A_860 = vector.broadcast %broadcast_in_dim3A_859 : i32 to vector<16xi32>
          %eq3A_861 = vector.broadcast %squeeze3A_598 : f32 to vector<16xf32>
          %eq3A_862 = arith.cmpf oeq, %add3A_123, %eq3A_861 : vector<16xf32>
          %select_n3A_863 = arith.select %eq3A_862, %add3A_127, %broadcast_in_dim3A_860 : vector<16xi1>, vector<16xi32>
          %masked_sort3A_864 = arith.constant dense<true> : vector<16xi1>
          %masked_sort3A_865 = arith.constant -2147483648 : i32
          %masked_sort3A_866 = vector.broadcast %masked_sort3A_865 : i32 to vector<16xi32>
          %masked_sort3A_867 = arith.xori %select_n3A_863, %masked_sort3A_866 : vector<16xi32>
          %masked_sort3A_868, %masked_sort3A_869, %masked_sort3A_870 = tpu.sort %masked_sort3A_867, %select_n3A_863 masked %masked_sort3A_864 {descending = true} : (vector<16xi32>, vector<16xi32>, vector<16xi1>) -> (vector<16xi1>, vector<16xi32>, vector<16xi32>)
          %masked_sort3A_871 = arith.xori %masked_sort3A_869, %masked_sort3A_866 : vector<16xi32>
          %min3A = arith.minsi %broadcast_in_dim3A_860, %masked_sort3A_871 : vector<16xi32>
          %masked_sort3A_872 = arith.constant dense<true> : vector<16xi1>
          %masked_sort3A_873 = arith.constant -2147483648 : i32
          %masked_sort3A_874 = vector.broadcast %masked_sort3A_873 : i32 to vector<16xi32>
          %masked_sort3A_875 = arith.xori %min3A, %masked_sort3A_874 : vector<16xi32>
          %masked_sort3A_876, %masked_sort3A_877, %masked_sort3A_878 = tpu.sort %masked_sort3A_875, %masked_sort3A_871 masked %masked_sort3A_872 : (vector<16xi32>, vector<16xi32>, vector<16xi1>) -> (vector<16xi1>, vector<16xi32>, vector<16xi32>)
          %masked_sort3A_879 = arith.xori %masked_sort3A_877, %masked_sort3A_874 : vector<16xi32>
          %scan3A_880 = arith.constant 0 : i32
          %scan3A_881 = arith.constant 8 : i32
          %scan3A_882 = arith.addi %scan3A_880, %scan3A_881 : i32
          %scan3A_883 = arith.constant 1 : i32
          %scan3A_884 = scf.for %scan3A_900 = %scan3A_880 to %scan3A_882 step %scan3A_883 iter_args(%scan3A_901 = %masked_sort3A_879) -> (vector<16xi32>)  : i32 {
            %mul3A_902 = arith.constant 16 : i32
            %mul3A_903 = arith.muli %scan3A_900, %mul3A_902 : i32
            %add3A_904 = vector.broadcast %mul3A_903 : i32 to vector<16xi32>
            %add3A_905 = arith.addi %add3A_904, %iota3A : vector<16xi32>
            %gather3A_906 = tpu.vector_load_idx %arg7[%broadcast_in_dim3A_81, %add3A_905] : memref<512x128xf32, #tpu.memory_space<vmem>>[vector<16xi32>, vector<16xi32>], vector<16xf32>,
            %add3A_907 = vector.broadcast %reduce_max3A_160 : f32 to vector<16xf32>
            %add3A_908 = arith.addf %add3A_907, %gather3A_906 : vector<16xf32>
            %eq3A_909 = vector.broadcast %squeeze3A_598 : f32 to vector<16xf32>
            %eq3A_910 = arith.cmpf oeq, %add3A_908, %eq3A_909 : vector<16xf32>
            %ne3A_911 = arith.constant 0 : i32
            %ne3A_912 = vector.broadcast %ne3A_911 : i32 to vector<16xi32>
            %ne3A_913 = arith.cmpi ne, %add3A_905, %ne3A_912 : vector<16xi32>
            %and3A_914 = arith.andi %eq3A_910, %ne3A_913 : vector<16xi1>
            %ne3A_915 = arith.cmpi ne, %add3A_905, %gather3A_164 : vector<16xi32>
            %and3A_916 = arith.andi %and3A_914, %ne3A_915 : vector<16xi1>
            %mul3A_917 = arith.constant 4097 : i32
            %mul3A_918 = vector.broadcast %mul3A_917 : i32 to vector<16xi32>
            %mul3A_919 = arith.muli %add3A_905, %mul3A_918 : vector<16xi32>
            %add3A_920 = arith.addi %add3A_181, %mul3A_919 : vector<16xi32>
            %select_n3A_921 = arith.select %and3A_916, %add3A_920, %broadcast_in_dim3A_860 : vector<16xi1>, vector<16xi32>
            %masked_sort3A_922 = arith.constant dense<true> : vector<16xi1>
            %masked_sort3A_923 = arith.constant -2147483648 : i32
            %masked_sort3A_924 = vector.broadcast %masked_sort3A_923 : i32 to vector<16xi32>
            %masked_sort3A_925 = arith.xori %select_n3A_921, %masked_sort3A_924 : vector<16xi32>
            %masked_sort3A_926, %masked_sort3A_927, %masked_sort3A_928 = tpu.sort %masked_sort3A_925, %select_n3A_921 masked %masked_sort3A_922 {descending = true} : (vector<16xi32>, vector<16xi32>, vector<16xi1>) -> (vector<16xi1>, vector<16xi32>, vector<16xi32>)
            %masked_sort3A_929 = arith.xori %masked_sort3A_927, %masked_sort3A_924 : vector<16xi32>
            %min3A_930 = arith.minsi %scan3A_901, %masked_sort3A_929 : vector<16xi32>
            %masked_sort3A_931 = arith.constant dense<true> : vector<16xi1>
            %masked_sort3A_932 = arith.constant -2147483648 : i32
            %masked_sort3A_933 = vector.broadcast %masked_sort3A_932 : i32 to vector<16xi32>
            %masked_sort3A_934 = arith.xori %min3A_930, %masked_sort3A_933 : vector<16xi32>
            %masked_sort3A_935, %masked_sort3A_936, %masked_sort3A_937 = tpu.sort %masked_sort3A_934, %min3A_930 masked %masked_sort3A_931 : (vector<16xi32>, vector<16xi32>, vector<16xi1>) -> (vector<16xi1>, vector<16xi32>, vector<16xi32>)
            %masked_sort3A_938 = arith.xori %masked_sort3A_936, %masked_sort3A_933 : vector<16xi32>
            scf.yield %masked_sort3A_938 : vector<16xi32>
          }
          %scan3A_885 = arith.constant 8 : i32
          %while3A_886 = arith.constant 0 : i32
          %while3A_887 = arith.subi %add3A_572, %while3A_886 : i32
          %while3A_888 = arith.addi %while3A_886, %while3A_887 : i32
          %while3A_889 = arith.constant 1 : i32
          %while3A_890 = arith.divsi %while3A_887, %while3A_889 : i32
          %while3A_891 = arith.muli %while3A_890, %while3A_889 : i32
          %while3A_892 = arith.addi %while3A_886, %while3A_891 : i32
          %while3A_893 = arith.constant 1 : i32
          %while3A_894 = scf.for %while3A_900 = %while3A_886 to %while3A_892 step %while3A_893 iter_args(%while3A_901 = %scan3A_884) -> (vector<16xi32>)  : i32 {
            %mul3A_902 = arith.constant 16 : i32
            %mul3A_903 = arith.muli %while3A_900, %mul3A_902 : i32
            %get3A_904 = arith.index_cast %mul3A_903 : i32 to index
            %get3A_905 = tpu.vector_load %arg9[%get3A_904] {strides = array<i32>} : memref<2080xf32, #tpu.memory_space<vmem>>, vector<16xf32>,
            %mul3A_906 = arith.constant 16 : i32
            %mul3A_907 = arith.muli %while3A_900, %mul3A_906 : i32
            %get3A_908 = arith.index_cast %mul3A_907 : i32 to index
            %get3A_909 = tpu.vector_load %arg10[%get3A_908] {strides = array<i32>} : memref<2080xi32, #tpu.memory_space<vmem>>, vector<16xi32>,
            %eq3A_910 = vector.broadcast %squeeze3A_598 : f32 to vector<16xf32>
            %eq3A_911 = arith.cmpf oeq, %get3A_905, %eq3A_910 : vector<16xf32>
            %select_n3A_912 = arith.select %eq3A_911, %get3A_909, %broadcast_in_dim3A_860 : vector<16xi1>, vector<16xi32>
            %masked_sort3A_913 = arith.constant dense<true> : vector<16xi1>
            %masked_sort3A_914 = arith.constant -2147483648 : i32
            %masked_sort3A_915 = vector.broadcast %masked_sort3A_914 : i32 to vector<16xi32>
            %masked_sort3A_916 = arith.xori %select_n3A_912, %masked_sort3A_915 : vector<16xi32>
            %masked_sort3A_917, %masked_sort3A_918, %masked_sort3A_919 = tpu.sort %masked_sort3A_916, %select_n3A_912 masked %masked_sort3A_913 {descending = true} : (vector<16xi32>, vector<16xi32>, vector<16xi1>) -> (vector<16xi1>, vector<16xi32>, vector<16xi32>)
            %masked_sort3A_920 = arith.xori %masked_sort3A_918, %masked_sort3A_915 : vector<16xi32>
            %min3A_921 = arith.minsi %while3A_901, %masked_sort3A_920 : vector<16xi32>
            %masked_sort3A_922 = arith.constant dense<true> : vector<16xi1>
            %masked_sort3A_923 = arith.constant -2147483648 : i32
            %masked_sort3A_924 = vector.broadcast %masked_sort3A_923 : i32 to vector<16xi32>
            %masked_sort3A_925 = arith.xori %min3A_921, %masked_sort3A_924 : vector<16xi32>
            %masked_sort3A_926, %masked_sort3A_927, %masked_sort3A_928 = tpu.sort %masked_sort3A_925, %min3A_921 masked %masked_sort3A_922 : (vector<16xi32>, vector<16xi32>, vector<16xi1>) -> (vector<16xi1>, vector<16xi32>, vector<16xi32>)
            %masked_sort3A_929 = arith.xori %masked_sort3A_927, %masked_sort3A_924 : vector<16xi32>
            scf.yield %masked_sort3A_929 : vector<16xi32>
          }
          %while3A_895 = arith.constant 1 : i32
          %while3A_896 = scf.for %while3A_900 = %while3A_892 to %while3A_888 step %while3A_895 iter_args(%while3A_901 = %while3A_894) -> (vector<16xi32>)  : i32 {
            %mul3A_902 = arith.constant 16 : i32
            %mul3A_903 = arith.muli %while3A_900, %mul3A_902 : i32
            %get3A_904 = arith.index_cast %mul3A_903 : i32 to index
            %get3A_905 = tpu.vector_load %arg9[%get3A_904] {strides = array<i32>} : memref<2080xf32, #tpu.memory_space<vmem>>, vector<16xf32>,
            %mul3A_906 = arith.constant 16 : i32
            %mul3A_907 = arith.muli %while3A_900, %mul3A_906 : i32
            %get3A_908 = arith.index_cast %mul3A_907 : i32 to index
            %get3A_909 = tpu.vector_load %arg10[%get3A_908] {strides = array<i32>} : memref<2080xi32, #tpu.memory_space<vmem>>, vector<16xi32>,
            %eq3A_910 = vector.broadcast %squeeze3A_598 : f32 to vector<16xf32>
            %eq3A_911 = arith.cmpf oeq, %get3A_905, %eq3A_910 : vector<16xf32>
            %select_n3A_912 = arith.select %eq3A_911, %get3A_909, %broadcast_in_dim3A_860 : vector<16xi1>, vector<16xi32>
            %masked_sort3A_913 = arith.constant dense<true> : vector<16xi1>
            %masked_sort3A_914 = arith.constant -2147483648 : i32
            %masked_sort3A_915 = vector.broadcast %masked_sort3A_914 : i32 to vector<16xi32>
            %masked_sort3A_916 = arith.xori %select_n3A_912, %masked_sort3A_915 : vector<16xi32>
            %masked_sort3A_917, %masked_sort3A_918, %masked_sort3A_919 = tpu.sort %masked_sort3A_916, %select_n3A_912 masked %masked_sort3A_913 {descending = true} : (vector<16xi32>, vector<16xi32>, vector<16xi1>) -> (vector<16xi1>, vector<16xi32>, vector<16xi32>)
            %masked_sort3A_920 = arith.xori %masked_sort3A_918, %masked_sort3A_915 : vector<16xi32>
            %min3A_921 = arith.minsi %while3A_901, %masked_sort3A_920 : vector<16xi32>
            %masked_sort3A_922 = arith.constant dense<true> : vector<16xi1>
            %masked_sort3A_923 = arith.constant -2147483648 : i32
            %masked_sort3A_924 = vector.broadcast %masked_sort3A_923 : i32 to vector<16xi32>
            %masked_sort3A_925 = arith.xori %min3A_921, %masked_sort3A_924 : vector<16xi32>
            %masked_sort3A_926, %masked_sort3A_927, %masked_sort3A_928 = tpu.sort %masked_sort3A_925, %min3A_921 masked %masked_sort3A_922 : (vector<16xi32>, vector<16xi32>, vector<16xi1>) -> (vector<16xi1>, vector<16xi32>, vector<16xi32>)
            %masked_sort3A_929 = arith.xori %masked_sort3A_927, %masked_sort3A_924 : vector<16xi32>
            scf.yield %masked_sort3A_929 : vector<16xi32>
          }
          %lt3A_897 = vector.broadcast %squeeze3A_603 : i32 to vector<16xi32>
          %lt3A_898 = arith.cmpi slt, %iota3A, %lt3A_897 : vector<16xi32>
          %select_n3A_899 = arith.select %lt3A_898, %while3A_896, %while3A_596#1 : vector<16xi1>, vector<16xi32>
          scf.yield %select_n3A_899 : vector<16xi32>
        } else {
          scf.yield %while3A_596#1 : vector<16xi32>
        }
        %swap3A_786 = arith.constant 0 : index
        %swap3A_787 = tpu.vector_load %arg15[%swap3A_786] {strides = array<i32>} : memref<16xf32, #tpu.memory_space<vmem>>, vector<16xf32>,
        tpu.vector_store %arg15[%swap3A_786], %while3A_596#0 {strides = array<i32>} : memref<16xf32, #tpu.memory_space<vmem>>, vector<16xf32>,
        %swap3A_788 = arith.constant 0 : index
        %swap3A_789 = tpu.vector_load %arg16[%swap3A_788] {strides = array<i32>} : memref<16xi32, #tpu.memory_space<vmem>>, vector<16xi32>,
        tpu.vector_store %arg16[%swap3A_788], %cond3A_785 {strides = array<i32>} : memref<16xi32, #tpu.memory_space<vmem>>, vector<16xi32>,
        %sub3A_790 = arith.constant 1 : i32
        %sub3A_791 = vector.broadcast %sub3A_790 : i32 to vector<16xi32>
        %sub3A_792 = arith.subi %iota3A, %sub3A_791 : vector<16xi32>
        %max3A_793 = arith.constant 0 : i32
        %max3A_794 = vector.broadcast %max3A_793 : i32 to vector<16xi32>
        %max3A_795 = arith.maxsi %sub3A_792, %max3A_794 : vector<16xi32>
        %gather3A_796 = tpu.vector_load_idx %arg15[%max3A_795] : memref<16xf32, #tpu.memory_space<vmem>>[vector<16xi32>], vector<16xf32>,
        %eq3A_797 = arith.cmpf oeq, %gather3A_796, %while3A_596#0 : vector<16xf32>
        %gt3A_798 = arith.constant 0 : i32
        %gt3A_799 = vector.broadcast %gt3A_798 : i32 to vector<16xi32>
        %gt3A_800 = arith.cmpi sgt, %iota3A, %gt3A_799 : vector<16xi32>
        %and3A_801 = arith.andi %eq3A_797, %gt3A_800 : vector<16xi1>
        %all_reduce_population_count3A_802 = tpu.all_reduce %and3A_801 {dim = 0 : i64, kind = #tpu.reduction_kind<sum>} : vector<16xi1> -> vector<16xi32>
        %slice3A_803 = vector.extract_strided_slice %all_reduce_population_count3A_802 {offsets = [0], sizes = [1], strides = [1]} : vector<16xi32> to vector<1xi32>
        %squeeze3A_804 = vector.extract %slice3A_803[0] : i32 from vector<1xi32>
        %eq3A_805 = arith.constant 0 : i32
        %eq3A_806 = arith.cmpi eq, %squeeze3A_804, %eq3A_805 : i32
        %convert_element_type3A_807 = arith.extui %eq3A_806 : i1 to i32
        %cond3A_808 = arith.constant 0 : i32
        %cond3A_809 = arith.cmpi ne, %convert_element_type3A_807, %cond3A_808 : i32
        %cond3A_810 = scf.if %cond3A_809 -> (vector<16xi32>) {
          %sub3A_859 = arith.constant 15 : i32
          %sub3A_860 = vector.broadcast %sub3A_859 : i32 to vector<16xi32>
          %sub3A_861 = arith.subi %sub3A_860, %iota3A : vector<16xi32>
          scf.yield %sub3A_861 : vector<16xi32>
        } else {
          %broadcast_in_dim3A_859 = arith.constant 0 : i32
          %broadcast_in_dim3A_860 = vector.broadcast %broadcast_in_dim3A_859 : i32 to vector<16xi32>
          %scan3A_861 = arith.constant 0 : i32
          %scan3A_862 = arith.constant 16 : i32
          %scan3A_863 = arith.addi %scan3A_861, %scan3A_862 : i32
          %scan3A_864 = arith.constant 4 : i32
          %scan3A_865 = scf.for %scan3A_867 = %scan3A_861 to %scan3A_863 step %scan3A_864 iter_args(%scan3A_868 = %broadcast_in_dim3A_860) -> (vector<16xi32>)  : i32 {
            %broadcast_in_dim3A_869 = vector.broadcast %scan3A_867 : i32 to vector<16xi32>
            %gather3A_870 = tpu.vector_load_idx %arg15[%broadcast_in_dim3A_869] : memref<16xf32, #tpu.memory_space<vmem>>[vector<16xi32>], vector<16xf32>,
            %gather3A_871 = tpu.vector_load_idx %arg16[%broadcast_in_dim3A_869] : memref<16xi32, #tpu.memory_space<vmem>>[vector<16xi32>], vector<16xi32>,
            %gt3A_872 = arith.cmpf ogt, %gather3A_870, %while3A_596#0 : vector<16xf32>
            %eq3A_873 = arith.cmpf oeq, %gather3A_870, %while3A_596#0 : vector<16xf32>
            %lt3A_874 = arith.cmpi slt, %gather3A_871, %cond3A_785 : vector<16xi32>
            %and3A_875 = arith.andi %eq3A_873, %lt3A_874 : vector<16xi1>
            %or3A_876 = arith.ori %gt3A_872, %and3A_875 : vector<16xi1>
            %convert_element_type3A_877 = arith.extui %or3A_876 : vector<16xi1> to vector<16xi32>
            %add3A_878 = arith.addi %scan3A_868, %convert_element_type3A_877 : vector<16xi32>
            %scan3A_879 = arith.constant 1 : i32
            %scan3A_880 = arith.addi %scan3A_867, %scan3A_879 : i32
            %broadcast_in_dim3A_881 = vector.broadcast %scan3A_880 : i32 to vector<16xi32>
            %gather3A_882 = tpu.vector_load_idx %arg15[%broadcast_in_dim3A_881] : memref<16xf32, #tpu.memory_space<vmem>>[vector<16xi32>], vector<16xf32>,
            %gather3A_883 = tpu.vector_load_idx %arg16[%broadcast_in_dim3A_881] : memref<16xi32, #tpu.memory_space<vmem>>[vector<16xi32>], vector<16xi32>,
            %gt3A_884 = arith.cmpf ogt, %gather3A_882, %while3A_596#0 : vector<16xf32>
            %eq3A_885 = arith.cmpf oeq, %gather3A_882, %while3A_596#0 : vector<16xf32>
            %lt3A_886 = arith.cmpi slt, %gather3A_883, %cond3A_785 : vector<16xi32>
            %and3A_887 = arith.andi %eq3A_885, %lt3A_886 : vector<16xi1>
            %or3A_888 = arith.ori %gt3A_884, %and3A_887 : vector<16xi1>
            %convert_element_type3A_889 = arith.extui %or3A_888 : vector<16xi1> to vector<16xi32>
            %add3A_890 = arith.addi %add3A_878, %convert_element_type3A_889 : vector<16xi32>
            %scan3A_891 = arith.constant 2 : i32
            %scan3A_892 = arith.addi %scan3A_867, %scan3A_891 : i32
            %broadcast_in_dim3A_893 = vector.broadcast %scan3A_892 : i32 to vector<16xi32>
            %gather3A_894 = tpu.vector_load_idx %arg15[%broadcast_in_dim3A_893] : memref<16xf32, #tpu.memory_space<vmem>>[vector<16xi32>], vector<16xf32>,
            %gather3A_895 = tpu.vector_load_idx %arg16[%broadcast_in_dim3A_893] : memref<16xi32, #tpu.memory_space<vmem>>[vector<16xi32>], vector<16xi32>,
            %gt3A_896 = arith.cmpf ogt, %gather3A_894, %while3A_596#0 : vector<16xf32>
            %eq3A_897 = arith.cmpf oeq, %gather3A_894, %while3A_596#0 : vector<16xf32>
            %lt3A_898 = arith.cmpi slt, %gather3A_895, %cond3A_785 : vector<16xi32>
            %and3A_899 = arith.andi %eq3A_897, %lt3A_898 : vector<16xi1>
            %or3A_900 = arith.ori %gt3A_896, %and3A_899 : vector<16xi1>
            %convert_element_type3A_901 = arith.extui %or3A_900 : vector<16xi1> to vector<16xi32>
            %add3A_902 = arith.addi %add3A_890, %convert_element_type3A_901 : vector<16xi32>
            %scan3A_903 = arith.constant 3 : i32
            %scan3A_904 = arith.addi %scan3A_867, %scan3A_903 : i32
            %broadcast_in_dim3A_905 = vector.broadcast %scan3A_904 : i32 to vector<16xi32>
            %gather3A_906 = tpu.vector_load_idx %arg15[%broadcast_in_dim3A_905] : memref<16xf32, #tpu.memory_space<vmem>>[vector<16xi32>], vector<16xf32>,
            %gather3A_907 = tpu.vector_load_idx %arg16[%broadcast_in_dim3A_905] : memref<16xi32, #tpu.memory_space<vmem>>[vector<16xi32>], vector<16xi32>,
            %gt3A_908 = arith.cmpf ogt, %gather3A_906, %while3A_596#0 : vector<16xf32>
            %eq3A_909 = arith.cmpf oeq, %gather3A_906, %while3A_596#0 : vector<16xf32>
            %lt3A_910 = arith.cmpi slt, %gather3A_907, %cond3A_785 : vector<16xi32>
            %and3A_911 = arith.andi %eq3A_909, %lt3A_910 : vector<16xi1>
            %or3A_912 = arith.ori %gt3A_908, %and3A_911 : vector<16xi1>
            %convert_element_type3A_913 = arith.extui %or3A_912 : vector<16xi1> to vector<16xi32>
            %add3A_914 = arith.addi %add3A_902, %convert_element_type3A_913 : vector<16xi32>
            scf.yield %add3A_914 : vector<16xi32>
          }
          %scan3A_866 = arith.constant 16 : i32
          scf.yield %scan3A_865 : vector<16xi32>
        }
        %and3A_811 = arith.constant 4095 : i32
        %and3A_812 = vector.broadcast %and3A_811 : i32 to vector<16xi32>
        %and3A_813 = arith.andi %cond3A_785, %and3A_812 : vector<16xi32>
        %lt3A_814 = arith.constant 16 : i32
        %lt3A_815 = vector.broadcast %lt3A_814 : i32 to vector<16xi32>
        %lt3A_816 = arith.cmpi slt, %and3A_813, %lt3A_815 : vector<16xi32>
        %sub3A_817 = arith.constant 16 : i32
        %sub3A_818 = vector.broadcast %sub3A_817 : i32 to vector<16xi32>
        %sub3A_819 = arith.subi %and3A_813, %sub3A_818 : vector<16xi32>
        %shift_right_arithmetic3A = arith.constant 7 : i32
        %shift_right_arithmetic3A_820 = vector.broadcast %shift_right_arithmetic3A : i32 to vector<16xi32>
        %shift_right_arithmetic3A_821 = arith.shrsi %sub3A_819, %shift_right_arithmetic3A_820 : vector<16xi32>
        %select_n3A_822 = arith.select %lt3A_816, %and3A_813, %shift_right_arithmetic3A_821 : vector<16xi1>, vector<16xi32>
        %sub3A_823 = arith.constant 16 : i32
        %sub3A_824 = vector.broadcast %sub3A_823 : i32 to vector<16xi32>
        %sub3A_825 = arith.subi %and3A_813, %sub3A_824 : vector<16xi32>
        %and3A_826 = arith.constant 127 : i32
        %and3A_827 = vector.broadcast %and3A_826 : i32 to vector<16xi32>
        %and3A_828 = arith.andi %sub3A_825, %and3A_827 : vector<16xi32>
        %jit3A_829 = arith.constant 0 : i32
        %broadcast_in_dim3A_830 = vector.broadcast %jit3A_829 : i32 to vector<16xi32>
        %select_n3A_831 = arith.select %lt3A_816, %broadcast_in_dim3A_830, %and3A_828 : vector<16xi1>, vector<16xi32>
        %gather3A_832 = tpu.vector_load_idx %arg11[%select_n3A_822] : memref<16xf32, #tpu.memory_space<vmem>>[vector<16xi32>], vector<16xf32>,
        %gather3A_833 = tpu.vector_load_idx %arg12[%select_n3A_822] : memref<16xf32, #tpu.memory_space<vmem>>[vector<16xi32>], vector<16xf32>,
        %gather3A_834 = tpu.vector_load_idx %arg13[%select_n3A_822] : memref<16xi32, #tpu.memory_space<vmem>>[vector<16xi32>], vector<16xi32>,
        %gather3A_835 = tpu.vector_load_idx %arg14[%select_n3A_822] : memref<16xi32, #tpu.memory_space<vmem>>[vector<16xi32>], vector<16xi32>,
        %select_n3A_836 = arith.select %lt3A_816, %gather3A_832, %broadcast_in_dim3A_3 : vector<16xi1>, vector<16xf32>
        %select_n3A_837 = arith.select %lt3A_816, %gather3A_833, %while3A_596#0 : vector<16xi1>, vector<16xf32>
        %add3A_838 = arith.constant 1 : i32
        %add3A_839 = vector.broadcast %add3A_838 : i32 to vector<16xi32>
        %add3A_840 = arith.addi %gather3A_834, %add3A_839 : vector<16xi32>
        %select_n3A_841 = arith.select %lt3A_816, %gather3A_834, %add3A_840 : vector<16xi1>, vector<16xi32>
        %select_n3A_842 = arith.select %lt3A_816, %gather3A_835, %select_n3A_831 : vector<16xi1>, vector<16xi32>
        %shift_right_arithmetic3A_843 = arith.constant 1 : i32
        %shift_right_arithmetic3A_844 = arith.shrsi %while3A_74, %shift_right_arithmetic3A_843 : i32
        %get3A = arith.index_cast %shift_right_arithmetic3A_844 : i32 to index
        %get3A_845 = arith.constant 0 : index
        %get3A_846 = tpu.vector_load %arg8[%get3A, %get3A_845] {strides = array<i32>} : memref<256x16xi32, #tpu.memory_space<vmem>>, vector<16xi32>,
        %and3A_847 = arith.constant 1 : i32
        %and3A_848 = arith.andi %while3A_74, %and3A_847 : i32
        %eq3A_849 = arith.constant 1 : i32
        %eq3A_850 = arith.cmpi eq, %and3A_848, %eq3A_849 : i32
        %shift_left3A = arith.constant 16 : i32
        %shift_left3A_851 = vector.broadcast %shift_left3A : i32 to vector<16xi32>
        %shift_left3A_852 = arith.shli %and3A_813, %shift_left3A_851 : vector<16xi32>
        %or3A = arith.ori %get3A_846, %shift_left3A_852 : vector<16xi32>
        %select_n3A_853 = arith.select %eq3A_850, %or3A, %and3A_813 : vector<16xi32>
        %shift_right_arithmetic3A_854 = arith.constant 1 : i32
        %shift_right_arithmetic3A_855 = arith.shrsi %while3A_74, %shift_right_arithmetic3A_854 : i32
        %swap3A_856 = arith.index_cast %shift_right_arithmetic3A_855 : i32 to index
        %swap3A_857 = arith.constant 0 : index
        %swap3A_858 = tpu.vector_load %arg8[%swap3A_856, %swap3A_857] {strides = array<i32>} : memref<256x16xi32, #tpu.memory_space<vmem>>, vector<16xi32>,
        tpu.vector_store %arg8[%swap3A_856, %swap3A_857], %select_n3A_853 {strides = array<i32>} : memref<256x16xi32, #tpu.memory_space<vmem>>, vector<16xi32>,
        scf.yield %select_n3A_836, %select_n3A_837, %while3A_596#0, %select_n3A_841, %select_n3A_842, %cond3A_810 : vector<16xf32>, vector<16xf32>, vector<16xf32>, vector<16xi32>, vector<16xi32>, vector<16xi32>
      }
      %while3A_20 = arith.constant 1 : i32
      %while3A_21:6 = scf.for %while3A_74 = %while3A_17 to %while3A_13 step %while3A_20 iter_args(%while3A_75 = %while3A_19#0, %while3A_76 = %while3A_19#1, %while3A_77 = %while3A_19#2, %while3A_78 = %while3A_19#3, %while3A_79 = %while3A_19#4, %while3A_80 = %while3A_19#5) -> (vector<16xf32>, vector<16xf32>, vector<16xf32>, vector<16xi32>, vector<16xi32>, vector<16xi32>)  : i32 {
        %broadcast_in_dim3A_81 = vector.broadcast %while3A_74 : i32 to vector<16xi32>
        %broadcast_in_dim3A_82 = arith.constant 0 : i32
        %broadcast_in_dim3A_83 = vector.broadcast %broadcast_in_dim3A_82 : i32 to vector<16xi32>
        %gather3A_84 = tpu.vector_load_idx %arg7[%broadcast_in_dim3A_81, %broadcast_in_dim3A_83] : memref<512x128xf32, #tpu.memory_space<vmem>>[vector<16xi32>, vector<16xi32>], vector<16xf32>,
        %gather3A_85 = tpu.vector_load_idx %arg7[%broadcast_in_dim3A_81, %while3A_79] : memref<512x128xf32, #tpu.memory_space<vmem>>[vector<16xi32>, vector<16xi32>], vector<16xf32>,
        %add3A_86 = arith.addf %while3A_77, %gather3A_84 : vector<16xf32>
        %add3A_87 = arith.addf %while3A_76, %gather3A_85 : vector<16xf32>
        %max3A = arith.maximumf %add3A_86, %add3A_87 : vector<16xf32>
        %sub3A_88 = arith.subf %add3A_86, %add3A_87 : vector<16xf32>
        %abs3A = math.absf %sub3A_88 : vector<16xf32>
        %neg3A = arith.constant 0.000000e+00 : f32
        %neg3A_89 = vector.broadcast %neg3A : f32 to vector<16xf32>
        %neg3A_90 = arith.subf %neg3A_89, %abs3A : vector<16xf32>
        %exp3A = math.exp %neg3A_90 : vector<16xf32>
        %add3A_91 = arith.constant 2.000000e+00 : f32
        %add3A_92 = vector.broadcast %add3A_91 : f32 to vector<16xf32>
        %add3A_93 = arith.addf %exp3A, %add3A_92 : vector<16xf32>
        %div3A = arith.divf %exp3A, %add3A_93 : vector<16xf32>
        %mul3A_94 = arith.mulf %div3A, %div3A : vector<16xf32>
        %mul3A_95 = arith.constant 0.0769230798 : f32
        %mul3A_96 = vector.broadcast %mul3A_95 : f32 to vector<16xf32>
        %mul3A_97 = arith.mulf %mul3A_96, %mul3A_94 : vector<16xf32>
        %add3A_98 = arith.constant 0.0909090936 : f32
        %add3A_99 = vector.broadcast %add3A_98 : f32 to vector<16xf32>
        %add3A_100 = arith.addf %mul3A_97, %add3A_99 : vector<16xf32>
        %mul3A_101 = arith.mulf %add3A_100, %mul3A_94 : vector<16xf32>
        %add3A_102 = arith.constant 0.111111112 : f32
        %add3A_103 = vector.broadcast %add3A_102 : f32 to vector<16xf32>
        %add3A_104 = arith.addf %mul3A_101, %add3A_103 : vector<16xf32>
        %mul3A_105 = arith.mulf %add3A_104, %mul3A_94 : vector<16xf32>
        %add3A_106 = arith.constant 0.142857149 : f32
        %add3A_107 = vector.broadcast %add3A_106 : f32 to vector<16xf32>
        %add3A_108 = arith.addf %mul3A_105, %add3A_107 : vector<16xf32>
        %mul3A_109 = arith.mulf %add3A_108, %mul3A_94 : vector<16xf32>
        %add3A_110 = arith.constant 2.000000e-01 : f32
        %add3A_111 = vector.broadcast %add3A_110 : f32 to vector<16xf32>
        %add3A_112 = arith.addf %mul3A_109, %add3A_111 : vector<16xf32>
        %mul3A_113 = arith.mulf %add3A_112, %mul3A_94 : vector<16xf32>
        %add3A_114 = arith.constant 0.333333343 : f32
        %add3A_115 = vector.broadcast %add3A_114 : f32 to vector<16xf32>
        %add3A_116 = arith.addf %mul3A_113, %add3A_115 : vector<16xf32>
        %mul3A_117 = arith.mulf %add3A_116, %mul3A_94 : vector<16xf32>
        %add3A_118 = arith.constant 1.000000e+00 : f32
        %add3A_119 = vector.broadcast %add3A_118 : f32 to vector<16xf32>
        %add3A_120 = arith.addf %mul3A_117, %add3A_119 : vector<16xf32>
        %add3A_121 = arith.addf %div3A, %div3A : vector<16xf32>
        %mul3A_122 = arith.mulf %add3A_121, %add3A_120 : vector<16xf32>
        %add3A_123 = arith.addf %max3A, %mul3A_122 : vector<16xf32>
        %mul3A_124 = arith.constant 4096 : i32
        %mul3A_125 = vector.broadcast %mul3A_124 : i32 to vector<16xi32>
        %mul3A_126 = arith.muli %while3A_80, %mul3A_125 : vector<16xi32>
        %add3A_127 = arith.addi %mul3A_126, %iota3A : vector<16xi32>
        %masked_sort3A = arith.constant dense<true> : vector<16xi1>
        %masked_sort3A_128, %masked_sort3A_129, %masked_sort3A_130 = tpu.sort %add3A_123, %add3A_127 masked %masked_sort3A : (vector<16xf32>, vector<16xi32>, vector<16xi1>) -> (vector<16xi1>, vector<16xf32>, vector<16xi32>)
        %swap3A_131 = arith.constant 0 : index
        %swap3A_132 = tpu.vector_load %arg11[%swap3A_131] {strides = array<i32>} : memref<16xf32, #tpu.memory_space<vmem>>, vector<16xf32>,
        tpu.vector_store %arg11[%swap3A_131], %add3A_86 {strides = array<i32>} : memref<16xf32, #tpu.memory_space<vmem>>, vector<16xf32>,
        %swap3A_133 = arith.constant 0 : index
        %swap3A_134 = tpu.vector_load %arg12[%swap3A_133] {strides = array<i32>} : memref<16xf32, #tpu.memory_space<vmem>>, vector<16xf32>,
        tpu.vector_store %arg12[%swap3A_133], %add3A_87 {strides = array<i32>} : memref<16xf32, #tpu.memory_space<vmem>>, vector<16xf32>,
        %swap3A_135 = arith.constant 0 : index
        %swap3A_136 = tpu.vector_load %arg13[%swap3A_135] {strides = array<i32>} : memref<16xi32, #tpu.memory_space<vmem>>, vector<16xi32>,
        tpu.vector_store %arg13[%swap3A_135], %while3A_78 {strides = array<i32>} : memref<16xi32, #tpu.memory_space<vmem>>, vector<16xi32>,
        %swap3A_137 = arith.constant 0 : index
        %swap3A_138 = tpu.vector_load %arg14[%swap3A_137] {strides = array<i32>} : memref<16xi32, #tpu.memory_space<vmem>>, vector<16xi32>,
        tpu.vector_store %arg14[%swap3A_137], %while3A_79 {strides = array<i32>} : memref<16xi32, #tpu.memory_space<vmem>>, vector<16xi32>,
        %swap3A_139 = arith.constant 0 : index
        %swap3A_140 = tpu.vector_load %arg19[%swap3A_139] {strides = array<i32>} : memref<16xi32, #tpu.memory_space<vmem>>, vector<16xi32>,
        tpu.vector_store %arg19[%swap3A_139], %while3A_80 {strides = array<i32>} : memref<16xi32, #tpu.memory_space<vmem>>, vector<16xi32>,
        %mul3A_141 = arith.constant 128 : i32
        %mul3A_142 = vector.broadcast %mul3A_141 : i32 to vector<16xi32>
        %mul3A_143 = arith.muli %while3A_80, %mul3A_142 : vector<16xi32>
        %add3A_144 = arith.constant 16 : i32
        %add3A_145 = vector.broadcast %add3A_144 : i32 to vector<16xi32>
        %add3A_146 = arith.addi %add3A_145, %mul3A_143 : vector<16xi32>
        %mul3A_147 = arith.constant 4096 : i32
        %mul3A_148 = vector.broadcast %mul3A_147 : i32 to vector<16xi32>
        %mul3A_149 = arith.muli %add3A_146, %mul3A_148 : vector<16xi32>
        %mul3A_150 = arith.constant 128 : i32
        %mul3A_151 = vector.broadcast %mul3A_150 : i32 to vector<16xi32>
        %mul3A_152 = arith.muli %iota3A, %mul3A_151 : vector<16xi32>
        %add3A_153 = arith.constant 16 : i32
        %add3A_154 = vector.broadcast %add3A_153 : i32 to vector<16xi32>
        %add3A_155 = arith.addi %add3A_154, %mul3A_152 : vector<16xi32>
        %add3A_156 = arith.addi %mul3A_149, %add3A_155 : vector<16xi32>
        %reduce_max3A_157 = arith.constant true
        %reduce_max3A_158 = vector.broadcast %reduce_max3A_157 : i1 to vector<16xi1>
        %reduce_max3A_159 = tpu.scan <max>, %while3A_77 masked %reduce_max3A_158 : vector<16xf32>, vector<16xi1> -> vector<16xf32>
        %reduce_max3A_160 = vector.extract %reduce_max3A_159[15] : f32 from vector<16xf32>
        %eq3A_161 = vector.broadcast %reduce_max3A_160 : f32 to vector<16xf32>
        %eq3A_162 = arith.cmpf oeq, %while3A_77, %eq3A_161 : vector<16xf32>
        %all_reduce_ffs3A_163 = tpu.all_reduce %eq3A_162 {dim = 0 : i64, kind = #tpu.reduction_kind<find_first_set>} : vector<16xi1> -> vector<16xi32>
        %gather3A_164 = tpu.vector_load_idx %arg14[%all_reduce_ffs3A_163] : memref<16xi32, #tpu.memory_space<vmem>>[vector<16xi32>], vector<16xi32>,
        %gather3A_165 = tpu.vector_load_idx %arg19[%all_reduce_ffs3A_163] : memref<16xi32, #tpu.memory_space<vmem>>[vector<16xi32>], vector<16xi32>,
        %mul3A_166 = arith.constant 128 : i32
        %mul3A_167 = vector.broadcast %mul3A_166 : i32 to vector<16xi32>
        %mul3A_168 = arith.muli %gather3A_165, %mul3A_167 : vector<16xi32>
        %add3A_169 = arith.constant 16 : i32
        %add3A_170 = vector.broadcast %add3A_169 : i32 to vector<16xi32>
        %add3A_171 = arith.addi %add3A_170, %mul3A_168 : vector<16xi32>
        %mul3A_172 = arith.constant 4096 : i32
        %mul3A_173 = vector.broadcast %mul3A_172 : i32 to vector<16xi32>
        %mul3A_174 = arith.muli %add3A_171, %mul3A_173 : vector<16xi32>
        %add3A_175 = arith.constant 16 : i32
        %add3A_176 = vector.broadcast %add3A_175 : i32 to vector<16xi32>
        %add3A_177 = arith.addi %mul3A_174, %add3A_176 : vector<16xi32>
        %mul3A_178 = arith.constant 128 : i32
        %mul3A_179 = vector.broadcast %mul3A_178 : i32 to vector<16xi32>
        %mul3A_180 = arith.muli %all_reduce_ffs3A_163, %mul3A_179 : vector<16xi32>
        %add3A_181 = arith.addi %add3A_177, %mul3A_180 : vector<16xi32>
        %scan3A_182 = arith.constant 0 : i32
        %mul3A_183 = arith.constant 16 : i32
        %mul3A_184 = arith.muli %scan3A_182, %mul3A_183 : i32
        %add3A_185 = vector.broadcast %mul3A_184 : i32 to vector<16xi32>
        %add3A_186 = arith.addi %add3A_185, %iota3A : vector<16xi32>
        %gather3A_187 = tpu.vector_load_idx %arg7[%broadcast_in_dim3A_81, %add3A_186] : memref<512x128xf32, #tpu.memory_space<vmem>>[vector<16xi32>, vector<16xi32>], vector<16xf32>,
        %ne3A = arith.constant 0 : i32
        %ne3A_188 = vector.broadcast %ne3A : i32 to vector<16xi32>
        %ne3A_189 = arith.cmpi ne, %add3A_186, %ne3A_188 : vector<16xi32>
        %ne3A_190 = arith.cmpi ne, %add3A_186, %gather3A_164 : vector<16xi32>
        %and3A = arith.andi %ne3A_189, %ne3A_190 : vector<16xi1>
        %add3A_191 = vector.broadcast %reduce_max3A_160 : f32 to vector<16xf32>
        %add3A_192 = arith.addf %add3A_191, %gather3A_187 : vector<16xf32>
        %select_n3A_193 = arith.select %and3A, %add3A_192, %broadcast_in_dim3A_3 : vector<16xi1>, vector<16xf32>
        %mul3A_194 = arith.constant 4097 : i32
        %mul3A_195 = vector.broadcast %mul3A_194 : i32 to vector<16xi32>
        %mul3A_196 = arith.muli %add3A_186, %mul3A_195 : vector<16xi32>
        %add3A_197 = arith.addi %add3A_181, %mul3A_196 : vector<16xi32>
        %masked_sort3A_198 = arith.constant dense<true> : vector<16xi1>
        %masked_sort3A_199, %masked_sort3A_200, %masked_sort3A_201 = tpu.sort %select_n3A_193, %add3A_197 masked %masked_sort3A_198 {descending = true} : (vector<16xf32>, vector<16xi32>, vector<16xi1>) -> (vector<16xi1>, vector<16xf32>, vector<16xi32>)
        %gt3A = arith.cmpf ogt, %masked_sort3A_200, %masked_sort3A_129 : vector<16xf32>
        %select_n3A_202 = arith.select %gt3A, %masked_sort3A_200, %masked_sort3A_129 : vector<16xi1>, vector<16xf32>
        %select_n3A_203 = arith.select %gt3A, %masked_sort3A_201, %masked_sort3A_130 : vector<16xi1>, vector<16xi32>
        %masked_sort3A_204 = arith.constant dense<true> : vector<16xi1>
        %masked_sort3A_205, %masked_sort3A_206, %masked_sort3A_207 = tpu.sort %select_n3A_202, %select_n3A_203 masked %masked_sort3A_204 : (vector<16xf32>, vector<16xi32>, vector<16xi1>) -> (vector<16xi1>, vector<16xf32>, vector<16xi32>)
        %scan3A_208 = arith.constant 1 : i32
        %mul3A_209 = arith.constant 16 : i32
        %mul3A_210 = arith.muli %scan3A_208, %mul3A_209 : i32
        %add3A_211 = vector.broadcast %mul3A_210 : i32 to vector<16xi32>
        %add3A_212 = arith.addi %add3A_211, %iota3A : vector<16xi32>
        %gather3A_213 = tpu.vector_load_idx %arg7[%broadcast_in_dim3A_81, %add3A_212] : memref<512x128xf32, #tpu.memory_space<vmem>>[vector<16xi32>, vector<16xi32>], vector<16xf32>,
        %ne3A_214 = arith.constant 0 : i32
        %ne3A_215 = vector.broadcast %ne3A_214 : i32 to vector<16xi32>
        %ne3A_216 = arith.cmpi ne, %add3A_212, %ne3A_215 : vector<16xi32>
        %ne3A_217 = arith.cmpi ne, %add3A_212, %gather3A_164 : vector<16xi32>
        %and3A_218 = arith.andi %ne3A_216, %ne3A_217 : vector<16xi1>
        %add3A_219 = vector.broadcast %reduce_max3A_160 : f32 to vector<16xf32>
        %add3A_220 = arith.addf %add3A_219, %gather3A_213 : vector<16xf32>
        %select_n3A_221 = arith.select %and3A_218, %add3A_220, %broadcast_in_dim3A_3 : vector<16xi1>, vector<16xf32>
        %mul3A_222 = arith.constant 4097 : i32
        %mul3A_223 = vector.broadcast %mul3A_222 : i32 to vector<16xi32>
        %mul3A_224 = arith.muli %add3A_212, %mul3A_223 : vector<16xi32>
        %add3A_225 = arith.addi %add3A_181, %mul3A_224 : vector<16xi32>
        %masked_sort3A_226 = arith.constant dense<true> : vector<16xi1>
        %masked_sort3A_227, %masked_sort3A_228, %masked_sort3A_229 = tpu.sort %select_n3A_221, %add3A_225 masked %masked_sort3A_226 {descending = true} : (vector<16xf32>, vector<16xi32>, vector<16xi1>) -> (vector<16xi1>, vector<16xf32>, vector<16xi32>)
        %gt3A_230 = arith.cmpf ogt, %masked_sort3A_228, %masked_sort3A_206 : vector<16xf32>
        %select_n3A_231 = arith.select %gt3A_230, %masked_sort3A_228, %masked_sort3A_206 : vector<16xi1>, vector<16xf32>
        %select_n3A_232 = arith.select %gt3A_230, %masked_sort3A_229, %masked_sort3A_207 : vector<16xi1>, vector<16xi32>
        %masked_sort3A_233 = arith.constant dense<true> : vector<16xi1>
        %masked_sort3A_234, %masked_sort3A_235, %masked_sort3A_236 = tpu.sort %select_n3A_231, %select_n3A_232 masked %masked_sort3A_233 : (vector<16xf32>, vector<16xi32>, vector<16xi1>) -> (vector<16xi1>, vector<16xf32>, vector<16xi32>)
        %scan3A_237 = arith.constant 2 : i32
        %mul3A_238 = arith.constant 16 : i32
        %mul3A_239 = arith.muli %scan3A_237, %mul3A_238 : i32
        %add3A_240 = vector.broadcast %mul3A_239 : i32 to vector<16xi32>
        %add3A_241 = arith.addi %add3A_240, %iota3A : vector<16xi32>
        %gather3A_242 = tpu.vector_load_idx %arg7[%broadcast_in_dim3A_81, %add3A_241] : memref<512x128xf32, #tpu.memory_space<vmem>>[vector<16xi32>, vector<16xi32>], vector<16xf32>,
        %ne3A_243 = arith.constant 0 : i32
        %ne3A_244 = vector.broadcast %ne3A_243 : i32 to vector<16xi32>
        %ne3A_245 = arith.cmpi ne, %add3A_241, %ne3A_244 : vector<16xi32>
        %ne3A_246 = arith.cmpi ne, %add3A_241, %gather3A_164 : vector<16xi32>
        %and3A_247 = arith.andi %ne3A_245, %ne3A_246 : vector<16xi1>
        %add3A_248 = vector.broadcast %reduce_max3A_160 : f32 to vector<16xf32>
        %add3A_249 = arith.addf %add3A_248, %gather3A_242 : vector<16xf32>
        %select_n3A_250 = arith.select %and3A_247, %add3A_249, %broadcast_in_dim3A_3 : vector<16xi1>, vector<16xf32>
        %mul3A_251 = arith.constant 4097 : i32
        %mul3A_252 = vector.broadcast %mul3A_251 : i32 to vector<16xi32>
        %mul3A_253 = arith.muli %add3A_241, %mul3A_252 : vector<16xi32>
        %add3A_254 = arith.addi %add3A_181, %mul3A_253 : vector<16xi32>
        %masked_sort3A_255 = arith.constant dense<true> : vector<16xi1>
        %masked_sort3A_256, %masked_sort3A_257, %masked_sort3A_258 = tpu.sort %select_n3A_250, %add3A_254 masked %masked_sort3A_255 {descending = true} : (vector<16xf32>, vector<16xi32>, vector<16xi1>) -> (vector<16xi1>, vector<16xf32>, vector<16xi32>)
        %gt3A_259 = arith.cmpf ogt, %masked_sort3A_257, %masked_sort3A_235 : vector<16xf32>
        %select_n3A_260 = arith.select %gt3A_259, %masked_sort3A_257, %masked_sort3A_235 : vector<16xi1>, vector<16xf32>
        %select_n3A_261 = arith.select %gt3A_259, %masked_sort3A_258, %masked_sort3A_236 : vector<16xi1>, vector<16xi32>
        %masked_sort3A_262 = arith.constant dense<true> : vector<16xi1>
        %masked_sort3A_263, %masked_sort3A_264, %masked_sort3A_265 = tpu.sort %select_n3A_260, %select_n3A_261 masked %masked_sort3A_262 : (vector<16xf32>, vector<16xi32>, vector<16xi1>) -> (vector<16xi1>, vector<16xf32>, vector<16xi32>)
        %scan3A_266 = arith.constant 3 : i32
        %mul3A_267 = arith.constant 16 : i32
        %mul3A_268 = arith.muli %scan3A_266, %mul3A_267 : i32
        %add3A_269 = vector.broadcast %mul3A_268 : i32 to vector<16xi32>
        %add3A_270 = arith.addi %add3A_269, %iota3A : vector<16xi32>
        %gather3A_271 = tpu.vector_load_idx %arg7[%broadcast_in_dim3A_81, %add3A_270] : memref<512x128xf32, #tpu.memory_space<vmem>>[vector<16xi32>, vector<16xi32>], vector<16xf32>,
        %ne3A_272 = arith.constant 0 : i32
        %ne3A_273 = vector.broadcast %ne3A_272 : i32 to vector<16xi32>
        %ne3A_274 = arith.cmpi ne, %add3A_270, %ne3A_273 : vector<16xi32>
        %ne3A_275 = arith.cmpi ne, %add3A_270, %gather3A_164 : vector<16xi32>
        %and3A_276 = arith.andi %ne3A_274, %ne3A_275 : vector<16xi1>
        %add3A_277 = vector.broadcast %reduce_max3A_160 : f32 to vector<16xf32>
        %add3A_278 = arith.addf %add3A_277, %gather3A_271 : vector<16xf32>
        %select_n3A_279 = arith.select %and3A_276, %add3A_278, %broadcast_in_dim3A_3 : vector<16xi1>, vector<16xf32>
        %mul3A_280 = arith.constant 4097 : i32
        %mul3A_281 = vector.broadcast %mul3A_280 : i32 to vector<16xi32>
        %mul3A_282 = arith.muli %add3A_270, %mul3A_281 : vector<16xi32>
        %add3A_283 = arith.addi %add3A_181, %mul3A_282 : vector<16xi32>
        %masked_sort3A_284 = arith.constant dense<true> : vector<16xi1>
        %masked_sort3A_285, %masked_sort3A_286, %masked_sort3A_287 = tpu.sort %select_n3A_279, %add3A_283 masked %masked_sort3A_284 {descending = true} : (vector<16xf32>, vector<16xi32>, vector<16xi1>) -> (vector<16xi1>, vector<16xf32>, vector<16xi32>)
        %gt3A_288 = arith.cmpf ogt, %masked_sort3A_286, %masked_sort3A_264 : vector<16xf32>
        %select_n3A_289 = arith.select %gt3A_288, %masked_sort3A_286, %masked_sort3A_264 : vector<16xi1>, vector<16xf32>
        %select_n3A_290 = arith.select %gt3A_288, %masked_sort3A_287, %masked_sort3A_265 : vector<16xi1>, vector<16xi32>
        %masked_sort3A_291 = arith.constant dense<true> : vector<16xi1>
        %masked_sort3A_292, %masked_sort3A_293, %masked_sort3A_294 = tpu.sort %select_n3A_289, %select_n3A_290 masked %masked_sort3A_291 : (vector<16xf32>, vector<16xi32>, vector<16xi1>) -> (vector<16xi1>, vector<16xf32>, vector<16xi32>)
        %scan3A_295 = arith.constant 4 : i32
        %mul3A_296 = arith.constant 16 : i32
        %mul3A_297 = arith.muli %scan3A_295, %mul3A_296 : i32
        %add3A_298 = vector.broadcast %mul3A_297 : i32 to vector<16xi32>
        %add3A_299 = arith.addi %add3A_298, %iota3A : vector<16xi32>
        %gather3A_300 = tpu.vector_load_idx %arg7[%broadcast_in_dim3A_81, %add3A_299] : memref<512x128xf32, #tpu.memory_space<vmem>>[vector<16xi32>, vector<16xi32>], vector<16xf32>,
        %ne3A_301 = arith.constant 0 : i32
        %ne3A_302 = vector.broadcast %ne3A_301 : i32 to vector<16xi32>
        %ne3A_303 = arith.cmpi ne, %add3A_299, %ne3A_302 : vector<16xi32>
        %ne3A_304 = arith.cmpi ne, %add3A_299, %gather3A_164 : vector<16xi32>
        %and3A_305 = arith.andi %ne3A_303, %ne3A_304 : vector<16xi1>
        %add3A_306 = vector.broadcast %reduce_max3A_160 : f32 to vector<16xf32>
        %add3A_307 = arith.addf %add3A_306, %gather3A_300 : vector<16xf32>
        %select_n3A_308 = arith.select %and3A_305, %add3A_307, %broadcast_in_dim3A_3 : vector<16xi1>, vector<16xf32>
        %mul3A_309 = arith.constant 4097 : i32
        %mul3A_310 = vector.broadcast %mul3A_309 : i32 to vector<16xi32>
        %mul3A_311 = arith.muli %add3A_299, %mul3A_310 : vector<16xi32>
        %add3A_312 = arith.addi %add3A_181, %mul3A_311 : vector<16xi32>
        %masked_sort3A_313 = arith.constant dense<true> : vector<16xi1>
        %masked_sort3A_314, %masked_sort3A_315, %masked_sort3A_316 = tpu.sort %select_n3A_308, %add3A_312 masked %masked_sort3A_313 {descending = true} : (vector<16xf32>, vector<16xi32>, vector<16xi1>) -> (vector<16xi1>, vector<16xf32>, vector<16xi32>)
        %gt3A_317 = arith.cmpf ogt, %masked_sort3A_315, %masked_sort3A_293 : vector<16xf32>
        %select_n3A_318 = arith.select %gt3A_317, %masked_sort3A_315, %masked_sort3A_293 : vector<16xi1>, vector<16xf32>
        %select_n3A_319 = arith.select %gt3A_317, %masked_sort3A_316, %masked_sort3A_294 : vector<16xi1>, vector<16xi32>
        %masked_sort3A_320 = arith.constant dense<true> : vector<16xi1>
        %masked_sort3A_321, %masked_sort3A_322, %masked_sort3A_323 = tpu.sort %select_n3A_318, %select_n3A_319 masked %masked_sort3A_320 : (vector<16xf32>, vector<16xi32>, vector<16xi1>) -> (vector<16xi1>, vector<16xf32>, vector<16xi32>)
        %scan3A_324 = arith.constant 5 : i32
        %mul3A_325 = arith.constant 16 : i32
        %mul3A_326 = arith.muli %scan3A_324, %mul3A_325 : i32
        %add3A_327 = vector.broadcast %mul3A_326 : i32 to vector<16xi32>
        %add3A_328 = arith.addi %add3A_327, %iota3A : vector<16xi32>
        %gather3A_329 = tpu.vector_load_idx %arg7[%broadcast_in_dim3A_81, %add3A_328] : memref<512x128xf32, #tpu.memory_space<vmem>>[vector<16xi32>, vector<16xi32>], vector<16xf32>,
        %ne3A_330 = arith.constant 0 : i32
        %ne3A_331 = vector.broadcast %ne3A_330 : i32 to vector<16xi32>
        %ne3A_332 = arith.cmpi ne, %add3A_328, %ne3A_331 : vector<16xi32>
        %ne3A_333 = arith.cmpi ne, %add3A_328, %gather3A_164 : vector<16xi32>
        %and3A_334 = arith.andi %ne3A_332, %ne3A_333 : vector<16xi1>
        %add3A_335 = vector.broadcast %reduce_max3A_160 : f32 to vector<16xf32>
        %add3A_336 = arith.addf %add3A_335, %gather3A_329 : vector<16xf32>
        %select_n3A_337 = arith.select %and3A_334, %add3A_336, %broadcast_in_dim3A_3 : vector<16xi1>, vector<16xf32>
        %mul3A_338 = arith.constant 4097 : i32
        %mul3A_339 = vector.broadcast %mul3A_338 : i32 to vector<16xi32>
        %mul3A_340 = arith.muli %add3A_328, %mul3A_339 : vector<16xi32>
        %add3A_341 = arith.addi %add3A_181, %mul3A_340 : vector<16xi32>
        %masked_sort3A_342 = arith.constant dense<true> : vector<16xi1>
        %masked_sort3A_343, %masked_sort3A_344, %masked_sort3A_345 = tpu.sort %select_n3A_337, %add3A_341 masked %masked_sort3A_342 {descending = true} : (vector<16xf32>, vector<16xi32>, vector<16xi1>) -> (vector<16xi1>, vector<16xf32>, vector<16xi32>)
        %gt3A_346 = arith.cmpf ogt, %masked_sort3A_344, %masked_sort3A_322 : vector<16xf32>
        %select_n3A_347 = arith.select %gt3A_346, %masked_sort3A_344, %masked_sort3A_322 : vector<16xi1>, vector<16xf32>
        %select_n3A_348 = arith.select %gt3A_346, %masked_sort3A_345, %masked_sort3A_323 : vector<16xi1>, vector<16xi32>
        %masked_sort3A_349 = arith.constant dense<true> : vector<16xi1>
        %masked_sort3A_350, %masked_sort3A_351, %masked_sort3A_352 = tpu.sort %select_n3A_347, %select_n3A_348 masked %masked_sort3A_349 : (vector<16xf32>, vector<16xi32>, vector<16xi1>) -> (vector<16xi1>, vector<16xf32>, vector<16xi32>)
        %scan3A_353 = arith.constant 6 : i32
        %mul3A_354 = arith.constant 16 : i32
        %mul3A_355 = arith.muli %scan3A_353, %mul3A_354 : i32
        %add3A_356 = vector.broadcast %mul3A_355 : i32 to vector<16xi32>
        %add3A_357 = arith.addi %add3A_356, %iota3A : vector<16xi32>
        %gather3A_358 = tpu.vector_load_idx %arg7[%broadcast_in_dim3A_81, %add3A_357] : memref<512x128xf32, #tpu.memory_space<vmem>>[vector<16xi32>, vector<16xi32>], vector<16xf32>,
        %ne3A_359 = arith.constant 0 : i32
        %ne3A_360 = vector.broadcast %ne3A_359 : i32 to vector<16xi32>
        %ne3A_361 = arith.cmpi ne, %add3A_357, %ne3A_360 : vector<16xi32>
        %ne3A_362 = arith.cmpi ne, %add3A_357, %gather3A_164 : vector<16xi32>
        %and3A_363 = arith.andi %ne3A_361, %ne3A_362 : vector<16xi1>
        %add3A_364 = vector.broadcast %reduce_max3A_160 : f32 to vector<16xf32>
        %add3A_365 = arith.addf %add3A_364, %gather3A_358 : vector<16xf32>
        %select_n3A_366 = arith.select %and3A_363, %add3A_365, %broadcast_in_dim3A_3 : vector<16xi1>, vector<16xf32>
        %mul3A_367 = arith.constant 4097 : i32
        %mul3A_368 = vector.broadcast %mul3A_367 : i32 to vector<16xi32>
        %mul3A_369 = arith.muli %add3A_357, %mul3A_368 : vector<16xi32>
        %add3A_370 = arith.addi %add3A_181, %mul3A_369 : vector<16xi32>
        %masked_sort3A_371 = arith.constant dense<true> : vector<16xi1>
        %masked_sort3A_372, %masked_sort3A_373, %masked_sort3A_374 = tpu.sort %select_n3A_366, %add3A_370 masked %masked_sort3A_371 {descending = true} : (vector<16xf32>, vector<16xi32>, vector<16xi1>) -> (vector<16xi1>, vector<16xf32>, vector<16xi32>)
        %gt3A_375 = arith.cmpf ogt, %masked_sort3A_373, %masked_sort3A_351 : vector<16xf32>
        %select_n3A_376 = arith.select %gt3A_375, %masked_sort3A_373, %masked_sort3A_351 : vector<16xi1>, vector<16xf32>
        %select_n3A_377 = arith.select %gt3A_375, %masked_sort3A_374, %masked_sort3A_352 : vector<16xi1>, vector<16xi32>
        %masked_sort3A_378 = arith.constant dense<true> : vector<16xi1>
        %masked_sort3A_379, %masked_sort3A_380, %masked_sort3A_381 = tpu.sort %select_n3A_376, %select_n3A_377 masked %masked_sort3A_378 : (vector<16xf32>, vector<16xi32>, vector<16xi1>) -> (vector<16xi1>, vector<16xf32>, vector<16xi32>)
        %scan3A_382 = arith.constant 7 : i32
        %mul3A_383 = arith.constant 16 : i32
        %mul3A_384 = arith.muli %scan3A_382, %mul3A_383 : i32
        %add3A_385 = vector.broadcast %mul3A_384 : i32 to vector<16xi32>
        %add3A_386 = arith.addi %add3A_385, %iota3A : vector<16xi32>
        %gather3A_387 = tpu.vector_load_idx %arg7[%broadcast_in_dim3A_81, %add3A_386] : memref<512x128xf32, #tpu.memory_space<vmem>>[vector<16xi32>, vector<16xi32>], vector<16xf32>,
        %ne3A_388 = arith.constant 0 : i32
        %ne3A_389 = vector.broadcast %ne3A_388 : i32 to vector<16xi32>
        %ne3A_390 = arith.cmpi ne, %add3A_386, %ne3A_389 : vector<16xi32>
        %ne3A_391 = arith.cmpi ne, %add3A_386, %gather3A_164 : vector<16xi32>
        %and3A_392 = arith.andi %ne3A_390, %ne3A_391 : vector<16xi1>
        %add3A_393 = vector.broadcast %reduce_max3A_160 : f32 to vector<16xf32>
        %add3A_394 = arith.addf %add3A_393, %gather3A_387 : vector<16xf32>
        %select_n3A_395 = arith.select %and3A_392, %add3A_394, %broadcast_in_dim3A_3 : vector<16xi1>, vector<16xf32>
        %mul3A_396 = arith.constant 4097 : i32
        %mul3A_397 = vector.broadcast %mul3A_396 : i32 to vector<16xi32>
        %mul3A_398 = arith.muli %add3A_386, %mul3A_397 : vector<16xi32>
        %add3A_399 = arith.addi %add3A_181, %mul3A_398 : vector<16xi32>
        %masked_sort3A_400 = arith.constant dense<true> : vector<16xi1>
        %masked_sort3A_401, %masked_sort3A_402, %masked_sort3A_403 = tpu.sort %select_n3A_395, %add3A_399 masked %masked_sort3A_400 {descending = true} : (vector<16xf32>, vector<16xi32>, vector<16xi1>) -> (vector<16xi1>, vector<16xf32>, vector<16xi32>)
        %gt3A_404 = arith.cmpf ogt, %masked_sort3A_402, %masked_sort3A_380 : vector<16xf32>
        %select_n3A_405 = arith.select %gt3A_404, %masked_sort3A_402, %masked_sort3A_380 : vector<16xi1>, vector<16xf32>
        %select_n3A_406 = arith.select %gt3A_404, %masked_sort3A_403, %masked_sort3A_381 : vector<16xi1>, vector<16xi32>
        %masked_sort3A_407 = arith.constant dense<true> : vector<16xi1>
        %masked_sort3A_408, %masked_sort3A_409, %masked_sort3A_410 = tpu.sort %select_n3A_405, %select_n3A_406 masked %masked_sort3A_407 : (vector<16xf32>, vector<16xi32>, vector<16xi1>) -> (vector<16xi1>, vector<16xf32>, vector<16xi32>)
        %scan3A_411 = arith.constant 8 : i32
        %slice3A_412 = vector.extract_strided_slice %masked_sort3A_409 {offsets = [0], sizes = [1], strides = [1]} : vector<16xf32> to vector<1xf32>
        %squeeze3A_413 = vector.extract %slice3A_412[0] : f32 from vector<1xf32>
        %scan3A_414 = arith.constant 0 : i32
        %scan3A_415 = arith.constant 0 : i32
        %mul3A_416 = arith.constant 16 : i32
        %mul3A_417 = arith.muli %scan3A_415, %mul3A_416 : i32
        %add3A_418 = vector.broadcast %mul3A_417 : i32 to vector<16xi32>
        %add3A_419 = arith.addi %add3A_418, %iota3A : vector<16xi32>
        %gather3A_420 = tpu.vector_load_idx %arg7[%broadcast_in_dim3A_81, %add3A_419] : memref<512x128xf32, #tpu.memory_space<vmem>>[vector<16xi32>, vector<16xi32>], vector<16xf32>,
        %add3A_421 = vector.broadcast %reduce_max3A_160 : f32 to vector<16xf32>
        %add3A_422 = arith.addf %gather3A_420, %add3A_421 : vector<16xf32>
        %ge3A = vector.broadcast %squeeze3A_413 : f32 to vector<16xf32>
        %ge3A_423 = arith.cmpf oge, %add3A_422, %ge3A : vector<16xf32>
        %gt3A_424 = arith.constant 0 : i32
        %gt3A_425 = vector.broadcast %gt3A_424 : i32 to vector<16xi32>
        %gt3A_426 = arith.cmpi sgt, %add3A_419, %gt3A_425 : vector<16xi32>
        %and3A_427 = arith.andi %ge3A_423, %gt3A_426 : vector<16xi1>
        %all_reduce_population_count3A = tpu.all_reduce %and3A_427 {dim = 0 : i64, kind = #tpu.reduction_kind<sum>} : vector<16xi1> -> vector<16xi32>
        %slice3A_428 = vector.extract_strided_slice %all_reduce_population_count3A {offsets = [0], sizes = [1], strides = [1]} : vector<16xi32> to vector<1xi32>
        %squeeze3A_429 = vector.extract %slice3A_428[0] : i32 from vector<1xi32>
        %swap3A_430 = arith.index_cast %scan3A_414 : i32 to index
        %swap3A_431 = tpu.vector_load %arg18[%swap3A_430] masked %and3A_427 {strides = array<i32>} : memref<144xi32, #tpu.memory_space<vmem>>, vector<16xi32>, vector<16xi1>
        tpu.vector_store %arg18[%swap3A_430], %add3A_419 masked %and3A_427 {strides = array<i32>} : memref<144xi32, #tpu.memory_space<vmem>>, vector<16xi32>, vector<16xi1>
        %add3A_432 = arith.addi %scan3A_414, %squeeze3A_429 : i32
        %scan3A_433 = arith.constant 1 : i32
        %mul3A_434 = arith.constant 16 : i32
        %mul3A_435 = arith.muli %scan3A_433, %mul3A_434 : i32
        %add3A_436 = vector.broadcast %mul3A_435 : i32 to vector<16xi32>
        %add3A_437 = arith.addi %add3A_436, %iota3A : vector<16xi32>
        %gather3A_438 = tpu.vector_load_idx %arg7[%broadcast_in_dim3A_81, %add3A_437] : memref<512x128xf32, #tpu.memory_space<vmem>>[vector<16xi32>, vector<16xi32>], vector<16xf32>,
        %add3A_439 = vector.broadcast %reduce_max3A_160 : f32 to vector<16xf32>
        %add3A_440 = arith.addf %gather3A_438, %add3A_439 : vector<16xf32>
        %ge3A_441 = vector.broadcast %squeeze3A_413 : f32 to vector<16xf32>
        %ge3A_442 = arith.cmpf oge, %add3A_440, %ge3A_441 : vector<16xf32>
        %gt3A_443 = arith.constant 0 : i32
        %gt3A_444 = vector.broadcast %gt3A_443 : i32 to vector<16xi32>
        %gt3A_445 = arith.cmpi sgt, %add3A_437, %gt3A_444 : vector<16xi32>
        %and3A_446 = arith.andi %ge3A_442, %gt3A_445 : vector<16xi1>
        %all_reduce_population_count3A_447 = tpu.all_reduce %and3A_446 {dim = 0 : i64, kind = #tpu.reduction_kind<sum>} : vector<16xi1> -> vector<16xi32>
        %slice3A_448 = vector.extract_strided_slice %all_reduce_population_count3A_447 {offsets = [0], sizes = [1], strides = [1]} : vector<16xi32> to vector<1xi32>
        %squeeze3A_449 = vector.extract %slice3A_448[0] : i32 from vector<1xi32>
        %swap3A_450 = arith.index_cast %add3A_432 : i32 to index
        %swap3A_451 = tpu.vector_load %arg18[%swap3A_450] masked %and3A_446 {strides = array<i32>} : memref<144xi32, #tpu.memory_space<vmem>>, vector<16xi32>, vector<16xi1>
        tpu.vector_store %arg18[%swap3A_450], %add3A_437 masked %and3A_446 {strides = array<i32>} : memref<144xi32, #tpu.memory_space<vmem>>, vector<16xi32>, vector<16xi1>
        %add3A_452 = arith.addi %add3A_432, %squeeze3A_449 : i32
        %scan3A_453 = arith.constant 2 : i32
        %mul3A_454 = arith.constant 16 : i32
        %mul3A_455 = arith.muli %scan3A_453, %mul3A_454 : i32
        %add3A_456 = vector.broadcast %mul3A_455 : i32 to vector<16xi32>
        %add3A_457 = arith.addi %add3A_456, %iota3A : vector<16xi32>
        %gather3A_458 = tpu.vector_load_idx %arg7[%broadcast_in_dim3A_81, %add3A_457] : memref<512x128xf32, #tpu.memory_space<vmem>>[vector<16xi32>, vector<16xi32>], vector<16xf32>,
        %add3A_459 = vector.broadcast %reduce_max3A_160 : f32 to vector<16xf32>
        %add3A_460 = arith.addf %gather3A_458, %add3A_459 : vector<16xf32>
        %ge3A_461 = vector.broadcast %squeeze3A_413 : f32 to vector<16xf32>
        %ge3A_462 = arith.cmpf oge, %add3A_460, %ge3A_461 : vector<16xf32>
        %gt3A_463 = arith.constant 0 : i32
        %gt3A_464 = vector.broadcast %gt3A_463 : i32 to vector<16xi32>
        %gt3A_465 = arith.cmpi sgt, %add3A_457, %gt3A_464 : vector<16xi32>
        %and3A_466 = arith.andi %ge3A_462, %gt3A_465 : vector<16xi1>
        %all_reduce_population_count3A_467 = tpu.all_reduce %and3A_466 {dim = 0 : i64, kind = #tpu.reduction_kind<sum>} : vector<16xi1> -> vector<16xi32>
        %slice3A_468 = vector.extract_strided_slice %all_reduce_population_count3A_467 {offsets = [0], sizes = [1], strides = [1]} : vector<16xi32> to vector<1xi32>
        %squeeze3A_469 = vector.extract %slice3A_468[0] : i32 from vector<1xi32>
        %swap3A_470 = arith.index_cast %add3A_452 : i32 to index
        %swap3A_471 = tpu.vector_load %arg18[%swap3A_470] masked %and3A_466 {strides = array<i32>} : memref<144xi32, #tpu.memory_space<vmem>>, vector<16xi32>, vector<16xi1>
        tpu.vector_store %arg18[%swap3A_470], %add3A_457 masked %and3A_466 {strides = array<i32>} : memref<144xi32, #tpu.memory_space<vmem>>, vector<16xi32>, vector<16xi1>
        %add3A_472 = arith.addi %add3A_452, %squeeze3A_469 : i32
        %scan3A_473 = arith.constant 3 : i32
        %mul3A_474 = arith.constant 16 : i32
        %mul3A_475 = arith.muli %scan3A_473, %mul3A_474 : i32
        %add3A_476 = vector.broadcast %mul3A_475 : i32 to vector<16xi32>
        %add3A_477 = arith.addi %add3A_476, %iota3A : vector<16xi32>
        %gather3A_478 = tpu.vector_load_idx %arg7[%broadcast_in_dim3A_81, %add3A_477] : memref<512x128xf32, #tpu.memory_space<vmem>>[vector<16xi32>, vector<16xi32>], vector<16xf32>,
        %add3A_479 = vector.broadcast %reduce_max3A_160 : f32 to vector<16xf32>
        %add3A_480 = arith.addf %gather3A_478, %add3A_479 : vector<16xf32>
        %ge3A_481 = vector.broadcast %squeeze3A_413 : f32 to vector<16xf32>
        %ge3A_482 = arith.cmpf oge, %add3A_480, %ge3A_481 : vector<16xf32>
        %gt3A_483 = arith.constant 0 : i32
        %gt3A_484 = vector.broadcast %gt3A_483 : i32 to vector<16xi32>
        %gt3A_485 = arith.cmpi sgt, %add3A_477, %gt3A_484 : vector<16xi32>
        %and3A_486 = arith.andi %ge3A_482, %gt3A_485 : vector<16xi1>
        %all_reduce_population_count3A_487 = tpu.all_reduce %and3A_486 {dim = 0 : i64, kind = #tpu.reduction_kind<sum>} : vector<16xi1> -> vector<16xi32>
        %slice3A_488 = vector.extract_strided_slice %all_reduce_population_count3A_487 {offsets = [0], sizes = [1], strides = [1]} : vector<16xi32> to vector<1xi32>
        %squeeze3A_489 = vector.extract %slice3A_488[0] : i32 from vector<1xi32>
        %swap3A_490 = arith.index_cast %add3A_472 : i32 to index
        %swap3A_491 = tpu.vector_load %arg18[%swap3A_490] masked %and3A_486 {strides = array<i32>} : memref<144xi32, #tpu.memory_space<vmem>>, vector<16xi32>, vector<16xi1>
        tpu.vector_store %arg18[%swap3A_490], %add3A_477 masked %and3A_486 {strides = array<i32>} : memref<144xi32, #tpu.memory_space<vmem>>, vector<16xi32>, vector<16xi1>
        %add3A_492 = arith.addi %add3A_472, %squeeze3A_489 : i32
        %scan3A_493 = arith.constant 4 : i32
        %mul3A_494 = arith.constant 16 : i32
        %mul3A_495 = arith.muli %scan3A_493, %mul3A_494 : i32
        %add3A_496 = vector.broadcast %mul3A_495 : i32 to vector<16xi32>
        %add3A_497 = arith.addi %add3A_496, %iota3A : vector<16xi32>
        %gather3A_498 = tpu.vector_load_idx %arg7[%broadcast_in_dim3A_81, %add3A_497] : memref<512x128xf32, #tpu.memory_space<vmem>>[vector<16xi32>, vector<16xi32>], vector<16xf32>,
        %add3A_499 = vector.broadcast %reduce_max3A_160 : f32 to vector<16xf32>
        %add3A_500 = arith.addf %gather3A_498, %add3A_499 : vector<16xf32>
        %ge3A_501 = vector.broadcast %squeeze3A_413 : f32 to vector<16xf32>
        %ge3A_502 = arith.cmpf oge, %add3A_500, %ge3A_501 : vector<16xf32>
        %gt3A_503 = arith.constant 0 : i32
        %gt3A_504 = vector.broadcast %gt3A_503 : i32 to vector<16xi32>
        %gt3A_505 = arith.cmpi sgt, %add3A_497, %gt3A_504 : vector<16xi32>
        %and3A_506 = arith.andi %ge3A_502, %gt3A_505 : vector<16xi1>
        %all_reduce_population_count3A_507 = tpu.all_reduce %and3A_506 {dim = 0 : i64, kind = #tpu.reduction_kind<sum>} : vector<16xi1> -> vector<16xi32>
        %slice3A_508 = vector.extract_strided_slice %all_reduce_population_count3A_507 {offsets = [0], sizes = [1], strides = [1]} : vector<16xi32> to vector<1xi32>
        %squeeze3A_509 = vector.extract %slice3A_508[0] : i32 from vector<1xi32>
        %swap3A_510 = arith.index_cast %add3A_492 : i32 to index
        %swap3A_511 = tpu.vector_load %arg18[%swap3A_510] masked %and3A_506 {strides = array<i32>} : memref<144xi32, #tpu.memory_space<vmem>>, vector<16xi32>, vector<16xi1>
        tpu.vector_store %arg18[%swap3A_510], %add3A_497 masked %and3A_506 {strides = array<i32>} : memref<144xi32, #tpu.memory_space<vmem>>, vector<16xi32>, vector<16xi1>
        %add3A_512 = arith.addi %add3A_492, %squeeze3A_509 : i32
        %scan3A_513 = arith.constant 5 : i32
        %mul3A_514 = arith.constant 16 : i32
        %mul3A_515 = arith.muli %scan3A_513, %mul3A_514 : i32
        %add3A_516 = vector.broadcast %mul3A_515 : i32 to vector<16xi32>
        %add3A_517 = arith.addi %add3A_516, %iota3A : vector<16xi32>
        %gather3A_518 = tpu.vector_load_idx %arg7[%broadcast_in_dim3A_81, %add3A_517] : memref<512x128xf32, #tpu.memory_space<vmem>>[vector<16xi32>, vector<16xi32>], vector<16xf32>,
        %add3A_519 = vector.broadcast %reduce_max3A_160 : f32 to vector<16xf32>
        %add3A_520 = arith.addf %gather3A_518, %add3A_519 : vector<16xf32>
        %ge3A_521 = vector.broadcast %squeeze3A_413 : f32 to vector<16xf32>
        %ge3A_522 = arith.cmpf oge, %add3A_520, %ge3A_521 : vector<16xf32>
        %gt3A_523 = arith.constant 0 : i32
        %gt3A_524 = vector.broadcast %gt3A_523 : i32 to vector<16xi32>
        %gt3A_525 = arith.cmpi sgt, %add3A_517, %gt3A_524 : vector<16xi32>
        %and3A_526 = arith.andi %ge3A_522, %gt3A_525 : vector<16xi1>
        %all_reduce_population_count3A_527 = tpu.all_reduce %and3A_526 {dim = 0 : i64, kind = #tpu.reduction_kind<sum>} : vector<16xi1> -> vector<16xi32>
        %slice3A_528 = vector.extract_strided_slice %all_reduce_population_count3A_527 {offsets = [0], sizes = [1], strides = [1]} : vector<16xi32> to vector<1xi32>
        %squeeze3A_529 = vector.extract %slice3A_528[0] : i32 from vector<1xi32>
        %swap3A_530 = arith.index_cast %add3A_512 : i32 to index
        %swap3A_531 = tpu.vector_load %arg18[%swap3A_530] masked %and3A_526 {strides = array<i32>} : memref<144xi32, #tpu.memory_space<vmem>>, vector<16xi32>, vector<16xi1>
        tpu.vector_store %arg18[%swap3A_530], %add3A_517 masked %and3A_526 {strides = array<i32>} : memref<144xi32, #tpu.memory_space<vmem>>, vector<16xi32>, vector<16xi1>
        %add3A_532 = arith.addi %add3A_512, %squeeze3A_529 : i32
        %scan3A_533 = arith.constant 6 : i32
        %mul3A_534 = arith.constant 16 : i32
        %mul3A_535 = arith.muli %scan3A_533, %mul3A_534 : i32
        %add3A_536 = vector.broadcast %mul3A_535 : i32 to vector<16xi32>
        %add3A_537 = arith.addi %add3A_536, %iota3A : vector<16xi32>
        %gather3A_538 = tpu.vector_load_idx %arg7[%broadcast_in_dim3A_81, %add3A_537] : memref<512x128xf32, #tpu.memory_space<vmem>>[vector<16xi32>, vector<16xi32>], vector<16xf32>,
        %add3A_539 = vector.broadcast %reduce_max3A_160 : f32 to vector<16xf32>
        %add3A_540 = arith.addf %gather3A_538, %add3A_539 : vector<16xf32>
        %ge3A_541 = vector.broadcast %squeeze3A_413 : f32 to vector<16xf32>
        %ge3A_542 = arith.cmpf oge, %add3A_540, %ge3A_541 : vector<16xf32>
        %gt3A_543 = arith.constant 0 : i32
        %gt3A_544 = vector.broadcast %gt3A_543 : i32 to vector<16xi32>
        %gt3A_545 = arith.cmpi sgt, %add3A_537, %gt3A_544 : vector<16xi32>
        %and3A_546 = arith.andi %ge3A_542, %gt3A_545 : vector<16xi1>
        %all_reduce_population_count3A_547 = tpu.all_reduce %and3A_546 {dim = 0 : i64, kind = #tpu.reduction_kind<sum>} : vector<16xi1> -> vector<16xi32>
        %slice3A_548 = vector.extract_strided_slice %all_reduce_population_count3A_547 {offsets = [0], sizes = [1], strides = [1]} : vector<16xi32> to vector<1xi32>
        %squeeze3A_549 = vector.extract %slice3A_548[0] : i32 from vector<1xi32>
        %swap3A_550 = arith.index_cast %add3A_532 : i32 to index
        %swap3A_551 = tpu.vector_load %arg18[%swap3A_550] masked %and3A_546 {strides = array<i32>} : memref<144xi32, #tpu.memory_space<vmem>>, vector<16xi32>, vector<16xi1>
        tpu.vector_store %arg18[%swap3A_550], %add3A_537 masked %and3A_546 {strides = array<i32>} : memref<144xi32, #tpu.memory_space<vmem>>, vector<16xi32>, vector<16xi1>
        %add3A_552 = arith.addi %add3A_532, %squeeze3A_549 : i32
        %scan3A_553 = arith.constant 7 : i32
        %mul3A_554 = arith.constant 16 : i32
        %mul3A_555 = arith.muli %scan3A_553, %mul3A_554 : i32
        %add3A_556 = vector.broadcast %mul3A_555 : i32 to vector<16xi32>
        %add3A_557 = arith.addi %add3A_556, %iota3A : vector<16xi32>
        %gather3A_558 = tpu.vector_load_idx %arg7[%broadcast_in_dim3A_81, %add3A_557] : memref<512x128xf32, #tpu.memory_space<vmem>>[vector<16xi32>, vector<16xi32>], vector<16xf32>,
        %add3A_559 = vector.broadcast %reduce_max3A_160 : f32 to vector<16xf32>
        %add3A_560 = arith.addf %gather3A_558, %add3A_559 : vector<16xf32>
        %ge3A_561 = vector.broadcast %squeeze3A_413 : f32 to vector<16xf32>
        %ge3A_562 = arith.cmpf oge, %add3A_560, %ge3A_561 : vector<16xf32>
        %gt3A_563 = arith.constant 0 : i32
        %gt3A_564 = vector.broadcast %gt3A_563 : i32 to vector<16xi32>
        %gt3A_565 = arith.cmpi sgt, %add3A_557, %gt3A_564 : vector<16xi32>
        %and3A_566 = arith.andi %ge3A_562, %gt3A_565 : vector<16xi1>
        %all_reduce_population_count3A_567 = tpu.all_reduce %and3A_566 {dim = 0 : i64, kind = #tpu.reduction_kind<sum>} : vector<16xi1> -> vector<16xi32>
        %slice3A_568 = vector.extract_strided_slice %all_reduce_population_count3A_567 {offsets = [0], sizes = [1], strides = [1]} : vector<16xi32> to vector<1xi32>
        %squeeze3A_569 = vector.extract %slice3A_568[0] : i32 from vector<1xi32>
        %swap3A_570 = arith.index_cast %add3A_552 : i32 to index
        %swap3A_571 = tpu.vector_load %arg18[%swap3A_570] masked %and3A_566 {strides = array<i32>} : memref<144xi32, #tpu.memory_space<vmem>>, vector<16xi32>, vector<16xi1>
        tpu.vector_store %arg18[%swap3A_570], %add3A_557 masked %and3A_566 {strides = array<i32>} : memref<144xi32, #tpu.memory_space<vmem>>, vector<16xi32>, vector<16xi1>
        %add3A_572 = arith.addi %add3A_552, %squeeze3A_569 : i32
        %scan3A_573 = arith.constant 8 : i32
        %while3A_574 = arith.constant 0 : i32
        %while3A_575 = arith.constant 0 : i32
        %while3A_576 = arith.subi %add3A_572, %while3A_574 : i32
        %while3A_577 = arith.addi %while3A_574, %while3A_576 : i32
        %while3A_578 = arith.constant 1 : i32
        %while3A_579 = arith.divsi %while3A_576, %while3A_578 : i32
        %while3A_580 = arith.muli %while3A_579, %while3A_578 : i32
        %while3A_581 = arith.addi %while3A_574, %while3A_580 : i32
        %while3A_582 = arith.constant 1 : i32
        %while3A_583 = scf.for %while3A_859 = %while3A_574 to %while3A_581 step %while3A_582 iter_args(%while3A_860 = %while3A_575) -> (i32)  : i32 {
          %broadcast_in_dim3A_861 = vector.broadcast %while3A_859 : i32 to vector<16xi32>
          %gather3A_862 = tpu.vector_load_idx %arg18[%broadcast_in_dim3A_861] : memref<144xi32, #tpu.memory_space<vmem>>[vector<16xi32>], vector<16xi32>,
          %gather3A_863 = tpu.vector_load_idx %arg7[%broadcast_in_dim3A_81, %gather3A_862] : memref<512x128xf32, #tpu.memory_space<vmem>>[vector<16xi32>, vector<16xi32>], vector<16xf32>,
          %eq3A_864 = arith.cmpi eq, %while3A_79, %gather3A_862 : vector<16xi32>
          %select_n3A_865 = arith.select %eq3A_864, %while3A_75, %while3A_77 : vector<16xi1>, vector<16xf32>
          %add3A_866 = arith.addf %select_n3A_865, %gather3A_863 : vector<16xf32>
          %ge3A_867 = vector.broadcast %squeeze3A_413 : f32 to vector<16xf32>
          %ge3A_868 = arith.cmpf oge, %add3A_866, %ge3A_867 : vector<16xf32>
          %ne3A_869 = arith.cmpi ne, %iota3A, %all_reduce_ffs3A_163 : vector<16xi32>
          %eq3A_870 = arith.cmpi eq, %gather3A_862, %gather3A_164 : vector<16xi32>
          %or3A_871 = arith.ori %ne3A_869, %eq3A_870 : vector<16xi1>
          %and3A_872 = arith.andi %ge3A_868, %or3A_871 : vector<16xi1>
          %select_n3A_873 = arith.select %and3A_872, %add3A_866, %broadcast_in_dim3A_3 : vector<16xi1>, vector<16xf32>
          %mul3A_874 = arith.constant 16 : i32
          %mul3A_875 = arith.muli %while3A_859, %mul3A_874 : i32
          %swap3A_876 = arith.index_cast %mul3A_875 : i32 to index
          %swap3A_877 = tpu.vector_load %arg9[%swap3A_876] {strides = array<i32>} : memref<2080xf32, #tpu.memory_space<vmem>>, vector<16xf32>,
          tpu.vector_store %arg9[%swap3A_876], %select_n3A_873 {strides = array<i32>} : memref<2080xf32, #tpu.memory_space<vmem>>, vector<16xf32>,
          %mul3A_878 = arith.constant 4097 : i32
          %mul3A_879 = vector.broadcast %mul3A_878 : i32 to vector<16xi32>
          %mul3A_880 = arith.muli %gather3A_862, %mul3A_879 : vector<16xi32>
          %add3A_881 = arith.addi %add3A_156, %mul3A_880 : vector<16xi32>
          %mul3A_882 = arith.constant 16 : i32
          %mul3A_883 = arith.muli %while3A_859, %mul3A_882 : i32
          %swap3A_884 = arith.index_cast %mul3A_883 : i32 to index
          %swap3A_885 = tpu.vector_load %arg10[%swap3A_884] {strides = array<i32>} : memref<2080xi32, #tpu.memory_space<vmem>>, vector<16xi32>,
          tpu.vector_store %arg10[%swap3A_884], %add3A_881 {strides = array<i32>} : memref<2080xi32, #tpu.memory_space<vmem>>, vector<16xi32>,
          %while3A_886 = arith.constant 0 : i32
          scf.yield %while3A_886 : i32
        }
        %while3A_584 = arith.constant 1 : i32
        %while3A_585 = scf.for %while3A_859 = %while3A_581 to %while3A_577 step %while3A_584 iter_args(%while3A_860 = %while3A_583) -> (i32)  : i32 {
          %broadcast_in_dim3A_861 = vector.broadcast %while3A_859 : i32 to vector<16xi32>
          %gather3A_862 = tpu.vector_load_idx %arg18[%broadcast_in_dim3A_861] : memref<144xi32, #tpu.memory_space<vmem>>[vector<16xi32>], vector<16xi32>,
          %gather3A_863 = tpu.vector_load_idx %arg7[%broadcast_in_dim3A_81, %gather3A_862] : memref<512x128xf32, #tpu.memory_space<vmem>>[vector<16xi32>, vector<16xi32>], vector<16xf32>,
          %eq3A_864 = arith.cmpi eq, %while3A_79, %gather3A_862 : vector<16xi32>
          %select_n3A_865 = arith.select %eq3A_864, %while3A_75, %while3A_77 : vector<16xi1>, vector<16xf32>
          %add3A_866 = arith.addf %select_n3A_865, %gather3A_863 : vector<16xf32>
          %ge3A_867 = vector.broadcast %squeeze3A_413 : f32 to vector<16xf32>
          %ge3A_868 = arith.cmpf oge, %add3A_866, %ge3A_867 : vector<16xf32>
          %ne3A_869 = arith.cmpi ne, %iota3A, %all_reduce_ffs3A_163 : vector<16xi32>
          %eq3A_870 = arith.cmpi eq, %gather3A_862, %gather3A_164 : vector<16xi32>
          %or3A_871 = arith.ori %ne3A_869, %eq3A_870 : vector<16xi1>
          %and3A_872 = arith.andi %ge3A_868, %or3A_871 : vector<16xi1>
          %select_n3A_873 = arith.select %and3A_872, %add3A_866, %broadcast_in_dim3A_3 : vector<16xi1>, vector<16xf32>
          %mul3A_874 = arith.constant 16 : i32
          %mul3A_875 = arith.muli %while3A_859, %mul3A_874 : i32
          %swap3A_876 = arith.index_cast %mul3A_875 : i32 to index
          %swap3A_877 = tpu.vector_load %arg9[%swap3A_876] {strides = array<i32>} : memref<2080xf32, #tpu.memory_space<vmem>>, vector<16xf32>,
          tpu.vector_store %arg9[%swap3A_876], %select_n3A_873 {strides = array<i32>} : memref<2080xf32, #tpu.memory_space<vmem>>, vector<16xf32>,
          %mul3A_878 = arith.constant 4097 : i32
          %mul3A_879 = vector.broadcast %mul3A_878 : i32 to vector<16xi32>
          %mul3A_880 = arith.muli %gather3A_862, %mul3A_879 : vector<16xi32>
          %add3A_881 = arith.addi %add3A_156, %mul3A_880 : vector<16xi32>
          %mul3A_882 = arith.constant 16 : i32
          %mul3A_883 = arith.muli %while3A_859, %mul3A_882 : i32
          %swap3A_884 = arith.index_cast %mul3A_883 : i32 to index
          %swap3A_885 = tpu.vector_load %arg10[%swap3A_884] {strides = array<i32>} : memref<2080xi32, #tpu.memory_space<vmem>>, vector<16xi32>,
          tpu.vector_store %arg10[%swap3A_884], %add3A_881 {strides = array<i32>} : memref<2080xi32, #tpu.memory_space<vmem>>, vector<16xi32>,
          %while3A_886 = arith.constant 0 : i32
          scf.yield %while3A_886 : i32
        }
        %while3A_586 = arith.constant 0 : i32
        %while3A_587 = arith.subi %add3A_572, %while3A_586 : i32
        %while3A_588 = arith.addi %while3A_586, %while3A_587 : i32
        %while3A_589 = arith.constant 1 : i32
        %while3A_590 = arith.divsi %while3A_587, %while3A_589 : i32
        %while3A_591 = arith.muli %while3A_590, %while3A_589 : i32
        %while3A_592 = arith.addi %while3A_586, %while3A_591 : i32
        %while3A_593 = arith.constant 1 : i32
        %while3A_594:2 = scf.for %while3A_859 = %while3A_586 to %while3A_592 step %while3A_593 iter_args(%while3A_860 = %masked_sort3A_409, %while3A_861 = %masked_sort3A_410) -> (vector<16xf32>, vector<16xi32>)  : i32 {
          %mul3A_862 = arith.constant 16 : i32
          %mul3A_863 = arith.muli %while3A_859, %mul3A_862 : i32
          %get3A_864 = arith.index_cast %mul3A_863 : i32 to index
          %get3A_865 = tpu.vector_load %arg9[%get3A_864] {strides = array<i32>} : memref<2080xf32, #tpu.memory_space<vmem>>, vector<16xf32>,
          %get3A_866 = arith.index_cast %mul3A_863 : i32 to index
          %get3A_867 = tpu.vector_load %arg10[%get3A_866] {strides = array<i32>} : memref<2080xi32, #tpu.memory_space<vmem>>, vector<16xi32>,
          %masked_sort3A_868 = arith.constant dense<true> : vector<16xi1>
          %masked_sort3A_869, %masked_sort3A_870, %masked_sort3A_871 = tpu.sort %get3A_865, %get3A_867 masked %masked_sort3A_868 {descending = true} : (vector<16xf32>, vector<16xi32>, vector<16xi1>) -> (vector<16xi1>, vector<16xf32>, vector<16xi32>)
          %gt3A_872 = arith.cmpf ogt, %masked_sort3A_870, %while3A_860 : vector<16xf32>
          %select_n3A_873 = arith.select %gt3A_872, %masked_sort3A_870, %while3A_860 : vector<16xi1>, vector<16xf32>
          %select_n3A_874 = arith.select %gt3A_872, %masked_sort3A_871, %while3A_861 : vector<16xi1>, vector<16xi32>
          %masked_sort3A_875 = arith.constant dense<true> : vector<16xi1>
          %masked_sort3A_876, %masked_sort3A_877, %masked_sort3A_878 = tpu.sort %select_n3A_873, %select_n3A_874 masked %masked_sort3A_875 : (vector<16xf32>, vector<16xi32>, vector<16xi1>) -> (vector<16xi1>, vector<16xf32>, vector<16xi32>)
          scf.yield %masked_sort3A_877, %masked_sort3A_878 : vector<16xf32>, vector<16xi32>
        }
        %while3A_595 = arith.constant 1 : i32
        %while3A_596:2 = scf.for %while3A_859 = %while3A_592 to %while3A_588 step %while3A_595 iter_args(%while3A_860 = %while3A_594#0, %while3A_861 = %while3A_594#1) -> (vector<16xf32>, vector<16xi32>)  : i32 {
          %mul3A_862 = arith.constant 16 : i32
          %mul3A_863 = arith.muli %while3A_859, %mul3A_862 : i32
          %get3A_864 = arith.index_cast %mul3A_863 : i32 to index
          %get3A_865 = tpu.vector_load %arg9[%get3A_864] {strides = array<i32>} : memref<2080xf32, #tpu.memory_space<vmem>>, vector<16xf32>,
          %get3A_866 = arith.index_cast %mul3A_863 : i32 to index
          %get3A_867 = tpu.vector_load %arg10[%get3A_866] {strides = array<i32>} : memref<2080xi32, #tpu.memory_space<vmem>>, vector<16xi32>,
          %masked_sort3A_868 = arith.constant dense<true> : vector<16xi1>
          %masked_sort3A_869, %masked_sort3A_870, %masked_sort3A_871 = tpu.sort %get3A_865, %get3A_867 masked %masked_sort3A_868 {descending = true} : (vector<16xf32>, vector<16xi32>, vector<16xi1>) -> (vector<16xi1>, vector<16xf32>, vector<16xi32>)
          %gt3A_872 = arith.cmpf ogt, %masked_sort3A_870, %while3A_860 : vector<16xf32>
          %select_n3A_873 = arith.select %gt3A_872, %masked_sort3A_870, %while3A_860 : vector<16xi1>, vector<16xf32>
          %select_n3A_874 = arith.select %gt3A_872, %masked_sort3A_871, %while3A_861 : vector<16xi1>, vector<16xi32>
          %masked_sort3A_875 = arith.constant dense<true> : vector<16xi1>
          %masked_sort3A_876, %masked_sort3A_877, %masked_sort3A_878 = tpu.sort %select_n3A_873, %select_n3A_874 masked %masked_sort3A_875 : (vector<16xf32>, vector<16xi32>, vector<16xi1>) -> (vector<16xi1>, vector<16xf32>, vector<16xi32>)
          scf.yield %masked_sort3A_877, %masked_sort3A_878 : vector<16xf32>, vector<16xi32>
        }
        %slice3A_597 = vector.extract_strided_slice %while3A_596#0 {offsets = [0], sizes = [1], strides = [1]} : vector<16xf32> to vector<1xf32>
        %squeeze3A_598 = vector.extract %slice3A_597[0] : f32 from vector<1xf32>
        %eq3A_599 = vector.broadcast %squeeze3A_598 : f32 to vector<16xf32>
        %eq3A_600 = arith.cmpf oeq, %while3A_596#0, %eq3A_599 : vector<16xf32>
        %all_reduce_population_count3A_601 = tpu.all_reduce %eq3A_600 {dim = 0 : i64, kind = #tpu.reduction_kind<sum>} : vector<16xi1> -> vector<16xi32>
        %slice3A_602 = vector.extract_strided_slice %all_reduce_population_count3A_601 {offsets = [0], sizes = [1], strides = [1]} : vector<16xi32> to vector<1xi32>
        %squeeze3A_603 = vector.extract %slice3A_602[0] : i32 from vector<1xi32>
        %eq3A_604 = vector.broadcast %squeeze3A_598 : f32 to vector<16xf32>
        %eq3A_605 = arith.cmpf oeq, %add3A_123, %eq3A_604 : vector<16xf32>
        %all_reduce_population_count3A_606 = tpu.all_reduce %eq3A_605 {dim = 0 : i64, kind = #tpu.reduction_kind<sum>} : vector<16xi1> -> vector<16xi32>
        %slice3A_607 = vector.extract_strided_slice %all_reduce_population_count3A_606 {offsets = [0], sizes = [1], strides = [1]} : vector<16xi32> to vector<1xi32>
        %squeeze3A_608 = vector.extract %slice3A_607[0] : i32 from vector<1xi32>
        %scan3A_609 = arith.constant 0 : i32
        %mul3A_610 = arith.constant 16 : i32
        %mul3A_611 = arith.muli %scan3A_609, %mul3A_610 : i32
        %add3A_612 = vector.broadcast %mul3A_611 : i32 to vector<16xi32>
        %add3A_613 = arith.addi %add3A_612, %iota3A : vector<16xi32>
        %gather3A_614 = tpu.vector_load_idx %arg7[%broadcast_in_dim3A_81, %add3A_613] : memref<512x128xf32, #tpu.memory_space<vmem>>[vector<16xi32>, vector<16xi32>], vector<16xf32>,
        %add3A_615 = vector.broadcast %reduce_max3A_160 : f32 to vector<16xf32>
        %add3A_616 = arith.addf %add3A_615, %gather3A_614 : vector<16xf32>
        %eq3A_617 = vector.broadcast %squeeze3A_598 : f32 to vector<16xf32>
        %eq3A_618 = arith.cmpf oeq, %add3A_616, %eq3A_617 : vector<16xf32>
        %ne3A_619 = arith.constant 0 : i32
        %ne3A_620 = vector.broadcast %ne3A_619 : i32 to vector<16xi32>
        %ne3A_621 = arith.cmpi ne, %add3A_613, %ne3A_620 : vector<16xi32>
        %and3A_622 = arith.andi %eq3A_618, %ne3A_621 : vector<16xi1>
        %ne3A_623 = arith.cmpi ne, %add3A_613, %gather3A_164 : vector<16xi32>
        %and3A_624 = arith.andi %and3A_622, %ne3A_623 : vector<16xi1>
        %all_reduce_population_count3A_625 = tpu.all_reduce %and3A_624 {dim = 0 : i64, kind = #tpu.reduction_kind<sum>} : vector<16xi1> -> vector<16xi32>
        %slice3A_626 = vector.extract_strided_slice %all_reduce_population_count3A_625 {offsets = [0], sizes = [1], strides = [1]} : vector<16xi32> to vector<1xi32>
        %squeeze3A_627 = vector.extract %slice3A_626[0] : i32 from vector<1xi32>
        %add3A_628 = arith.addi %squeeze3A_608, %squeeze3A_627 : i32
        %scan3A_629 = arith.constant 1 : i32
        %mul3A_630 = arith.constant 16 : i32
        %mul3A_631 = arith.muli %scan3A_629, %mul3A_630 : i32
        %add3A_632 = vector.broadcast %mul3A_631 : i32 to vector<16xi32>
        %add3A_633 = arith.addi %add3A_632, %iota3A : vector<16xi32>
        %gather3A_634 = tpu.vector_load_idx %arg7[%broadcast_in_dim3A_81, %add3A_633] : memref<512x128xf32, #tpu.memory_space<vmem>>[vector<16xi32>, vector<16xi32>], vector<16xf32>,
        %add3A_635 = vector.broadcast %reduce_max3A_160 : f32 to vector<16xf32>
        %add3A_636 = arith.addf %add3A_635, %gather3A_634 : vector<16xf32>
        %eq3A_637 = vector.broadcast %squeeze3A_598 : f32 to vector<16xf32>
        %eq3A_638 = arith.cmpf oeq, %add3A_636, %eq3A_637 : vector<16xf32>
        %ne3A_639 = arith.constant 0 : i32
        %ne3A_640 = vector.broadcast %ne3A_639 : i32 to vector<16xi32>
        %ne3A_641 = arith.cmpi ne, %add3A_633, %ne3A_640 : vector<16xi32>
        %and3A_642 = arith.andi %eq3A_638, %ne3A_641 : vector<16xi1>
        %ne3A_643 = arith.cmpi ne, %add3A_633, %gather3A_164 : vector<16xi32>
        %and3A_644 = arith.andi %and3A_642, %ne3A_643 : vector<16xi1>
        %all_reduce_population_count3A_645 = tpu.all_reduce %and3A_644 {dim = 0 : i64, kind = #tpu.reduction_kind<sum>} : vector<16xi1> -> vector<16xi32>
        %slice3A_646 = vector.extract_strided_slice %all_reduce_population_count3A_645 {offsets = [0], sizes = [1], strides = [1]} : vector<16xi32> to vector<1xi32>
        %squeeze3A_647 = vector.extract %slice3A_646[0] : i32 from vector<1xi32>
        %add3A_648 = arith.addi %add3A_628, %squeeze3A_647 : i32
        %scan3A_649 = arith.constant 2 : i32
        %mul3A_650 = arith.constant 16 : i32
        %mul3A_651 = arith.muli %scan3A_649, %mul3A_650 : i32
        %add3A_652 = vector.broadcast %mul3A_651 : i32 to vector<16xi32>
        %add3A_653 = arith.addi %add3A_652, %iota3A : vector<16xi32>
        %gather3A_654 = tpu.vector_load_idx %arg7[%broadcast_in_dim3A_81, %add3A_653] : memref<512x128xf32, #tpu.memory_space<vmem>>[vector<16xi32>, vector<16xi32>], vector<16xf32>,
        %add3A_655 = vector.broadcast %reduce_max3A_160 : f32 to vector<16xf32>
        %add3A_656 = arith.addf %add3A_655, %gather3A_654 : vector<16xf32>
        %eq3A_657 = vector.broadcast %squeeze3A_598 : f32 to vector<16xf32>
        %eq3A_658 = arith.cmpf oeq, %add3A_656, %eq3A_657 : vector<16xf32>
        %ne3A_659 = arith.constant 0 : i32
        %ne3A_660 = vector.broadcast %ne3A_659 : i32 to vector<16xi32>
        %ne3A_661 = arith.cmpi ne, %add3A_653, %ne3A_660 : vector<16xi32>
        %and3A_662 = arith.andi %eq3A_658, %ne3A_661 : vector<16xi1>
        %ne3A_663 = arith.cmpi ne, %add3A_653, %gather3A_164 : vector<16xi32>
        %and3A_664 = arith.andi %and3A_662, %ne3A_663 : vector<16xi1>
        %all_reduce_population_count3A_665 = tpu.all_reduce %and3A_664 {dim = 0 : i64, kind = #tpu.reduction_kind<sum>} : vector<16xi1> -> vector<16xi32>
        %slice3A_666 = vector.extract_strided_slice %all_reduce_population_count3A_665 {offsets = [0], sizes = [1], strides = [1]} : vector<16xi32> to vector<1xi32>
        %squeeze3A_667 = vector.extract %slice3A_666[0] : i32 from vector<1xi32>
        %add3A_668 = arith.addi %add3A_648, %squeeze3A_667 : i32
        %scan3A_669 = arith.constant 3 : i32
        %mul3A_670 = arith.constant 16 : i32
        %mul3A_671 = arith.muli %scan3A_669, %mul3A_670 : i32
        %add3A_672 = vector.broadcast %mul3A_671 : i32 to vector<16xi32>
        %add3A_673 = arith.addi %add3A_672, %iota3A : vector<16xi32>
        %gather3A_674 = tpu.vector_load_idx %arg7[%broadcast_in_dim3A_81, %add3A_673] : memref<512x128xf32, #tpu.memory_space<vmem>>[vector<16xi32>, vector<16xi32>], vector<16xf32>,
        %add3A_675 = vector.broadcast %reduce_max3A_160 : f32 to vector<16xf32>
        %add3A_676 = arith.addf %add3A_675, %gather3A_674 : vector<16xf32>
        %eq3A_677 = vector.broadcast %squeeze3A_598 : f32 to vector<16xf32>
        %eq3A_678 = arith.cmpf oeq, %add3A_676, %eq3A_677 : vector<16xf32>
        %ne3A_679 = arith.constant 0 : i32
        %ne3A_680 = vector.broadcast %ne3A_679 : i32 to vector<16xi32>
        %ne3A_681 = arith.cmpi ne, %add3A_673, %ne3A_680 : vector<16xi32>
        %and3A_682 = arith.andi %eq3A_678, %ne3A_681 : vector<16xi1>
        %ne3A_683 = arith.cmpi ne, %add3A_673, %gather3A_164 : vector<16xi32>
        %and3A_684 = arith.andi %and3A_682, %ne3A_683 : vector<16xi1>
        %all_reduce_population_count3A_685 = tpu.all_reduce %and3A_684 {dim = 0 : i64, kind = #tpu.reduction_kind<sum>} : vector<16xi1> -> vector<16xi32>
        %slice3A_686 = vector.extract_strided_slice %all_reduce_population_count3A_685 {offsets = [0], sizes = [1], strides = [1]} : vector<16xi32> to vector<1xi32>
        %squeeze3A_687 = vector.extract %slice3A_686[0] : i32 from vector<1xi32>
        %add3A_688 = arith.addi %add3A_668, %squeeze3A_687 : i32
        %scan3A_689 = arith.constant 4 : i32
        %mul3A_690 = arith.constant 16 : i32
        %mul3A_691 = arith.muli %scan3A_689, %mul3A_690 : i32
        %add3A_692 = vector.broadcast %mul3A_691 : i32 to vector<16xi32>
        %add3A_693 = arith.addi %add3A_692, %iota3A : vector<16xi32>
        %gather3A_694 = tpu.vector_load_idx %arg7[%broadcast_in_dim3A_81, %add3A_693] : memref<512x128xf32, #tpu.memory_space<vmem>>[vector<16xi32>, vector<16xi32>], vector<16xf32>,
        %add3A_695 = vector.broadcast %reduce_max3A_160 : f32 to vector<16xf32>
        %add3A_696 = arith.addf %add3A_695, %gather3A_694 : vector<16xf32>
        %eq3A_697 = vector.broadcast %squeeze3A_598 : f32 to vector<16xf32>
        %eq3A_698 = arith.cmpf oeq, %add3A_696, %eq3A_697 : vector<16xf32>
        %ne3A_699 = arith.constant 0 : i32
        %ne3A_700 = vector.broadcast %ne3A_699 : i32 to vector<16xi32>
        %ne3A_701 = arith.cmpi ne, %add3A_693, %ne3A_700 : vector<16xi32>
        %and3A_702 = arith.andi %eq3A_698, %ne3A_701 : vector<16xi1>
        %ne3A_703 = arith.cmpi ne, %add3A_693, %gather3A_164 : vector<16xi32>
        %and3A_704 = arith.andi %and3A_702, %ne3A_703 : vector<16xi1>
        %all_reduce_population_count3A_705 = tpu.all_reduce %and3A_704 {dim = 0 : i64, kind = #tpu.reduction_kind<sum>} : vector<16xi1> -> vector<16xi32>
        %slice3A_706 = vector.extract_strided_slice %all_reduce_population_count3A_705 {offsets = [0], sizes = [1], strides = [1]} : vector<16xi32> to vector<1xi32>
        %squeeze3A_707 = vector.extract %slice3A_706[0] : i32 from vector<1xi32>
        %add3A_708 = arith.addi %add3A_688, %squeeze3A_707 : i32
        %scan3A_709 = arith.constant 5 : i32
        %mul3A_710 = arith.constant 16 : i32
        %mul3A_711 = arith.muli %scan3A_709, %mul3A_710 : i32
        %add3A_712 = vector.broadcast %mul3A_711 : i32 to vector<16xi32>
        %add3A_713 = arith.addi %add3A_712, %iota3A : vector<16xi32>
        %gather3A_714 = tpu.vector_load_idx %arg7[%broadcast_in_dim3A_81, %add3A_713] : memref<512x128xf32, #tpu.memory_space<vmem>>[vector<16xi32>, vector<16xi32>], vector<16xf32>,
        %add3A_715 = vector.broadcast %reduce_max3A_160 : f32 to vector<16xf32>
        %add3A_716 = arith.addf %add3A_715, %gather3A_714 : vector<16xf32>
        %eq3A_717 = vector.broadcast %squeeze3A_598 : f32 to vector<16xf32>
        %eq3A_718 = arith.cmpf oeq, %add3A_716, %eq3A_717 : vector<16xf32>
        %ne3A_719 = arith.constant 0 : i32
        %ne3A_720 = vector.broadcast %ne3A_719 : i32 to vector<16xi32>
        %ne3A_721 = arith.cmpi ne, %add3A_713, %ne3A_720 : vector<16xi32>
        %and3A_722 = arith.andi %eq3A_718, %ne3A_721 : vector<16xi1>
        %ne3A_723 = arith.cmpi ne, %add3A_713, %gather3A_164 : vector<16xi32>
        %and3A_724 = arith.andi %and3A_722, %ne3A_723 : vector<16xi1>
        %all_reduce_population_count3A_725 = tpu.all_reduce %and3A_724 {dim = 0 : i64, kind = #tpu.reduction_kind<sum>} : vector<16xi1> -> vector<16xi32>
        %slice3A_726 = vector.extract_strided_slice %all_reduce_population_count3A_725 {offsets = [0], sizes = [1], strides = [1]} : vector<16xi32> to vector<1xi32>
        %squeeze3A_727 = vector.extract %slice3A_726[0] : i32 from vector<1xi32>
        %add3A_728 = arith.addi %add3A_708, %squeeze3A_727 : i32
        %scan3A_729 = arith.constant 6 : i32
        %mul3A_730 = arith.constant 16 : i32
        %mul3A_731 = arith.muli %scan3A_729, %mul3A_730 : i32
        %add3A_732 = vector.broadcast %mul3A_731 : i32 to vector<16xi32>
        %add3A_733 = arith.addi %add3A_732, %iota3A : vector<16xi32>
        %gather3A_734 = tpu.vector_load_idx %arg7[%broadcast_in_dim3A_81, %add3A_733] : memref<512x128xf32, #tpu.memory_space<vmem>>[vector<16xi32>, vector<16xi32>], vector<16xf32>,
        %add3A_735 = vector.broadcast %reduce_max3A_160 : f32 to vector<16xf32>
        %add3A_736 = arith.addf %add3A_735, %gather3A_734 : vector<16xf32>
        %eq3A_737 = vector.broadcast %squeeze3A_598 : f32 to vector<16xf32>
        %eq3A_738 = arith.cmpf oeq, %add3A_736, %eq3A_737 : vector<16xf32>
        %ne3A_739 = arith.constant 0 : i32
        %ne3A_740 = vector.broadcast %ne3A_739 : i32 to vector<16xi32>
        %ne3A_741 = arith.cmpi ne, %add3A_733, %ne3A_740 : vector<16xi32>
        %and3A_742 = arith.andi %eq3A_738, %ne3A_741 : vector<16xi1>
        %ne3A_743 = arith.cmpi ne, %add3A_733, %gather3A_164 : vector<16xi32>
        %and3A_744 = arith.andi %and3A_742, %ne3A_743 : vector<16xi1>
        %all_reduce_population_count3A_745 = tpu.all_reduce %and3A_744 {dim = 0 : i64, kind = #tpu.reduction_kind<sum>} : vector<16xi1> -> vector<16xi32>
        %slice3A_746 = vector.extract_strided_slice %all_reduce_population_count3A_745 {offsets = [0], sizes = [1], strides = [1]} : vector<16xi32> to vector<1xi32>
        %squeeze3A_747 = vector.extract %slice3A_746[0] : i32 from vector<1xi32>
        %add3A_748 = arith.addi %add3A_728, %squeeze3A_747 : i32
        %scan3A_749 = arith.constant 7 : i32
        %mul3A_750 = arith.constant 16 : i32
        %mul3A_751 = arith.muli %scan3A_749, %mul3A_750 : i32
        %add3A_752 = vector.broadcast %mul3A_751 : i32 to vector<16xi32>
        %add3A_753 = arith.addi %add3A_752, %iota3A : vector<16xi32>
        %gather3A_754 = tpu.vector_load_idx %arg7[%broadcast_in_dim3A_81, %add3A_753] : memref<512x128xf32, #tpu.memory_space<vmem>>[vector<16xi32>, vector<16xi32>], vector<16xf32>,
        %add3A_755 = vector.broadcast %reduce_max3A_160 : f32 to vector<16xf32>
        %add3A_756 = arith.addf %add3A_755, %gather3A_754 : vector<16xf32>
        %eq3A_757 = vector.broadcast %squeeze3A_598 : f32 to vector<16xf32>
        %eq3A_758 = arith.cmpf oeq, %add3A_756, %eq3A_757 : vector<16xf32>
        %ne3A_759 = arith.constant 0 : i32
        %ne3A_760 = vector.broadcast %ne3A_759 : i32 to vector<16xi32>
        %ne3A_761 = arith.cmpi ne, %add3A_753, %ne3A_760 : vector<16xi32>
        %and3A_762 = arith.andi %eq3A_758, %ne3A_761 : vector<16xi1>
        %ne3A_763 = arith.cmpi ne, %add3A_753, %gather3A_164 : vector<16xi32>
        %and3A_764 = arith.andi %and3A_762, %ne3A_763 : vector<16xi1>
        %all_reduce_population_count3A_765 = tpu.all_reduce %and3A_764 {dim = 0 : i64, kind = #tpu.reduction_kind<sum>} : vector<16xi1> -> vector<16xi32>
        %slice3A_766 = vector.extract_strided_slice %all_reduce_population_count3A_765 {offsets = [0], sizes = [1], strides = [1]} : vector<16xi32> to vector<1xi32>
        %squeeze3A_767 = vector.extract %slice3A_766[0] : i32 from vector<1xi32>
        %add3A_768 = arith.addi %add3A_748, %squeeze3A_767 : i32
        %scan3A_769 = arith.constant 8 : i32
        %while3A_770 = arith.constant 0 : i32
        %while3A_771 = arith.subi %add3A_572, %while3A_770 : i32
        %while3A_772 = arith.addi %while3A_770, %while3A_771 : i32
        %while3A_773 = arith.constant 1 : i32
        %while3A_774 = arith.divsi %while3A_771, %while3A_773 : i32
        %while3A_775 = arith.muli %while3A_774, %while3A_773 : i32
        %while3A_776 = arith.addi %while3A_770, %while3A_775 : i32
        %while3A_777 = arith.constant 1 : i32
        %while3A_778 = scf.for %while3A_859 = %while3A_770 to %while3A_776 step %while3A_777 iter_args(%while3A_860 = %add3A_768) -> (i32)  : i32 {
          %mul3A_861 = arith.constant 16 : i32
          %mul3A_862 = arith.muli %while3A_859, %mul3A_861 : i32
          %get3A_863 = arith.index_cast %mul3A_862 : i32 to index
          %get3A_864 = tpu.vector_load %arg9[%get3A_863] {strides = array<i32>} : memref<2080xf32, #tpu.memory_space<vmem>>, vector<16xf32>,
          %eq3A_865 = vector.broadcast %squeeze3A_598 : f32 to vector<16xf32>
          %eq3A_866 = arith.cmpf oeq, %get3A_864, %eq3A_865 : vector<16xf32>
          %all_reduce_population_count3A_867 = tpu.all_reduce %eq3A_866 {dim = 0 : i64, kind = #tpu.reduction_kind<sum>} : vector<16xi1> -> vector<16xi32>
          %slice3A_868 = vector.extract_strided_slice %all_reduce_population_count3A_867 {offsets = [0], sizes = [1], strides = [1]} : vector<16xi32> to vector<1xi32>
          %squeeze3A_869 = vector.extract %slice3A_868[0] : i32 from vector<1xi32>
          %add3A_870 = arith.addi %while3A_860, %squeeze3A_869 : i32
          scf.yield %add3A_870 : i32
        }
        %while3A_779 = arith.constant 1 : i32
        %while3A_780 = scf.for %while3A_859 = %while3A_776 to %while3A_772 step %while3A_779 iter_args(%while3A_860 = %while3A_778) -> (i32)  : i32 {
          %mul3A_861 = arith.constant 16 : i32
          %mul3A_862 = arith.muli %while3A_859, %mul3A_861 : i32
          %get3A_863 = arith.index_cast %mul3A_862 : i32 to index
          %get3A_864 = tpu.vector_load %arg9[%get3A_863] {strides = array<i32>} : memref<2080xf32, #tpu.memory_space<vmem>>, vector<16xf32>,
          %eq3A_865 = vector.broadcast %squeeze3A_598 : f32 to vector<16xf32>
          %eq3A_866 = arith.cmpf oeq, %get3A_864, %eq3A_865 : vector<16xf32>
          %all_reduce_population_count3A_867 = tpu.all_reduce %eq3A_866 {dim = 0 : i64, kind = #tpu.reduction_kind<sum>} : vector<16xi1> -> vector<16xi32>
          %slice3A_868 = vector.extract_strided_slice %all_reduce_population_count3A_867 {offsets = [0], sizes = [1], strides = [1]} : vector<16xi32> to vector<1xi32>
          %squeeze3A_869 = vector.extract %slice3A_868[0] : i32 from vector<1xi32>
          %add3A_870 = arith.addi %while3A_860, %squeeze3A_869 : i32
          scf.yield %add3A_870 : i32
        }
        %ne3A_781 = arith.cmpi ne, %while3A_780, %squeeze3A_603 : i32
        %convert_element_type3A_782 = arith.extui %ne3A_781 : i1 to i32
        %cond3A_783 = arith.constant 0 : i32
        %cond3A_784 = arith.cmpi ne, %convert_element_type3A_782, %cond3A_783 : i32
        %cond3A_785 = scf.if %cond3A_784 -> (vector<16xi32>) {
          %broadcast_in_dim3A_859 = arith.constant 1073741824 : i32
          %broadcast_in_dim3A_860 = vector.broadcast %broadcast_in_dim3A_859 : i32 to vector<16xi32>
          %eq3A_861 = vector.broadcast %squeeze3A_598 : f32 to vector<16xf32>
          %eq3A_862 = arith.cmpf oeq, %add3A_123, %eq3A_861 : vector<16xf32>
          %select_n3A_863 = arith.select %eq3A_862, %add3A_127, %broadcast_in_dim3A_860 : vector<16xi1>, vector<16xi32>
          %masked_sort3A_864 = arith.constant dense<true> : vector<16xi1>
          %masked_sort3A_865 = arith.constant -2147483648 : i32
          %masked_sort3A_866 = vector.broadcast %masked_sort3A_865 : i32 to vector<16xi32>
          %masked_sort3A_867 = arith.xori %select_n3A_863, %masked_sort3A_866 : vector<16xi32>
          %masked_sort3A_868, %masked_sort3A_869, %masked_sort3A_870 = tpu.sort %masked_sort3A_867, %select_n3A_863 masked %masked_sort3A_864 {descending = true} : (vector<16xi32>, vector<16xi32>, vector<16xi1>) -> (vector<16xi1>, vector<16xi32>, vector<16xi32>)
          %masked_sort3A_871 = arith.xori %masked_sort3A_869, %masked_sort3A_866 : vector<16xi32>
          %min3A = arith.minsi %broadcast_in_dim3A_860, %masked_sort3A_871 : vector<16xi32>
          %masked_sort3A_872 = arith.constant dense<true> : vector<16xi1>
          %masked_sort3A_873 = arith.constant -2147483648 : i32
          %masked_sort3A_874 = vector.broadcast %masked_sort3A_873 : i32 to vector<16xi32>
          %masked_sort3A_875 = arith.xori %min3A, %masked_sort3A_874 : vector<16xi32>
          %masked_sort3A_876, %masked_sort3A_877, %masked_sort3A_878 = tpu.sort %masked_sort3A_875, %masked_sort3A_871 masked %masked_sort3A_872 : (vector<16xi32>, vector<16xi32>, vector<16xi1>) -> (vector<16xi1>, vector<16xi32>, vector<16xi32>)
          %masked_sort3A_879 = arith.xori %masked_sort3A_877, %masked_sort3A_874 : vector<16xi32>
          %scan3A_880 = arith.constant 0 : i32
          %scan3A_881 = arith.constant 8 : i32
          %scan3A_882 = arith.addi %scan3A_880, %scan3A_881 : i32
          %scan3A_883 = arith.constant 1 : i32
          %scan3A_884 = scf.for %scan3A_900 = %scan3A_880 to %scan3A_882 step %scan3A_883 iter_args(%scan3A_901 = %masked_sort3A_879) -> (vector<16xi32>)  : i32 {
            %mul3A_902 = arith.constant 16 : i32
            %mul3A_903 = arith.muli %scan3A_900, %mul3A_902 : i32
            %add3A_904 = vector.broadcast %mul3A_903 : i32 to vector<16xi32>
            %add3A_905 = arith.addi %add3A_904, %iota3A : vector<16xi32>
            %gather3A_906 = tpu.vector_load_idx %arg7[%broadcast_in_dim3A_81, %add3A_905] : memref<512x128xf32, #tpu.memory_space<vmem>>[vector<16xi32>, vector<16xi32>], vector<16xf32>,
            %add3A_907 = vector.broadcast %reduce_max3A_160 : f32 to vector<16xf32>
            %add3A_908 = arith.addf %add3A_907, %gather3A_906 : vector<16xf32>
            %eq3A_909 = vector.broadcast %squeeze3A_598 : f32 to vector<16xf32>
            %eq3A_910 = arith.cmpf oeq, %add3A_908, %eq3A_909 : vector<16xf32>
            %ne3A_911 = arith.constant 0 : i32
            %ne3A_912 = vector.broadcast %ne3A_911 : i32 to vector<16xi32>
            %ne3A_913 = arith.cmpi ne, %add3A_905, %ne3A_912 : vector<16xi32>
            %and3A_914 = arith.andi %eq3A_910, %ne3A_913 : vector<16xi1>
            %ne3A_915 = arith.cmpi ne, %add3A_905, %gather3A_164 : vector<16xi32>
            %and3A_916 = arith.andi %and3A_914, %ne3A_915 : vector<16xi1>
            %mul3A_917 = arith.constant 4097 : i32
            %mul3A_918 = vector.broadcast %mul3A_917 : i32 to vector<16xi32>
            %mul3A_919 = arith.muli %add3A_905, %mul3A_918 : vector<16xi32>
            %add3A_920 = arith.addi %add3A_181, %mul3A_919 : vector<16xi32>
            %select_n3A_921 = arith.select %and3A_916, %add3A_920, %broadcast_in_dim3A_860 : vector<16xi1>, vector<16xi32>
            %masked_sort3A_922 = arith.constant dense<true> : vector<16xi1>
            %masked_sort3A_923 = arith.constant -2147483648 : i32
            %masked_sort3A_924 = vector.broadcast %masked_sort3A_923 : i32 to vector<16xi32>
            %masked_sort3A_925 = arith.xori %select_n3A_921, %masked_sort3A_924 : vector<16xi32>
            %masked_sort3A_926, %masked_sort3A_927, %masked_sort3A_928 = tpu.sort %masked_sort3A_925, %select_n3A_921 masked %masked_sort3A_922 {descending = true} : (vector<16xi32>, vector<16xi32>, vector<16xi1>) -> (vector<16xi1>, vector<16xi32>, vector<16xi32>)
            %masked_sort3A_929 = arith.xori %masked_sort3A_927, %masked_sort3A_924 : vector<16xi32>
            %min3A_930 = arith.minsi %scan3A_901, %masked_sort3A_929 : vector<16xi32>
            %masked_sort3A_931 = arith.constant dense<true> : vector<16xi1>
            %masked_sort3A_932 = arith.constant -2147483648 : i32
            %masked_sort3A_933 = vector.broadcast %masked_sort3A_932 : i32 to vector<16xi32>
            %masked_sort3A_934 = arith.xori %min3A_930, %masked_sort3A_933 : vector<16xi32>
            %masked_sort3A_935, %masked_sort3A_936, %masked_sort3A_937 = tpu.sort %masked_sort3A_934, %min3A_930 masked %masked_sort3A_931 : (vector<16xi32>, vector<16xi32>, vector<16xi1>) -> (vector<16xi1>, vector<16xi32>, vector<16xi32>)
            %masked_sort3A_938 = arith.xori %masked_sort3A_936, %masked_sort3A_933 : vector<16xi32>
            scf.yield %masked_sort3A_938 : vector<16xi32>
          }
          %scan3A_885 = arith.constant 8 : i32
          %while3A_886 = arith.constant 0 : i32
          %while3A_887 = arith.subi %add3A_572, %while3A_886 : i32
          %while3A_888 = arith.addi %while3A_886, %while3A_887 : i32
          %while3A_889 = arith.constant 1 : i32
          %while3A_890 = arith.divsi %while3A_887, %while3A_889 : i32
          %while3A_891 = arith.muli %while3A_890, %while3A_889 : i32
          %while3A_892 = arith.addi %while3A_886, %while3A_891 : i32
          %while3A_893 = arith.constant 1 : i32
          %while3A_894 = scf.for %while3A_900 = %while3A_886 to %while3A_892 step %while3A_893 iter_args(%while3A_901 = %scan3A_884) -> (vector<16xi32>)  : i32 {
            %mul3A_902 = arith.constant 16 : i32
            %mul3A_903 = arith.muli %while3A_900, %mul3A_902 : i32
            %get3A_904 = arith.index_cast %mul3A_903 : i32 to index
            %get3A_905 = tpu.vector_load %arg9[%get3A_904] {strides = array<i32>} : memref<2080xf32, #tpu.memory_space<vmem>>, vector<16xf32>,
            %mul3A_906 = arith.constant 16 : i32
            %mul3A_907 = arith.muli %while3A_900, %mul3A_906 : i32
            %get3A_908 = arith.index_cast %mul3A_907 : i32 to index
            %get3A_909 = tpu.vector_load %arg10[%get3A_908] {strides = array<i32>} : memref<2080xi32, #tpu.memory_space<vmem>>, vector<16xi32>,
            %eq3A_910 = vector.broadcast %squeeze3A_598 : f32 to vector<16xf32>
            %eq3A_911 = arith.cmpf oeq, %get3A_905, %eq3A_910 : vector<16xf32>
            %select_n3A_912 = arith.select %eq3A_911, %get3A_909, %broadcast_in_dim3A_860 : vector<16xi1>, vector<16xi32>
            %masked_sort3A_913 = arith.constant dense<true> : vector<16xi1>
            %masked_sort3A_914 = arith.constant -2147483648 : i32
            %masked_sort3A_915 = vector.broadcast %masked_sort3A_914 : i32 to vector<16xi32>
            %masked_sort3A_916 = arith.xori %select_n3A_912, %masked_sort3A_915 : vector<16xi32>
            %masked_sort3A_917, %masked_sort3A_918, %masked_sort3A_919 = tpu.sort %masked_sort3A_916, %select_n3A_912 masked %masked_sort3A_913 {descending = true} : (vector<16xi32>, vector<16xi32>, vector<16xi1>) -> (vector<16xi1>, vector<16xi32>, vector<16xi32>)
            %masked_sort3A_920 = arith.xori %masked_sort3A_918, %masked_sort3A_915 : vector<16xi32>
            %min3A_921 = arith.minsi %while3A_901, %masked_sort3A_920 : vector<16xi32>
            %masked_sort3A_922 = arith.constant dense<true> : vector<16xi1>
            %masked_sort3A_923 = arith.constant -2147483648 : i32
            %masked_sort3A_924 = vector.broadcast %masked_sort3A_923 : i32 to vector<16xi32>
            %masked_sort3A_925 = arith.xori %min3A_921, %masked_sort3A_924 : vector<16xi32>
            %masked_sort3A_926, %masked_sort3A_927, %masked_sort3A_928 = tpu.sort %masked_sort3A_925, %min3A_921 masked %masked_sort3A_922 : (vector<16xi32>, vector<16xi32>, vector<16xi1>) -> (vector<16xi1>, vector<16xi32>, vector<16xi32>)
            %masked_sort3A_929 = arith.xori %masked_sort3A_927, %masked_sort3A_924 : vector<16xi32>
            scf.yield %masked_sort3A_929 : vector<16xi32>
          }
          %while3A_895 = arith.constant 1 : i32
          %while3A_896 = scf.for %while3A_900 = %while3A_892 to %while3A_888 step %while3A_895 iter_args(%while3A_901 = %while3A_894) -> (vector<16xi32>)  : i32 {
            %mul3A_902 = arith.constant 16 : i32
            %mul3A_903 = arith.muli %while3A_900, %mul3A_902 : i32
            %get3A_904 = arith.index_cast %mul3A_903 : i32 to index
            %get3A_905 = tpu.vector_load %arg9[%get3A_904] {strides = array<i32>} : memref<2080xf32, #tpu.memory_space<vmem>>, vector<16xf32>,
            %mul3A_906 = arith.constant 16 : i32
            %mul3A_907 = arith.muli %while3A_900, %mul3A_906 : i32
            %get3A_908 = arith.index_cast %mul3A_907 : i32 to index
            %get3A_909 = tpu.vector_load %arg10[%get3A_908] {strides = array<i32>} : memref<2080xi32, #tpu.memory_space<vmem>>, vector<16xi32>,
            %eq3A_910 = vector.broadcast %squeeze3A_598 : f32 to vector<16xf32>
            %eq3A_911 = arith.cmpf oeq, %get3A_905, %eq3A_910 : vector<16xf32>
            %select_n3A_912 = arith.select %eq3A_911, %get3A_909, %broadcast_in_dim3A_860 : vector<16xi1>, vector<16xi32>
            %masked_sort3A_913 = arith.constant dense<true> : vector<16xi1>
            %masked_sort3A_914 = arith.constant -2147483648 : i32
            %masked_sort3A_915 = vector.broadcast %masked_sort3A_914 : i32 to vector<16xi32>
            %masked_sort3A_916 = arith.xori %select_n3A_912, %masked_sort3A_915 : vector<16xi32>
            %masked_sort3A_917, %masked_sort3A_918, %masked_sort3A_919 = tpu.sort %masked_sort3A_916, %select_n3A_912 masked %masked_sort3A_913 {descending = true} : (vector<16xi32>, vector<16xi32>, vector<16xi1>) -> (vector<16xi1>, vector<16xi32>, vector<16xi32>)
            %masked_sort3A_920 = arith.xori %masked_sort3A_918, %masked_sort3A_915 : vector<16xi32>
            %min3A_921 = arith.minsi %while3A_901, %masked_sort3A_920 : vector<16xi32>
            %masked_sort3A_922 = arith.constant dense<true> : vector<16xi1>
            %masked_sort3A_923 = arith.constant -2147483648 : i32
            %masked_sort3A_924 = vector.broadcast %masked_sort3A_923 : i32 to vector<16xi32>
            %masked_sort3A_925 = arith.xori %min3A_921, %masked_sort3A_924 : vector<16xi32>
            %masked_sort3A_926, %masked_sort3A_927, %masked_sort3A_928 = tpu.sort %masked_sort3A_925, %min3A_921 masked %masked_sort3A_922 : (vector<16xi32>, vector<16xi32>, vector<16xi1>) -> (vector<16xi1>, vector<16xi32>, vector<16xi32>)
            %masked_sort3A_929 = arith.xori %masked_sort3A_927, %masked_sort3A_924 : vector<16xi32>
            scf.yield %masked_sort3A_929 : vector<16xi32>
          }
          %lt3A_897 = vector.broadcast %squeeze3A_603 : i32 to vector<16xi32>
          %lt3A_898 = arith.cmpi slt, %iota3A, %lt3A_897 : vector<16xi32>
          %select_n3A_899 = arith.select %lt3A_898, %while3A_896, %while3A_596#1 : vector<16xi1>, vector<16xi32>
          scf.yield %select_n3A_899 : vector<16xi32>
        } else {
          scf.yield %while3A_596#1 : vector<16xi32>
        }
        %swap3A_786 = arith.constant 0 : index
        %swap3A_787 = tpu.vector_load %arg15[%swap3A_786] {strides = array<i32>} : memref<16xf32, #tpu.memory_space<vmem>>, vector<16xf32>,
        tpu.vector_store %arg15[%swap3A_786], %while3A_596#0 {strides = array<i32>} : memref<16xf32, #tpu.memory_space<vmem>>, vector<16xf32>,
        %swap3A_788 = arith.constant 0 : index
        %swap3A_789 = tpu.vector_load %arg16[%swap3A_788] {strides = array<i32>} : memref<16xi32, #tpu.memory_space<vmem>>, vector<16xi32>,
        tpu.vector_store %arg16[%swap3A_788], %cond3A_785 {strides = array<i32>} : memref<16xi32, #tpu.memory_space<vmem>>, vector<16xi32>,
        %sub3A_790 = arith.constant 1 : i32
        %sub3A_791 = vector.broadcast %sub3A_790 : i32 to vector<16xi32>
        %sub3A_792 = arith.subi %iota3A, %sub3A_791 : vector<16xi32>
        %max3A_793 = arith.constant 0 : i32
        %max3A_794 = vector.broadcast %max3A_793 : i32 to vector<16xi32>
        %max3A_795 = arith.maxsi %sub3A_792, %max3A_794 : vector<16xi32>
        %gather3A_796 = tpu.vector_load_idx %arg15[%max3A_795] : memref<16xf32, #tpu.memory_space<vmem>>[vector<16xi32>], vector<16xf32>,
        %eq3A_797 = arith.cmpf oeq, %gather3A_796, %while3A_596#0 : vector<16xf32>
        %gt3A_798 = arith.constant 0 : i32
        %gt3A_799 = vector.broadcast %gt3A_798 : i32 to vector<16xi32>
        %gt3A_800 = arith.cmpi sgt, %iota3A, %gt3A_799 : vector<16xi32>
        %and3A_801 = arith.andi %eq3A_797, %gt3A_800 : vector<16xi1>
        %all_reduce_population_count3A_802 = tpu.all_reduce %and3A_801 {dim = 0 : i64, kind = #tpu.reduction_kind<sum>} : vector<16xi1> -> vector<16xi32>
        %slice3A_803 = vector.extract_strided_slice %all_reduce_population_count3A_802 {offsets = [0], sizes = [1], strides = [1]} : vector<16xi32> to vector<1xi32>
        %squeeze3A_804 = vector.extract %slice3A_803[0] : i32 from vector<1xi32>
        %eq3A_805 = arith.constant 0 : i32
        %eq3A_806 = arith.cmpi eq, %squeeze3A_804, %eq3A_805 : i32
        %convert_element_type3A_807 = arith.extui %eq3A_806 : i1 to i32
        %cond3A_808 = arith.constant 0 : i32
        %cond3A_809 = arith.cmpi ne, %convert_element_type3A_807, %cond3A_808 : i32
        %cond3A_810 = scf.if %cond3A_809 -> (vector<16xi32>) {
          %sub3A_859 = arith.constant 15 : i32
          %sub3A_860 = vector.broadcast %sub3A_859 : i32 to vector<16xi32>
          %sub3A_861 = arith.subi %sub3A_860, %iota3A : vector<16xi32>
          scf.yield %sub3A_861 : vector<16xi32>
        } else {
          %broadcast_in_dim3A_859 = arith.constant 0 : i32
          %broadcast_in_dim3A_860 = vector.broadcast %broadcast_in_dim3A_859 : i32 to vector<16xi32>
          %scan3A_861 = arith.constant 0 : i32
          %scan3A_862 = arith.constant 16 : i32
          %scan3A_863 = arith.addi %scan3A_861, %scan3A_862 : i32
          %scan3A_864 = arith.constant 4 : i32
          %scan3A_865 = scf.for %scan3A_867 = %scan3A_861 to %scan3A_863 step %scan3A_864 iter_args(%scan3A_868 = %broadcast_in_dim3A_860) -> (vector<16xi32>)  : i32 {
            %broadcast_in_dim3A_869 = vector.broadcast %scan3A_867 : i32 to vector<16xi32>
            %gather3A_870 = tpu.vector_load_idx %arg15[%broadcast_in_dim3A_869] : memref<16xf32, #tpu.memory_space<vmem>>[vector<16xi32>], vector<16xf32>,
            %gather3A_871 = tpu.vector_load_idx %arg16[%broadcast_in_dim3A_869] : memref<16xi32, #tpu.memory_space<vmem>>[vector<16xi32>], vector<16xi32>,
            %gt3A_872 = arith.cmpf ogt, %gather3A_870, %while3A_596#0 : vector<16xf32>
            %eq3A_873 = arith.cmpf oeq, %gather3A_870, %while3A_596#0 : vector<16xf32>
            %lt3A_874 = arith.cmpi slt, %gather3A_871, %cond3A_785 : vector<16xi32>
            %and3A_875 = arith.andi %eq3A_873, %lt3A_874 : vector<16xi1>
            %or3A_876 = arith.ori %gt3A_872, %and3A_875 : vector<16xi1>
            %convert_element_type3A_877 = arith.extui %or3A_876 : vector<16xi1> to vector<16xi32>
            %add3A_878 = arith.addi %scan3A_868, %convert_element_type3A_877 : vector<16xi32>
            %scan3A_879 = arith.constant 1 : i32
            %scan3A_880 = arith.addi %scan3A_867, %scan3A_879 : i32
            %broadcast_in_dim3A_881 = vector.broadcast %scan3A_880 : i32 to vector<16xi32>
            %gather3A_882 = tpu.vector_load_idx %arg15[%broadcast_in_dim3A_881] : memref<16xf32, #tpu.memory_space<vmem>>[vector<16xi32>], vector<16xf32>,
            %gather3A_883 = tpu.vector_load_idx %arg16[%broadcast_in_dim3A_881] : memref<16xi32, #tpu.memory_space<vmem>>[vector<16xi32>], vector<16xi32>,
            %gt3A_884 = arith.cmpf ogt, %gather3A_882, %while3A_596#0 : vector<16xf32>
            %eq3A_885 = arith.cmpf oeq, %gather3A_882, %while3A_596#0 : vector<16xf32>
            %lt3A_886 = arith.cmpi slt, %gather3A_883, %cond3A_785 : vector<16xi32>
            %and3A_887 = arith.andi %eq3A_885, %lt3A_886 : vector<16xi1>
            %or3A_888 = arith.ori %gt3A_884, %and3A_887 : vector<16xi1>
            %convert_element_type3A_889 = arith.extui %or3A_888 : vector<16xi1> to vector<16xi32>
            %add3A_890 = arith.addi %add3A_878, %convert_element_type3A_889 : vector<16xi32>
            %scan3A_891 = arith.constant 2 : i32
            %scan3A_892 = arith.addi %scan3A_867, %scan3A_891 : i32
            %broadcast_in_dim3A_893 = vector.broadcast %scan3A_892 : i32 to vector<16xi32>
            %gather3A_894 = tpu.vector_load_idx %arg15[%broadcast_in_dim3A_893] : memref<16xf32, #tpu.memory_space<vmem>>[vector<16xi32>], vector<16xf32>,
            %gather3A_895 = tpu.vector_load_idx %arg16[%broadcast_in_dim3A_893] : memref<16xi32, #tpu.memory_space<vmem>>[vector<16xi32>], vector<16xi32>,
            %gt3A_896 = arith.cmpf ogt, %gather3A_894, %while3A_596#0 : vector<16xf32>
            %eq3A_897 = arith.cmpf oeq, %gather3A_894, %while3A_596#0 : vector<16xf32>
            %lt3A_898 = arith.cmpi slt, %gather3A_895, %cond3A_785 : vector<16xi32>
            %and3A_899 = arith.andi %eq3A_897, %lt3A_898 : vector<16xi1>
            %or3A_900 = arith.ori %gt3A_896, %and3A_899 : vector<16xi1>
            %convert_element_type3A_901 = arith.extui %or3A_900 : vector<16xi1> to vector<16xi32>
            %add3A_902 = arith.addi %add3A_890, %convert_element_type3A_901 : vector<16xi32>
            %scan3A_903 = arith.constant 3 : i32
            %scan3A_904 = arith.addi %scan3A_867, %scan3A_903 : i32
            %broadcast_in_dim3A_905 = vector.broadcast %scan3A_904 : i32 to vector<16xi32>
            %gather3A_906 = tpu.vector_load_idx %arg15[%broadcast_in_dim3A_905] : memref<16xf32, #tpu.memory_space<vmem>>[vector<16xi32>], vector<16xf32>,
            %gather3A_907 = tpu.vector_load_idx %arg16[%broadcast_in_dim3A_905] : memref<16xi32, #tpu.memory_space<vmem>>[vector<16xi32>], vector<16xi32>,
            %gt3A_908 = arith.cmpf ogt, %gather3A_906, %while3A_596#0 : vector<16xf32>
            %eq3A_909 = arith.cmpf oeq, %gather3A_906, %while3A_596#0 : vector<16xf32>
            %lt3A_910 = arith.cmpi slt, %gather3A_907, %cond3A_785 : vector<16xi32>
            %and3A_911 = arith.andi %eq3A_909, %lt3A_910 : vector<16xi1>
            %or3A_912 = arith.ori %gt3A_908, %and3A_911 : vector<16xi1>
            %convert_element_type3A_913 = arith.extui %or3A_912 : vector<16xi1> to vector<16xi32>
            %add3A_914 = arith.addi %add3A_902, %convert_element_type3A_913 : vector<16xi32>
            scf.yield %add3A_914 : vector<16xi32>
          }
          %scan3A_866 = arith.constant 16 : i32
          scf.yield %scan3A_865 : vector<16xi32>
        }
        %and3A_811 = arith.constant 4095 : i32
        %and3A_812 = vector.broadcast %and3A_811 : i32 to vector<16xi32>
        %and3A_813 = arith.andi %cond3A_785, %and3A_812 : vector<16xi32>
        %lt3A_814 = arith.constant 16 : i32
        %lt3A_815 = vector.broadcast %lt3A_814 : i32 to vector<16xi32>
        %lt3A_816 = arith.cmpi slt, %and3A_813, %lt3A_815 : vector<16xi32>
        %sub3A_817 = arith.constant 16 : i32
        %sub3A_818 = vector.broadcast %sub3A_817 : i32 to vector<16xi32>
        %sub3A_819 = arith.subi %and3A_813, %sub3A_818 : vector<16xi32>
        %shift_right_arithmetic3A = arith.constant 7 : i32
        %shift_right_arithmetic3A_820 = vector.broadcast %shift_right_arithmetic3A : i32 to vector<16xi32>
        %shift_right_arithmetic3A_821 = arith.shrsi %sub3A_819, %shift_right_arithmetic3A_820 : vector<16xi32>
        %select_n3A_822 = arith.select %lt3A_816, %and3A_813, %shift_right_arithmetic3A_821 : vector<16xi1>, vector<16xi32>
        %sub3A_823 = arith.constant 16 : i32
        %sub3A_824 = vector.broadcast %sub3A_823 : i32 to vector<16xi32>
        %sub3A_825 = arith.subi %and3A_813, %sub3A_824 : vector<16xi32>
        %and3A_826 = arith.constant 127 : i32
        %and3A_827 = vector.broadcast %and3A_826 : i32 to vector<16xi32>
        %and3A_828 = arith.andi %sub3A_825, %and3A_827 : vector<16xi32>
        %jit3A_829 = arith.constant 0 : i32
        %broadcast_in_dim3A_830 = vector.broadcast %jit3A_829 : i32 to vector<16xi32>
        %select_n3A_831 = arith.select %lt3A_816, %broadcast_in_dim3A_830, %and3A_828 : vector<16xi1>, vector<16xi32>
        %gather3A_832 = tpu.vector_load_idx %arg11[%select_n3A_822] : memref<16xf32, #tpu.memory_space<vmem>>[vector<16xi32>], vector<16xf32>,
        %gather3A_833 = tpu.vector_load_idx %arg12[%select_n3A_822] : memref<16xf32, #tpu.memory_space<vmem>>[vector<16xi32>], vector<16xf32>,
        %gather3A_834 = tpu.vector_load_idx %arg13[%select_n3A_822] : memref<16xi32, #tpu.memory_space<vmem>>[vector<16xi32>], vector<16xi32>,
        %gather3A_835 = tpu.vector_load_idx %arg14[%select_n3A_822] : memref<16xi32, #tpu.memory_space<vmem>>[vector<16xi32>], vector<16xi32>,
        %select_n3A_836 = arith.select %lt3A_816, %gather3A_832, %broadcast_in_dim3A_3 : vector<16xi1>, vector<16xf32>
        %select_n3A_837 = arith.select %lt3A_816, %gather3A_833, %while3A_596#0 : vector<16xi1>, vector<16xf32>
        %add3A_838 = arith.constant 1 : i32
        %add3A_839 = vector.broadcast %add3A_838 : i32 to vector<16xi32>
        %add3A_840 = arith.addi %gather3A_834, %add3A_839 : vector<16xi32>
        %select_n3A_841 = arith.select %lt3A_816, %gather3A_834, %add3A_840 : vector<16xi1>, vector<16xi32>
        %select_n3A_842 = arith.select %lt3A_816, %gather3A_835, %select_n3A_831 : vector<16xi1>, vector<16xi32>
        %shift_right_arithmetic3A_843 = arith.constant 1 : i32
        %shift_right_arithmetic3A_844 = arith.shrsi %while3A_74, %shift_right_arithmetic3A_843 : i32
        %get3A = arith.index_cast %shift_right_arithmetic3A_844 : i32 to index
        %get3A_845 = arith.constant 0 : index
        %get3A_846 = tpu.vector_load %arg8[%get3A, %get3A_845] {strides = array<i32>} : memref<256x16xi32, #tpu.memory_space<vmem>>, vector<16xi32>,
        %and3A_847 = arith.constant 1 : i32
        %and3A_848 = arith.andi %while3A_74, %and3A_847 : i32
        %eq3A_849 = arith.constant 1 : i32
        %eq3A_850 = arith.cmpi eq, %and3A_848, %eq3A_849 : i32
        %shift_left3A = arith.constant 16 : i32
        %shift_left3A_851 = vector.broadcast %shift_left3A : i32 to vector<16xi32>
        %shift_left3A_852 = arith.shli %and3A_813, %shift_left3A_851 : vector<16xi32>
        %or3A = arith.ori %get3A_846, %shift_left3A_852 : vector<16xi32>
        %select_n3A_853 = arith.select %eq3A_850, %or3A, %and3A_813 : vector<16xi32>
        %shift_right_arithmetic3A_854 = arith.constant 1 : i32
        %shift_right_arithmetic3A_855 = arith.shrsi %while3A_74, %shift_right_arithmetic3A_854 : i32
        %swap3A_856 = arith.index_cast %shift_right_arithmetic3A_855 : i32 to index
        %swap3A_857 = arith.constant 0 : index
        %swap3A_858 = tpu.vector_load %arg8[%swap3A_856, %swap3A_857] {strides = array<i32>} : memref<256x16xi32, #tpu.memory_space<vmem>>, vector<16xi32>,
        tpu.vector_store %arg8[%swap3A_856, %swap3A_857], %select_n3A_853 {strides = array<i32>} : memref<256x16xi32, #tpu.memory_space<vmem>>, vector<16xi32>,
        scf.yield %select_n3A_836, %select_n3A_837, %while3A_596#0, %select_n3A_841, %select_n3A_842, %cond3A_810 : vector<16xf32>, vector<16xf32>, vector<16xf32>, vector<16xi32>, vector<16xi32>, vector<16xi32>
      }
      %reduce_max3A = arith.constant true
      %reduce_max3A_22 = vector.broadcast %reduce_max3A : i1 to vector<16xi1>
      %reduce_max3A_23 = tpu.scan <max>, %while3A_21#2 masked %reduce_max3A_22 : vector<16xf32>, vector<16xi1> -> vector<16xf32>
      %reduce_max3A_24 = vector.extract %reduce_max3A_23[15] : f32 from vector<16xf32>
      %eq3A_25 = vector.broadcast %reduce_max3A_24 : f32 to vector<16xf32>
      %eq3A_26 = arith.cmpf oeq, %while3A_21#2, %eq3A_25 : vector<16xf32>
      %broadcast_in_dim3A_27 = arith.constant 1073741824 : i32
      %broadcast_in_dim3A_28 = vector.broadcast %broadcast_in_dim3A_27 : i32 to vector<16xi32>
      %select_n3A_29 = arith.select %eq3A_26, %while3A_21#5, %broadcast_in_dim3A_28 : vector<16xi1>, vector<16xi32>
      %reduce_min3A = arith.constant true
      %reduce_min3A_30 = vector.broadcast %reduce_min3A : i1 to vector<16xi1>
      %reduce_min3A_31 = arith.constant -2147483648 : i32
      %reduce_min3A_32 = vector.broadcast %reduce_min3A_31 : i32 to vector<16xi32>
      %reduce_min3A_33 = arith.xori %select_n3A_29, %reduce_min3A_32 : vector<16xi32>
      %reduce_min3A_34 = tpu.scan <min>, %reduce_min3A_33 masked %reduce_min3A_30 : vector<16xi32>, vector<16xi1> -> vector<16xi32>
      %reduce_min3A_35 = arith.xori %reduce_min3A_34, %reduce_min3A_32 : vector<16xi32>
      %reduce_min3A_36 = vector.extract %reduce_min3A_35[15] : i32 from vector<16xi32>
      %eq3A_37 = vector.broadcast %reduce_min3A_36 : i32 to vector<16xi32>
      %eq3A_38 = arith.cmpi eq, %select_n3A_29, %eq3A_37 : vector<16xi32>
      %all_reduce_ffs3A = tpu.all_reduce %eq3A_38 {dim = 0 : i64, kind = #tpu.reduction_kind<find_first_set>} : vector<16xi1> -> vector<16xi32>
      %slice3A_39 = vector.extract_strided_slice %all_reduce_ffs3A {offsets = [0], sizes = [1], strides = [1]} : vector<16xi32> to vector<1xi32>
      %squeeze3A_40 = vector.extract %slice3A_39[0] : i32 from vector<1xi32>
      %swap3A = arith.constant 0 : index
      %swap3A_41 = tpu.vector_load %arg13[%swap3A] {strides = array<i32>} : memref<16xi32, #tpu.memory_space<vmem>>, vector<16xi32>,
      tpu.vector_store %arg13[%swap3A], %while3A_21#3 {strides = array<i32>} : memref<16xi32, #tpu.memory_space<vmem>>, vector<16xi32>,
      %broadcast_in_dim3A_42 = vector.broadcast %squeeze3A_40 : i32 to vector<16xi32>
      %gather3A_43 = tpu.vector_load_idx %arg13[%broadcast_in_dim3A_42] : memref<16xi32, #tpu.memory_space<vmem>>[vector<16xi32>], vector<16xi32>,
      %slice3A_44 = vector.extract_strided_slice %gather3A_43 {offsets = [0], sizes = [1], strides = [1]} : vector<16xi32> to vector<1xi32>
      %squeeze3A_45 = vector.extract %slice3A_44[0] : i32 from vector<1xi32>
      %broadcast_in_dim3A_46 = arith.constant 0.000000e+00 : f32
      %broadcast_in_dim3A_47 = vector.broadcast %broadcast_in_dim3A_46 : f32 to vector<16xf32>
      %sub3A = vector.broadcast %reduce_max3A_24 : f32 to vector<16xf32>
      %sub3A_48 = arith.subf %broadcast_in_dim3A_47, %sub3A : vector<16xf32>
      %swap3A_49 = arith.constant 0 : index
      %swap3A_50 = tpu.vector_load %arg21[%swap3A_49] {strides = array<i32>} : memref<16xf32, #tpu.memory_space<vmem>>, vector<16xf32>,
      tpu.vector_store %arg21[%swap3A_49], %sub3A_48 {strides = array<i32>} : memref<16xf32, #tpu.memory_space<vmem>>, vector<16xf32>,
      %broadcast_in_dim3A_51 = vector.broadcast %squeeze3A_45 : i32 to vector<16xi32>
      %swap3A_52 = arith.constant 0 : index
      %swap3A_53 = tpu.vector_load %arg22[%swap3A_52] {strides = array<i32>} : memref<16xi32, #tpu.memory_space<vmem>>, vector<16xi32>,
      tpu.vector_store %arg22[%swap3A_52], %broadcast_in_dim3A_51 {strides = array<i32>} : memref<16xi32, #tpu.memory_space<vmem>>, vector<16xi32>,
      %scan3A = arith.constant 0 : i32
      %scan3A_54 = arith.constant 0 : i32
      %scan3A_55 = arith.constant 33 : i32
      %scan3A_56 = arith.addi %scan3A_54, %scan3A_55 : i32
      %scan3A_57 = arith.constant 1 : i32
      %scan3A_58 = scf.for %scan3A_74 = %scan3A_54 to %scan3A_56 step %scan3A_57 iter_args(%scan3A_75 = %scan3A) -> (i32)  : i32 {
        %broadcast_in_dim3A_76 = arith.constant 0 : i32
        %broadcast_in_dim3A_77 = vector.broadcast %broadcast_in_dim3A_76 : i32 to vector<16xi32>
        %mul3A_78 = arith.constant 16 : i32
        %mul3A_79 = arith.muli %scan3A_74, %mul3A_78 : i32
        %swap3A_80 = arith.index_cast %mul3A_79 : i32 to index
        %swap3A_81 = tpu.vector_load %arg20[%swap3A_80] {strides = array<i32>} : memref<528xi32, #tpu.memory_space<vmem>>, vector<16xi32>,
        tpu.vector_store %arg20[%swap3A_80], %broadcast_in_dim3A_77 {strides = array<i32>} : memref<528xi32, #tpu.memory_space<vmem>>, vector<16xi32>,
        %scan3A_82 = arith.constant 0 : i32
        scf.yield %scan3A_82 : i32
      }
      %scan3A_59 = arith.constant 33 : i32
      %eq3A_60 = arith.constant 0 : i32
      %eq3A_61 = vector.broadcast %eq3A_60 : i32 to vector<16xi32>
      %eq3A_62 = arith.cmpi eq, %iota3A, %eq3A_61 : vector<16xi32>
      %while3A_63 = arith.constant 0 : i32
      %while3A_64 = arith.subi %squeeze3A, %while3A_63 : i32
      %while3A_65 = arith.addi %while3A_63, %while3A_64 : i32
      %while3A_66 = arith.constant 1 : i32
      %while3A_67 = arith.divsi %while3A_64, %while3A_66 : i32
      %while3A_68 = arith.muli %while3A_67, %while3A_66 : i32
      %while3A_69 = arith.addi %while3A_63, %while3A_68 : i32
      %while3A_70 = arith.constant 1 : i32
      %while3A_71:2 = scf.for %while3A_74 = %while3A_63 to %while3A_69 step %while3A_70 iter_args(%while3A_75 = %squeeze3A_40, %while3A_76 = %squeeze3A_45) -> (i32, i32)  : i32 {
        %sub3A_77 = arith.constant 1 : i32
        %sub3A_78 = arith.subi %squeeze3A, %sub3A_77 : i32
        %sub3A_79 = arith.subi %sub3A_78, %while3A_74 : i32
        %shift_right_arithmetic3A = arith.constant 1 : i32
        %shift_right_arithmetic3A_80 = arith.shrsi %sub3A_79, %shift_right_arithmetic3A : i32
        %broadcast_in_dim3A_81 = vector.broadcast %shift_right_arithmetic3A_80 : i32 to vector<16xi32>
        %broadcast_in_dim3A_82 = vector.broadcast %while3A_75 : i32 to vector<16xi32>
        %gather3A_83 = tpu.vector_load_idx %arg8[%broadcast_in_dim3A_81, %broadcast_in_dim3A_82] : memref<256x16xi32, #tpu.memory_space<vmem>>[vector<16xi32>, vector<16xi32>], vector<16xi32>,
        %slice3A_84 = vector.extract_strided_slice %gather3A_83 {offsets = [0], sizes = [1], strides = [1]} : vector<16xi32> to vector<1xi32>
        %squeeze3A_85 = vector.extract %slice3A_84[0] : i32 from vector<1xi32>
        %and3A = arith.constant 1 : i32
        %and3A_86 = arith.andi %sub3A_79, %and3A : i32
        %eq3A_87 = arith.constant 1 : i32
        %eq3A_88 = arith.cmpi eq, %and3A_86, %eq3A_87 : i32
        %shift_right_arithmetic3A_89 = arith.constant 16 : i32
        %shift_right_arithmetic3A_90 = arith.shrsi %squeeze3A_85, %shift_right_arithmetic3A_89 : i32
        %and3A_91 = arith.constant 65535 : i32
        %and3A_92 = arith.andi %squeeze3A_85, %and3A_91 : i32
        %select_n3A_93 = arith.select %eq3A_88, %shift_right_arithmetic3A_90, %and3A_92 : i32
        %lt3A_94 = arith.constant 16 : i32
        %lt3A_95 = arith.cmpi slt, %select_n3A_93, %lt3A_94 : i32
        %sub3A_96 = arith.constant 16 : i32
        %sub3A_97 = arith.subi %select_n3A_93, %sub3A_96 : i32
        %and3A_98 = arith.constant 127 : i32
        %and3A_99 = arith.andi %sub3A_97, %and3A_98 : i32
        %jit3A_100 = arith.constant 0 : i32
        %select_n3A_101 = arith.select %lt3A_95, %jit3A_100, %and3A_99 : i32
        %sub3A_102 = arith.constant 16 : i32
        %sub3A_103 = arith.subi %select_n3A_93, %sub3A_102 : i32
        %shift_right_arithmetic3A_104 = arith.constant 7 : i32
        %shift_right_arithmetic3A_105 = arith.shrsi %sub3A_103, %shift_right_arithmetic3A_104 : i32
        %select_n3A_106 = arith.select %lt3A_95, %select_n3A_93, %shift_right_arithmetic3A_105 : i32
        %ne3A = arith.constant 0 : i32
        %ne3A_107 = arith.cmpi ne, %select_n3A_101, %ne3A : i32
        %convert_element_type3A_108 = arith.extui %ne3A_107 : i1 to i32
        %sub3A_109 = arith.subi %while3A_76, %convert_element_type3A_108 : i32
        %jit3A_110 = arith.constant 520 : i32
        %select_n3A_111 = arith.select %ne3A_107, %sub3A_109, %jit3A_110 : i32
        %broadcast_in_dim3A_112 = vector.broadcast %select_n3A_111 : i32 to vector<16xi32>
        %broadcast_in_dim3A_113 = vector.broadcast %select_n3A_101 : i32 to vector<16xi32>
        tpu.vector_store_idx %arg20[%broadcast_in_dim3A_112], %broadcast_in_dim3A_113 masked %eq3A_62 : memref<528xi32, #tpu.memory_space<vmem>>[vector<16xi32>], vector<16xi32>, vector<16xi1>
        scf.yield %select_n3A_106, %sub3A_109 : i32, i32
      }
      %while3A_72 = arith.constant 1 : i32
      %while3A_73:2 = scf.for %while3A_74 = %while3A_69 to %while3A_65 step %while3A_72 iter_args(%while3A_75 = %while3A_71#0, %while3A_76 = %while3A_71#1) -> (i32, i32)  : i32 {
        %sub3A_77 = arith.constant 1 : i32
        %sub3A_78 = arith.subi %squeeze3A, %sub3A_77 : i32
        %sub3A_79 = arith.subi %sub3A_78, %while3A_74 : i32
        %shift_right_arithmetic3A = arith.constant 1 : i32
        %shift_right_arithmetic3A_80 = arith.shrsi %sub3A_79, %shift_right_arithmetic3A : i32
        %broadcast_in_dim3A_81 = vector.broadcast %shift_right_arithmetic3A_80 : i32 to vector<16xi32>
        %broadcast_in_dim3A_82 = vector.broadcast %while3A_75 : i32 to vector<16xi32>
        %gather3A_83 = tpu.vector_load_idx %arg8[%broadcast_in_dim3A_81, %broadcast_in_dim3A_82] : memref<256x16xi32, #tpu.memory_space<vmem>>[vector<16xi32>, vector<16xi32>], vector<16xi32>,
        %slice3A_84 = vector.extract_strided_slice %gather3A_83 {offsets = [0], sizes = [1], strides = [1]} : vector<16xi32> to vector<1xi32>
        %squeeze3A_85 = vector.extract %slice3A_84[0] : i32 from vector<1xi32>
        %and3A = arith.constant 1 : i32
        %and3A_86 = arith.andi %sub3A_79, %and3A : i32
        %eq3A_87 = arith.constant 1 : i32
        %eq3A_88 = arith.cmpi eq, %and3A_86, %eq3A_87 : i32
        %shift_right_arithmetic3A_89 = arith.constant 16 : i32
        %shift_right_arithmetic3A_90 = arith.shrsi %squeeze3A_85, %shift_right_arithmetic3A_89 : i32
        %and3A_91 = arith.constant 65535 : i32
        %and3A_92 = arith.andi %squeeze3A_85, %and3A_91 : i32
        %select_n3A_93 = arith.select %eq3A_88, %shift_right_arithmetic3A_90, %and3A_92 : i32
        %lt3A_94 = arith.constant 16 : i32
        %lt3A_95 = arith.cmpi slt, %select_n3A_93, %lt3A_94 : i32
        %sub3A_96 = arith.constant 16 : i32
        %sub3A_97 = arith.subi %select_n3A_93, %sub3A_96 : i32
        %and3A_98 = arith.constant 127 : i32
        %and3A_99 = arith.andi %sub3A_97, %and3A_98 : i32
        %jit3A_100 = arith.constant 0 : i32
        %select_n3A_101 = arith.select %lt3A_95, %jit3A_100, %and3A_99 : i32
        %sub3A_102 = arith.constant 16 : i32
        %sub3A_103 = arith.subi %select_n3A_93, %sub3A_102 : i32
        %shift_right_arithmetic3A_104 = arith.constant 7 : i32
        %shift_right_arithmetic3A_105 = arith.shrsi %sub3A_103, %shift_right_arithmetic3A_104 : i32
        %select_n3A_106 = arith.select %lt3A_95, %select_n3A_93, %shift_right_arithmetic3A_105 : i32
        %ne3A = arith.constant 0 : i32
        %ne3A_107 = arith.cmpi ne, %select_n3A_101, %ne3A : i32
        %convert_element_type3A_108 = arith.extui %ne3A_107 : i1 to i32
        %sub3A_109 = arith.subi %while3A_76, %convert_element_type3A_108 : i32
        %jit3A_110 = arith.constant 520 : i32
        %select_n3A_111 = arith.select %ne3A_107, %sub3A_109, %jit3A_110 : i32
        %broadcast_in_dim3A_112 = vector.broadcast %select_n3A_111 : i32 to vector<16xi32>
        %broadcast_in_dim3A_113 = vector.broadcast %select_n3A_101 : i32 to vector<16xi32>
        tpu.vector_store_idx %arg20[%broadcast_in_dim3A_112], %broadcast_in_dim3A_113 masked %eq3A_62 : memref<528xi32, #tpu.memory_space<vmem>>[vector<16xi32>], vector<16xi32>, vector<16xi1>
        scf.yield %select_n3A_106, %sub3A_109 : i32, i32
      }
      "tpu.region"() ({
        %run_scoped3A = tpu.sem_alloc : memref<!tpu.dma_semaphore, #tpu.memory_space<semaphore_mem>>
        %dma_start3A = arith.constant 0 : i32
        %dma_start3A_74 = tpu.memref_slice %arg20[%dma_start3A] : memref<528xi32, #tpu.memory_space<vmem>> -> memref<512xi32, #tpu.memory_space<vmem>>
        %dma_start3A_75 = arith.constant 0 : i32
        %dma_start3A_76 = tpu.memref_slice %arg6[%add3A, %dma_start3A_75] : memref<16x512xi32, #tpu.memory_space<hbm>> -> memref<1x512xi32, #tpu.memory_space<hbm>>
        %dma_start3A_77 = tpu.memref_squeeze %dma_start3A_76 : memref<1x512xi32, #tpu.memory_space<hbm>> -> memref<512xi32, #tpu.memory_space<hbm>>
        %dma_start3A_78 = arith.constant 0 : i32
        %dma_start3A_79 = tpu.memref_slice %arg6[%add3A, %dma_start3A_78] : memref<16x512xi32, #tpu.memory_space<hbm>> -> memref<1x512xi32, #tpu.memory_space<hbm>>
        %dma_start3A_80 = tpu.memref_squeeze %dma_start3A_79 : memref<1x512xi32, #tpu.memory_space<hbm>> -> memref<512xi32, #tpu.memory_space<hbm>>
        %dma_start3A_81 = arith.constant 0 : i32
        %dma_start3A_82 = tpu.memref_slice %arg20[%dma_start3A_81] : memref<528xi32, #tpu.memory_space<vmem>> -> memref<512xi32, #tpu.memory_space<vmem>>
        tpu.enqueue_dma source(%dma_start3A_82 : memref<512xi32, #tpu.memory_space<vmem>>) target(%dma_start3A_80 : memref<512xi32, #tpu.memory_space<hbm>>) target_semaphore(%run_scoped3A : memref<!tpu.dma_semaphore, #tpu.memory_space<semaphore_mem>>)
        %dma_wait3A = arith.constant 0 : i32
        %dma_wait3A_83 = tpu.memref_slice %arg20[%dma_wait3A] : memref<528xi32, #tpu.memory_space<vmem>> -> memref<512xi32, #tpu.memory_space<vmem>>
        %dma_wait3A_84 = arith.constant 0 : i32
        %dma_wait3A_85 = tpu.memref_slice %arg6[%add3A, %dma_wait3A_84] : memref<16x512xi32, #tpu.memory_space<hbm>> -> memref<1x512xi32, #tpu.memory_space<hbm>>
        %dma_wait3A_86 = tpu.memref_squeeze %dma_wait3A_85 : memref<1x512xi32, #tpu.memory_space<hbm>> -> memref<512xi32, #tpu.memory_space<hbm>>
        %dma_wait3A_87 = arith.constant 0 : i32
        %dma_wait3A_88 = tpu.memref_slice %arg6[%add3A, %dma_wait3A_87] : memref<16x512xi32, #tpu.memory_space<hbm>> -> memref<1x512xi32, #tpu.memory_space<hbm>>
        %dma_wait3A_89 = tpu.memref_squeeze %dma_wait3A_88 : memref<1x512xi32, #tpu.memory_space<hbm>> -> memref<512xi32, #tpu.memory_space<hbm>>
        %dma_wait3A_90 = arith.constant 0 : i32
        %dma_wait3A_91 = tpu.memref_slice %arg20[%dma_wait3A_90] : memref<528xi32, #tpu.memory_space<vmem>> -> memref<512xi32, #tpu.memory_space<vmem>>
        tpu.wait_dma2 semaphore(%run_scoped3A : memref<!tpu.dma_semaphore, #tpu.memory_space<semaphore_mem>>) src(%dma_wait3A_91 : memref<512xi32, #tpu.memory_space<vmem>>) dst(%dma_wait3A_89 : memref<512xi32, #tpu.memory_space<hbm>>)
        tpu.yield
      }) : () -> ()
      "tpu.region"() ({
        %run_scoped3A = tpu.sem_alloc : memref<!tpu.dma_semaphore, #tpu.memory_space<semaphore_mem>>
        %dma_start3A = arith.constant 0 : i32
        %dma_start3A_74 = tpu.memref_slice %arg4[%add3A, %dma_start3A] : memref<16x16xf32, #tpu.memory_space<hbm>> -> memref<1x16xf32, #tpu.memory_space<hbm>>
        %dma_start3A_75 = tpu.memref_squeeze %dma_start3A_74 : memref<1x16xf32, #tpu.memory_space<hbm>> -> memref<16xf32, #tpu.memory_space<hbm>>
        %dma_start3A_76 = arith.constant 0 : i32
        %dma_start3A_77 = tpu.memref_slice %arg4[%add3A, %dma_start3A_76] : memref<16x16xf32, #tpu.memory_space<hbm>> -> memref<1x16xf32, #tpu.memory_space<hbm>>
        %dma_start3A_78 = tpu.memref_squeeze %dma_start3A_77 : memref<1x16xf32, #tpu.memory_space<hbm>> -> memref<16xf32, #tpu.memory_space<hbm>>
        tpu.enqueue_dma source(%arg21 : memref<16xf32, #tpu.memory_space<vmem>>) target(%dma_start3A_78 : memref<16xf32, #tpu.memory_space<hbm>>) target_semaphore(%run_scoped3A : memref<!tpu.dma_semaphore, #tpu.memory_space<semaphore_mem>>)
        %dma_wait3A = arith.constant 0 : i32
        %dma_wait3A_79 = tpu.memref_slice %arg4[%add3A, %dma_wait3A] : memref<16x16xf32, #tpu.memory_space<hbm>> -> memref<1x16xf32, #tpu.memory_space<hbm>>
        %dma_wait3A_80 = tpu.memref_squeeze %dma_wait3A_79 : memref<1x16xf32, #tpu.memory_space<hbm>> -> memref<16xf32, #tpu.memory_space<hbm>>
        %dma_wait3A_81 = arith.constant 0 : i32
        %dma_wait3A_82 = tpu.memref_slice %arg4[%add3A, %dma_wait3A_81] : memref<16x16xf32, #tpu.memory_space<hbm>> -> memref<1x16xf32, #tpu.memory_space<hbm>>
        %dma_wait3A_83 = tpu.memref_squeeze %dma_wait3A_82 : memref<1x16xf32, #tpu.memory_space<hbm>> -> memref<16xf32, #tpu.memory_space<hbm>>
        tpu.wait_dma2 semaphore(%run_scoped3A : memref<!tpu.dma_semaphore, #tpu.memory_space<semaphore_mem>>) src(%arg21 : memref<16xf32, #tpu.memory_space<vmem>>) dst(%dma_wait3A_83 : memref<16xf32, #tpu.memory_space<hbm>>)
        tpu.yield
      }) : () -> ()
      "tpu.region"() ({
        %run_scoped3A = tpu.sem_alloc : memref<!tpu.dma_semaphore, #tpu.memory_space<semaphore_mem>>
        %dma_start3A = arith.constant 0 : i32
        %dma_start3A_74 = tpu.memref_slice %arg5[%add3A, %dma_start3A] : memref<16x16xi32, #tpu.memory_space<hbm>> -> memref<1x16xi32, #tpu.memory_space<hbm>>
        %dma_start3A_75 = tpu.memref_squeeze %dma_start3A_74 : memref<1x16xi32, #tpu.memory_space<hbm>> -> memref<16xi32, #tpu.memory_space<hbm>>
        %dma_start3A_76 = arith.constant 0 : i32
        %dma_start3A_77 = tpu.memref_slice %arg5[%add3A, %dma_start3A_76] : memref<16x16xi32, #tpu.memory_space<hbm>> -> memref<1x16xi32, #tpu.memory_space<hbm>>
        %dma_start3A_78 = tpu.memref_squeeze %dma_start3A_77 : memref<1x16xi32, #tpu.memory_space<hbm>> -> memref<16xi32, #tpu.memory_space<hbm>>
        tpu.enqueue_dma source(%arg22 : memref<16xi32, #tpu.memory_space<vmem>>) target(%dma_start3A_78 : memref<16xi32, #tpu.memory_space<hbm>>) target_semaphore(%run_scoped3A : memref<!tpu.dma_semaphore, #tpu.memory_space<semaphore_mem>>)
        %dma_wait3A = arith.constant 0 : i32
        %dma_wait3A_79 = tpu.memref_slice %arg5[%add3A, %dma_wait3A] : memref<16x16xi32, #tpu.memory_space<hbm>> -> memref<1x16xi32, #tpu.memory_space<hbm>>
        %dma_wait3A_80 = tpu.memref_squeeze %dma_wait3A_79 : memref<1x16xi32, #tpu.memory_space<hbm>> -> memref<16xi32, #tpu.memory_space<hbm>>
        %dma_wait3A_81 = arith.constant 0 : i32
        %dma_wait3A_82 = tpu.memref_slice %arg5[%add3A, %dma_wait3A_81] : memref<16x16xi32, #tpu.memory_space<hbm>> -> memref<1x16xi32, #tpu.memory_space<hbm>>
        %dma_wait3A_83 = tpu.memref_squeeze %dma_wait3A_82 : memref<1x16xi32, #tpu.memory_space<hbm>> -> memref<16xi32, #tpu.memory_space<hbm>>
        tpu.wait_dma2 semaphore(%run_scoped3A : memref<!tpu.dma_semaphore, #tpu.memory_space<semaphore_mem>>) src(%arg22 : memref<16xi32, #tpu.memory_space<vmem>>) dst(%dma_wait3A_83 : memref<16xi32, #tpu.memory_space<hbm>>)
        tpu.yield
      }) : () -> ()
    } else {
    }
    return
  }
}

</mosaic_0001>

<sc_bundles>
// kernel: _sc_decode.3.cloned.1.call-start
scs
__scs_entry_jumppad:
0x0: {  	(pc) =	sbr.rel $0x88, $3  }
0x1: {  	(tag) =	ssettag $0x0;
	lr =	simm.s32 $0x1  }
0x2: {  	[smem:$0x3F9F] =	sst lr;
	_ =	strace $0xD0000000  }
0x3: {  	_ = 	snop  }
0x4: {  	_ = 	snop  }
0x5: {  	_ = 	snop  }
0x6: {  	_ = 	snop  }
0x7: {  	_ = 	snop  }
__scs_overlays_trampoline_lowered:
0x8: {  	[smem:$0x3FAE] =	sst s0  }
0x9: {  	[smem:$0x3FAF] =	sst s1  }
0xa: {  	[smem:$0x3FB0] =	sst s2  }
0xb: {  	[smem:$0x3FB1] =	sst s3  }
0xc: {  	[smem:$0x3FB2] =	sst s4  }
0xd: {  	[smem:$0x3FB3] =	sst s5  }
0xe: {  	[smem:$0x3FB4] =	sst s6  }
0xf: {  	[smem:$0x3FB5] =	sst s7  }
0x10: {  	[smem:$0x3FB6] =	sst s8  }
0x11: {  	[smem:$0x3FB7] =	sst s9;
	s0 =	simm.s32 @!p0 $0x0  }
0x12: {  	s1 =	sld [smem:$0x3F9D];
	s0 =	simm.s32 @p0 $0x1  }
0x13: {  	[smem:$0x3FB8] =	sst s0;
	s0 =	simm.s32 @!p1 $0x0  }
0x14: {  	s2 =	sld [smem:$0x3F9C];
	s0 =	simm.s32 @p1 $0x1  }
0x15: {  	[smem:$0x3FB9] =	sst s0;
	s0 =	simm.s32 @!p2 $0x0  }
0x16: {  	s3 =	sld [smem:$0x3FDB];
	s0 =	simm.s32 @p2 $0x1  }
0x17: {  	s4 =	simm.s32 $0x1BF5;
	[smem:$0x3FBB] =	sst s0  }
0x18: {  	s0 =	sld [smem:$0x3F9E];
	_ =	swait.ge [sflag:s4], $0x0  }
0x19: {  	s7 =	sld [smem:$0x3F9F]  }
0x1a: {  	s8 =	sadd.s32 $0xFFFFE003, lr  }
0x1b: {  	s9 =	sadd.s32 $0xFFFFFEF7, lr;
	s5 =	simm.s32 $0xFFFFFFFF;
	p2 =	slt.u32 s8, $0xFFFFF086  }
0x1c: {  	p1 =	slt.u32 s9, $0xF7A;
	s5 =	simm.s32 @!p2 $0x0  }
0x1d: {  	s5 =	simm.s32 @p1 $0x1;
	p0 =	seq.s32 s7, s2  }
0x1e: {  	s7 =	smul.u32 @!p0 $0xF7A, s2;
	p2 =	seq.s32 @!p0 s5, $0x0  }
0x1f: {  	s9 =	smul.u32 $0xF7A, s1;
	s8 =	simm.s32 @!p0 $0x1BF5;
	p2 =	por !p2, p0  }
0x20: {  	[sflag:s8] =	ssyncset.s32 @!p0 $0xFFFFF086;
	s6 =	sadd.s32 @!p0 s3, s7;
	s7 =	simm.s32 @!p0 $0x108  }
0x21: {  	s3 =	sadd.s32 s3, s9;
	s6 =	sadd.s32 @!p0 $0x88, s6;
	s7 =	simm.s32 @p2 $0x1082  }
0x22: {  	[simem:s7], [sflag:s8] =	dma.local @!p0 [hbm:s6], $0xF7A  }
0x23: {  	s9 =	sor.u32 $0xD0000000, s2;
	s6 =	simm.s32 $0x108;
	_ =	swait.ge @!p0 [sflag:s8], $0x0  }
0x24: {  	s3 =	sadd.s32 $0x88, s3;
	s6 =	simm.s32 @!p1 $0x1082;
	[sflag:s4] =	ssyncset.s32 $0xFFFFF086  }
0x25: {  	[simem:s6], [sflag:s4] =	dma.local [hbm:s3], $0xF7A  }
0x26: {  	[smem:$0x3F9F] =	sst s1;
	(tag) =	ssettag s2;
	_ =	strace s9  }
0x27: {  	s1 =	sld [smem:$0x3FAF]  }
0x28: {  	s2 =	sld [smem:$0x3FB0]  }
0x29: {  	s4 =	sld [smem:$0x3FB2]  }
0x2a: {  	p0 =	seq.s32 s5, $0x0;
	s5 =	sld [smem:$0x3FB3]  }
0x2b: {  	s6 =	sld [smem:$0x3FB4]  }
0x2c: {  	s7 =	sld [smem:$0x3FB5]  }
0x2d: {  	s3 =	simm.s32 $0x108;
	s8 =	sld [smem:$0x3FB6]  }
0x2e: {  	s3 =	simm.s32 @!p0 $0x1082;
	s9 =	sld [smem:$0x3FB7]  }
0x2f: {  	lr =	sadd.s32 s0, s3;
	s0 =	sld [smem:$0x3FAE]  }
0x30: {  	s3 =	sld [smem:$0x3FB1]  }
0x31: {  	[smem:$0x3FBA] =	sst s10  }
0x32: {  	s10 =	sld [smem:$0x3FB8];
	_ =	sdelay $0x3  }
0x33: {  	p0 =	seq.s32 s10, $0x1;
	s10 =	sld [smem:$0x3FBA];
	_ =	sdelay $0x3  }
0x34: {  	[smem:$0x3FBA] =	sst s10  }
0x35: {  	s10 =	sld [smem:$0x3FB9];
	_ =	sdelay $0x3  }
0x36: {  	p1 =	seq.s32 s10, $0x1;
	s10 =	sld [smem:$0x3FBA];
	_ =	sdelay $0x3  }
0x37: {  	[smem:$0x3FBA] =	sst s10  }
0x38: {  	s10 =	sld [smem:$0x3FBB]  }
0x39: {  	_ = 	snop;
	(pc) =	sbr.ind lr, $3  }
0x3a: {  	_ = 	snop  }
0x3b: {  	_ = 	snop  }
0x3c: {  	p2 =	seq.s32 s10, $0x1;
	s10 =	sld [smem:$0x3FBA]  }
0x3d: {  	_ =	shalt  }
0x3e: {  	_ =	shalt  }
0x3f: {  	_ =	shalt  }
0x40: {  	_ =	shalt  }
0x41: {  	_ =	shalt  }
0x42: {  	_ =	shalt  }
0x43: {  	_ =	shalt  }
0x44: {  	_ =	shalt  }
0x45: {  	_ =	shalt  }
0x46: {  	_ =	shalt  }
0x47: {  	_ =	shalt  }
0x48: {  	_ =	shalt  }
0x49: {  	_ =	shalt  }
0x4a: {  	_ =	shalt  }
0x4b: {  	_ =	shalt  }
0x4c: {  	_ =	shalt  }
0x4d: {  	_ =	shalt  }
0x4e: {  	_ =	shalt  }
0x4f: {  	_ =	shalt  }
0x50: {  	_ =	shalt  }
0x51: {  	_ =	shalt  }
0x52: {  	_ =	shalt  }
0x53: {  	_ =	shalt  }
0x54: {  	_ =	shalt  }
0x55: {  	_ =	shalt  }
0x56: {  	_ =	shalt  }
0x57: {  	_ =	shalt  }
0x58: {  	_ =	shalt  }
0x59: {  	_ =	shalt  }
0x5a: {  	_ =	shalt  }
0x5b: {  	_ =	shalt  }
0x5c: {  	_ =	shalt  }
0x5d: {  	_ =	shalt  }
0x5e: {  	_ =	shalt  }
0x5f: {  	_ =	shalt  }
0x60: {  	_ =	shalt  }
0x61: {  	_ =	shalt  }
0x62: {  	_ =	shalt  }
0x63: {  	_ =	shalt  }
0x64: {  	_ =	shalt  }
0x65: {  	_ =	shalt  }
0x66: {  	_ =	shalt  }
0x67: {  	_ =	shalt  }
0x68: {  	_ =	shalt  }
0x69: {  	_ =	shalt  }
0x6a: {  	_ =	shalt  }
0x6b: {  	_ =	shalt  }
0x6c: {  	_ =	shalt  }
0x6d: {  	_ =	shalt  }
0x6e: {  	_ =	shalt  }
0x6f: {  	_ =	shalt  }
0x70: {  	_ =	shalt  }
0x71: {  	_ =	shalt  }
0x72: {  	_ =	shalt  }
0x73: {  	_ =	shalt  }
0x74: {  	_ =	shalt  }
0x75: {  	_ =	shalt  }
0x76: {  	_ =	shalt  }
0x77: {  	_ =	shalt  }
0x78: {  	_ =	shalt  }
0x79: {  	_ =	shalt  }
0x7a: {  	_ =	shalt  }
0x7b: {  	_ =	shalt  }
0x7c: {  	_ =	shalt  }
0x7d: {  	_ =	shalt  }
0x7e: {  	_ =	shalt  }
0x7f: {  	_ =	shalt  }
0x80: {  	_ =	shalt  }
0x81: {  	_ =	shalt  }
0x82: {  	_ =	shalt  }
0x83: {  	_ =	shalt  }
0x84: {  	_ =	shalt  }
0x85: {  	_ =	shalt  }
0x86: {  	_ =	shalt  }
0x87: {  	_ =	shalt  }
.Lfunc_end0:
.L_simem_size_0:
called_computation_lowered:
.L_overlay_start_0:
0x88: {  	s2 =	sld [smem:$0x3FD9]  }
0x89: {  	s3 =	sld [smem:$0x3FFE];
	_ =	sdelay $0x1  }
0x8a: {  	s1 =	srdreg.scid  }
0x8b: {  	s0 =	sand.u32 $0x1, s1  }
0x8c: {  	s15 =	sshll.u32 s0, $0xA;
	s2 =	sadd.s32 s3, s2  }
0x8d: {  	s2 =	sadd.s32 s2, s15  }
0x8e: {  	[smem:$0x3FC6] =	sst s2  }
0x8f: {  	_ = 	snop  }
0x90: {  	s2 =	sld [smem:$0x3FD0];
	_ =	sdelay $0x1  }
0x91: {  	s16 =	sld [smem:$0x3FC9]  }
0x92: {  	s5 =	simm.s32 $0xA;
	s6 =	simm.s32 $0x10;
	s4 =	sld [smem:$0x3FC8]  }
0x93: {  	[smem:s6], [sflag:s5] =	dma.local [hbm:s2], $0x1  }
0x94: {  	_ =	swait.eq [sflag:s5], $0x1  }
0x95: {  	s17 =	sld [smem:$0x10];
	[sflag:s5] =	ssyncset.done $0x0  }
0x96: {  	s18 =	sld [smem:$0x11];
	[sflag:s5] =	ssyncadd.s32 $0xFFFFFFFF  }
0x97: {  	s19 =	sld [smem:$0x12];
	(tm) =	ssettm $0x1  }
0x98: {  	s7 =	sld [smem:$0x3FFB];
	_ =	sdelay $0x3  }
0x99: {  	_ =	strace s7  }
0x9a: {  	s7 =	sld [smem:$0x3FFC];
	_ =	sdelay $0x3  }
0x9b: {  	_ =	strace s7  }
0x9c: {  	s7 =	sld [smem:$0x3FFD];
	_ =	sdelay $0x3  }
0x9d: {  	_ =	strace s7  }
0x9e: {  	_ =	strace $0x8FFFFFFF  }
0x9f: {  	s20 =	sld [smem:$0x3FDB];
	_ =	sdelay $0x1  }
0xa0: {  	s8 =	simm.s32 $_scs_section_size  }
0xa1: {  	s9 =	simm.s32 $_size__tile_overlayer_lowered;
	s10 =	simm.s32 $_tile_overlayer_lowered  }
0xa2: {  	s23 =	simm.s32 $0x1BFF;
	s22 =	sshll.u32 s10, $0x1;
	s7 =	sadd.s32 s8, s20  }
0xa3: {  	s11 =	simm.s32 $0x0;
	s21 =	sshll.u32 s9, $0x1;
	s9 =	sadd.s32 s22, s7  }
0xa4: {  	[timem:s11], [sflag:s23] =	dma.local [hbm:s9], s21  }
0xa5: {  	_ =	swait.ge [sflag:s23], s21  }
0xa6: {  	s8 =	ssub.s32 $0x0, s21;
	[sflag:s23] =	ssyncset.done $0x0  }
0xa7: {  	[sflag:s23] =	ssyncadd.s32 s8;
	_ =	sdelay $0x1  }
0xa8: {  	s24 =	simm.s32 $0x1B8B  }
0xa9: {  	_ =	swait.ge [sflag:s24], $0x1  }
0xaa: {  	[sflag:s24] =	ssyncset.done $0x0  }
0xab: {  	s25 =	simm.s32 $0x1B8E;
	[sflag:s24] =	ssyncadd.s32 $0xFFFFFFFF  }
0xac: {  	s26 =	simm.s32 $execute0_lowered;
	[smem:$0x3FD2] =	sst s25  }
0xad: {  	s8 =	sshll.u32 s26, $0x1;
	_ =	strace $0x80000046;
	[dreg:$0x1] =	wrdreg $0xFFFFFFFF  }
0xae: {  	s28 =	simm.s32 $_size_execute0_lowered;
	s7 =	sadd.s32 s7, s8;
	[dreg:$0x0] =	wrdreg $0x0  }
0xaf: {  	s8 =	sshll.u32 s28, $0x1;
	[dreg:$0x2] =	wrdreg s7  }
0xb0: {  	[dreg:$0x3] =	wrdreg s8  }
0xb1: {  	[dreg:$0x4] =	wrdreg $0xC0  }
0xb2: {  	_ =	task [dreg:s11], $0x5FFFF  }
0xb3: {  	[dreg:$0x1] =	wrdreg $0xFFFFFFFF  }
0xb4: {  	[dreg:$0x0] =	wrdreg $0x60  }
0xb5: {  	[dreg:$0x2] =	wrdreg s16  }
0xb6: {  	[dreg:$0x3] =	wrdreg s4  }
0xb7: {  	[dreg:$0x4] =	wrdreg s17  }
0xb8: {  	[dreg:$0x5] =	wrdreg s18  }
0xb9: {  	[dreg:$0x6] =	wrdreg s19  }
0xba: {  	[dreg:$0x7] =	wrdreg $0x9  }
0xbb: {  	_ =	task.clear_ibuf [dreg:s11], $0x8FFFF;
	_ =	strace $0x90000046  }
0xbc: {  	s29 =	simm.s32 $0x9;
	_ =	strace $0x80000048  }
0xbd: {  	_ =	swait.ge [sflag:s29], $0x1  }
0xbe: {  	[sflag:s29] =	ssyncadd.s32 $0xFFFFFFFF  }
0xbf: {  	_ =	strace $0x90000048  }
0xc0: {  	_ =	sfence  }
0xc1: {  	s30 =	sld [smem:$0x0];
	_ =	sdelay $0x2  }
0xc2: {  	s31 =	sshll.u32 s1, $0xD;
	s1 =	sshrl.u32 s1, $0x2  }
0xc3: {  	s3 =	sand.u32 $0x4000, s31;
	s1 =	sadd.s32 s1, s30  }
0xc4: {  	s0 =	sor.u32 s3, s0;
	s1 =	sshll.u32 s1, $0x11  }
0xc5: {  	s0 =	sor.u32 s1, s0  }
0xc6: {  	s0 =	sadd.s32 $0x8F2B, s0  }
0xc7: {  	[sflag:s0] =	ssyncadd.remote.s32 $0x1  }
0xc8: {  	_ =	sfence.sel $0xFFFF  }
0xc9: {  	[dreg:$0x0] =	wrdreg $0xFFFFFFFF;
	(pc) =	sbr.abs _section_cstart, $3  }
0xca: {  	[dreg:$0x1] =	wrdreg $0xFFFFFFFF  }
0xcb: {  	_ =	task.clear_ibuf [dreg:s11], $0x2FFFF;
	_ =	strace $0x9FFFFFFF  }
0xcc: {  	(tm) =	ssettm $0x7FFFFFFF  }
0xcd: {  	_ =	shalt  }
tec
execute0_lowered:
.L_overlay_start_1:
0x0: {  	(tag) =	ssettag $0x1  }
0x1: {  	s5 =	stileid.u32  }
0x2: {  	p0 =	sgt.u32 s5, $0x7  }
.Ltmp0:
0x3: {  	s0 =	rddreg [dreg:$0x0];
	(pc) =	sbr.rel @p0 .LBB2_54-.Ltmp0, $4  }
0x4: {  	s2 =	rddreg [dreg:$0x2]  }
0x5: {  	s1 =	rddreg [dreg:$0x3];
	s3 =	simm.s32 $0x0  }
0x6: {  	[smem:$0x7FF] =	sst s3  }
0x7: {  	s4 =	rddreg [dreg:$0x4];
	_ =	strace $0x80000047  }
0x8: {  	s5 =	srdreg.scid;
	s7 =	stileid.u32;
	s10 =	simm.s32 $0x19400  }
0x9: {  	s11 =	simm.s32 $0x19280;
	s12 =	simm.s32 $0x19580;
	s13 =	simm.s32 $0x19480  }
0xa: {  	v9 =	vimm.s32 $0xEDCBA987;
	s14 =	simm.s32 $0x19300;
	s15 =	simm.s32 $0x19100;
	s16 =	simm.s32 $0x19180  }
0xb: {  	v0 =	vlaneseq.u32;
	v11 =	vimm.s32 $0x65432100;
	s17 =	simm.s32 $0x19200;
	s18 =	simm.s32 $0x19380;
	s19 =	simm.s32 $0x10000  }
0xc: {  	vm0 =	vcmask $0x300;
	vm1 =	vcmask $0x3F04;
	s20 =	simm.s32 $0x19600;
	s23 =	simm.s32 $0x19880;
	s24 =	simm.s32 $0x19900;
	v3 =	vmul.u32 $0x80, v0  }
0xd: {  	s5 =	sand.u32 $0x1, s5;
	s6 =	sshll.u32 s7, $0x1;
	s7 =	sshrl.u32 s7, $0x2;
	v1 =	vmul.u32 $0x1001, v0;
	v4 =	vor.u32 $0x10, v0;
	v6 =	vor.u32 $0x20, v0  }
0xe: {  	s25 =	simm.s32 $0x0;
	v8 =	vor.u32 $0x30, v0;
	v13 =	vunpack.c.l.s4.s8 v9;
	v10 =	vor.u32 $0x40, v0;
	s6 =	sor.u32 s5, s6;
	s9 =	sshll.u32 s7, $0xC  }
0xf: {  	v15 =	vunpack.c.l.s4.s8 v11;
	v12 =	vor.u32 $0x50, v0;
	v14 =	vor.u32 $0x60, v0;
	s7 =	sshll.u32 s7, $0xA;
	s28 =	ssub.s32 $0x2, s5;
	s8 =	sshll.u32 s6, $0x7  }
.Ltmp1:
0x10: {  	v16 =	vor.u32 $0x70, v0;
	v2 =	vmov s6;
	v3 =	vor.u32 $0x10010, v3;
	s29 =	sshrl.u32 s28, $0x1;
	s8 =	sand.u32 $0x380, s8;
	(pc) =	sbr.rel .LBB2_2-.Ltmp1, $4  }
0x11: {  	s30 =	sshll.u32 s6, $0xD;
	v5 =	vadd.s32 $0x10010, v1;
	v7 =	vadd.s32 $0x20020, v1;
	v17 =	vunpack.c.0.s8.s32 v13;
	s9 =	sor.u32 s9, s8;
	s7 =	sor.u32 s7, s8  }
0x12: {  	v9 =	vadd.s32 $0x30030, v1;
	v11 =	vadd.s32 $0x40040, v1;
	v18 =	vunpack.c.0.s8.s32 v15;
	s31 =	ssub.s32 s28, s29;
	s9 =	sshrl.u32 s9, $0x3;
	s7 =	sshrl.u32 s7, $0x3  }
0x13: {  	v13 =	vadd.s32 $0x50050, v1;
	v15 =	vadd.s32 $0x60060, v1;
	s8 =	smax.u32 s31, $0x1;
	v19 =	vand.u32 $0xF, v17;
	s4 =	sadd.s32 s4, s9;
	s5 =	sadd.s32 s2, s7  }
0x14: {  	v17 =	vadd.s32 $0x70070, v1;
	v18 =	vcombine.low v18, v19;
	v19 =	vimm.s32 $0x0;
	s6 =	sadd.s32 s1, s7;
	s7 =	sadd.s32 s0, s30;
	s9 =	simm.s32 $0x1  }
.LBB2_47:
0x15: {  	_ = 	snop  }
.LBB2_52:
0x16: {  	p1 =	por !p2, !p0;
	s0 =	smov.u32 s28  }
0x17: {  	v21 =	vand.u32 $0xFFFFFF80, v20;
	s21 =	sand.u32 $0xFFFFFF80, s21;
	s0 =	simm.s32 @p1 $0x208  }
0x18: {  	v20 =	vand.u32 $0x7F, v20;
	v21 =	vadd.s32 s21, v21;
	v22 =	vmov @p0 s0  }
0x19: {  	v20 =	vor.u32 v20, v21;
	_ =	sdelay $0x2  }
0x1a: {  	v21 =	vmov @p0 s2  }
0x1b: {  	[tilespmem:v22+s20+$0x0] =	vst.idx.msk @p0 $0x1, v21  }
0x1c: {  	v20 =	vld.idx.msk [tilespmem:v20+s19+$0x0], $0xffff;
	_ =	sdelay $0x4  }
0x1d: {  	(v2sf) =	vpush v20, $0x0;
	_ =	sdelay $0xe  }
0x1e: {  	s30 =	sand.u32 $0x1, s1;
	s31 =	spop (v2sf)  }
0x1f: {  	p0 =	seq.s32 s30, $0x1;
	s0 =	sshra.s32 s31, $0x10;
	s1 =	sand.u32 $0xFFFF, s31  }
0x20: {  	s1 =	smov.u32 @p0 s0  }
0x21: {  	s0 =	sadd.s32 $0xFFFFFFF0, s1  }
0x22: {  	p0 =	slt.s32 s1, $0x10;
	s0 =	sand.u32 $0x7F, s0  }
0x23: {  	s0 =	simm.s32 @p0 $0x0  }
0x24: {  	s1 =	simm.s32 $0x1;
	p0 =	sne.s32 s0, $0x0  }
0x25: {  	s1 =	simm.s32 @!p0 $0x0  }
0x26: {  	s1 =	ssub.s32 s28, s1  }
0x27: {  	s1 =	simm.s32 @!p0 $0x208  }
0x28: {  	v20 =	vmov s1;
	_ =	sdelay $0x3  }
0x29: {  	v63 =	vmov s0  }
0x2a: {  	[tilespmem:v20+s20+$0x0] =	vst.idx.msk $0x1, v63  }
.LBB2_53:
0x2b: {  	s0 =	simm.s32 $0x80;
	s1 =	simm.s32 $0x400  }
0x2c: {  	[hbm4b:s4+s0] =	stream.strided.scatter [tilespmem:s20], [sflag:$0x1], $0x200, s1, s0, $0x38;
	[tilespmem:$0x19980] =	vst v63  }
0x2d: {  	_ =	swait.ge [sflag:s9], $0x200  }
0x2e: {  	[sflag:s9] =	ssyncset.done $0x0  }
0x2f: {  	[sflag:s9] =	ssyncadd.s32 $0xFFFFFE00  }
0x30: {  	[hbm4b:s5+s3] =	stream.linear.scatter [tilespmem:s23], [sflag:$0x1], $0x80, $0x38;
	[tilespmem:$0x19980] =	vst v63  }
0x31: {  	s25 =	sadd.s32 $0x1, s25;
	_ =	swait.ge [sflag:s9], $0x80  }
0x32: {  	p0 =	sne.s32 s25, s8;
	[sflag:s9] =	ssyncset.done $0x0  }
.Ltmp2:
0x33: {  	[sflag:s9] =	ssyncadd.s32 $0xFFFFFF80;
	(pc) =	sbr.rel @!p0 .LBB2_54-.Ltmp2, $4  }
0x34: {  	[hbm4b:s6+s3] =	stream.linear.scatter [tilespmem:s24], [sflag:$0x1], $0x80, $0x38;
	[tilespmem:$0x19980] =	vst v63  }
0x35: {  	_ =	swait.ge [sflag:s9], $0x80  }
0x36: {  	[sflag:s9] =	ssyncset.done $0x0  }
0x37: {  	[sflag:s9] =	ssyncadd.s32 $0xFFFFFF80  }
.LBB2_2:
0x38: {  	s28 =	simm.s32 $0x0  }
0x39: {  	[tilespmem:s28], [sflag:$0x1] =	stream.linear.gather [hbm4b:s7+s28], $0x10000, $0x38;
	[tilespmem:$0x19980] =	vst v63  }
0x3a: {  	_ =	swait.ge [sflag:s9], $0x10000  }
0x3b: {  	[sflag:s9] =	ssyncset.done $0x0  }
0x3c: {  	[sflag:s9] =	ssyncadd.s32 $0xFFFF0000  }
0x3d: {  	s0 =	rddreg [dreg:$0x1]  }
0x3e: {  	[tilespmem:s10], [sflag:$0x1] =	stream.linear.gather [hbm4b:s0+s28], $0x80, $0x38;
	[tilespmem:$0x19980] =	vst v63  }
0x3f: {  	_ =	swait.ge [sflag:s9], $0x80  }
0x40: {  	[sflag:s9] =	ssyncset.done $0x0  }
0x41: {  	[sflag:s9] =	ssyncadd.s32 $0xFFFFFF80  }
0x42: {  	v20 =	vld.idx.msk [tilespmem:v2+s10+$0x0], $0xffff;
	_ =	sdelay $0x4  }
0x43: {  	(v2sf) =	vpush v20, $0x0;
	_ =	sdelay $0xe  }
0x44: {  	s26 =	spop (v2sf)  }
0x45: {  	p0 =	slt.s32 s26, $0x1  }
.Ltmp3:
0x46: {  	_ = 	snop;
	(pc) =	sbr.rel @!p0 .LBB2_3-.Ltmp3, $4  }
0x47: {  	_ = 	snop  }
0x48: {  	v23 =	vimm.f32 $-1.000000020e+30  }
0x49: {  	v20 =	vsel vm0, $0x0, v23  }
0x4a: {  	v39 =	vlaneseq.u32;
	v35 =	vimm.s32 $0x0;
	v21 =	vimm.s32 $0x0;
	s29 =	simm.s32 $0x0;
	v34 =	vmovc v20  }
.LBB2_45:
0x4b: {  	(xrf0) =	vmax.scan.msk.f32 $0xffff, v20;
	_ =	sdelay $0x5  }
0x4c: {  	v22, _, _ =	vpop (xrf0)  }
0x4d: {  	v22 =	vbroadcast v22, $0xF;
	_ =	sdelay $0x1  }
0x4e: {  	vm2 =	veq.f32 v20, v22  }
0x4f: {  	v20 =	vnsel vm2, $0x40000000, v39  }
0x50: {  	v23 =	vxor.u32 $0x80000000, v20  }
0x51: {  	(xrf0) =	vmin.scan.msk.u32 $0xffff, v23;
	_ =	sdelay $0x5  }
0x52: {  	v23, _, _ =	vpop (xrf0)  }
0x53: {  	(v2sf) =	vpush v23, $0xF;
	_ =	sdelay $0xe  }
0x54: {  	s0 =	spop (v2sf)  }
0x55: {  	s0 =	sxor.u32 $0x80000000, s0  }
0x56: {  	vm2 =	veq.s32 v20, s0  }
0x57: {  	v20 =	vmctz.xlane vm2;
	_ =	sdelay $0x1  }
0x58: {  	v23 =	vbroadcast v20, $0x0;
	_ =	sdelay $0x3  }
0x59: {  	v22 =	vsub.f32 $0.0e+00, v22  }
0x5a: {  	[tilespmem:$0x19200] =	vst v21  }
0x5b: {  	v21 =	vld.idx.msk [tilespmem:v23+s17+$0x0], $0xffff;
	[tilespmem:$0x19880] =	vst v22  }
0x5c: {  	[tilespmem:$0x19600] =	vst v19  }
0x5d: {  	[tilespmem:$0x19610] =	vst v19  }
0x5e: {  	[tilespmem:$0x19620] =	vst v19  }
0x5f: {  	[tilespmem:$0x19630] =	vst v19  }
0x60: {  	[tilespmem:$0x19640] =	vst v19  }
0x61: {  	[tilespmem:$0x19650] =	vst v19  }
0x62: {  	[tilespmem:$0x19660] =	vst v19  }
0x63: {  	[tilespmem:$0x19670] =	vst v19  }
0x64: {  	[tilespmem:$0x19680] =	vst v19  }
0x65: {  	[tilespmem:$0x19690] =	vst v19  }
0x66: {  	[tilespmem:$0x196A0] =	vst v19  }
0x67: {  	[tilespmem:$0x196B0] =	vst v19  }
0x68: {  	[tilespmem:$0x196C0] =	vst v19  }
0x69: {  	[tilespmem:$0x196D0] =	vst v19  }
0x6a: {  	[tilespmem:$0x196E0] =	vst v19  }
0x6b: {  	[tilespmem:$0x196F0] =	vst v19  }
0x6c: {  	[tilespmem:$0x19700] =	vst v19  }
0x6d: {  	[tilespmem:$0x19710] =	vst v19  }
0x6e: {  	[tilespmem:$0x19720] =	vst v19  }
0x6f: {  	[tilespmem:$0x19730] =	vst v19  }
0x70: {  	[tilespmem:$0x19740] =	vst v19  }
0x71: {  	[tilespmem:$0x19750] =	vst v19  }
0x72: {  	[tilespmem:$0x19760] =	vst v19  }
0x73: {  	[tilespmem:$0x19770] =	vst v19  }
0x74: {  	[tilespmem:$0x19780] =	vst v19  }
0x75: {  	[tilespmem:$0x19790] =	vst v19  }
0x76: {  	[tilespmem:$0x197A0] =	vst v19  }
0x77: {  	[tilespmem:$0x197B0] =	vst v19  }
0x78: {  	[tilespmem:$0x197C0] =	vst v19  }
.Ltmp4:
0x79: {  	[tilespmem:$0x197D0] =	vst v19;
	(pc) =	sbr.rel @p0 .LBB2_53-.Ltmp4, $4  }
0x7a: {  	[tilespmem:$0x197E0] =	vst v19  }
0x7b: {  	[tilespmem:$0x197F0] =	vst v19;
	v23 =	vbroadcast v21, $0x0  }
0x7c: {  	[tilespmem:$0x19800] =	vst v19  }
0x7d: {  	[tilespmem:$0x19900] =	vst v23  }
0x7e: {  	(v2sf) =	vpush v21, $0x0  }
0x7f: {  	(v2sf) =	vpush v20, $0x0;
	_ =	sdelay $0x9  }
0x80: {  	s1 =	sadd.s32 $0xFFFFFFFF, s26  }
0x81: {  	p1 =	sne.s32 s1, $0x0  }
.Ltmp5:
0x82: {  	_ = 	snop;
	(pc) =	sbr.rel @!p1 .LBB2_47-.Ltmp5, $4  }
0x83: {  	_ = 	snop  }
0x84: {  	s28 =	spop (v2sf)  }
0x85: {  	s0 =	spop (v2sf)  }
0x86: {  	p0 =	por $0x0, $0x0;
	s21 =	sshll.u32 s1, $0x6;
	v20 =	vmov s0;
	s0 =	sadd.s32 $0xFFFFFFFF, s1  }
0x87: {  	v21 =	vand.u32 $0xFFFFFF80, v20;
	s2 =	sand.u32 $0xFFFFFF80, s21  }
0x88: {  	v20 =	vand.u32 $0x7F, v20;
	v21 =	vadd.s32 s2, v21  }
0x89: {  	v20 =	vor.u32 v20, v21;
	_ =	sdelay $0x4  }
0x8a: {  	v20 =	vld.idx.msk [tilespmem:v20+s19+$0x0], $0xffff;
	_ =	sdelay $0x4  }
0x8b: {  	(v2sf) =	vpush v20, $0x0;
	_ =	sdelay $0xe  }
0x8c: {  	s1 =	sand.u32 $0x1, s1;
	s31 =	spop (v2sf)  }
0x8d: {  	p0 =	seq.s32 s1, $0x1;
	s1 =	sshra.s32 s31, $0x10;
	s21 =	sand.u32 $0xFFFF, s31  }
0x8e: {  	s21 =	smov.u32 @p0 s1  }
0x8f: {  	p1 =	sne.s32 s0, $0x0;
	s1 =	sadd.s32 $0xFFFFFFF0, s21  }
.Ltmp6:
0x90: {  	p0 =	slt.s32 s21, $0x10;
	s2 =	sand.u32 $0x7F, s1;
	(pc) =	sbr.rel @!p1 .LBB2_49-.Ltmp6, $4  }
0x91: {  	s2 =	simm.s32 @p0 $0x0  }
0x92: {  	s22 =	simm.s32 $0x1;
	s1 =	sshra.s32 s1, $0x7;
	p2 =	sne.s32 s2, $0x0  }
0x93: {  	s1 =	smov.u32 @p0 s21;
	s21 =	sshll.u32 s0, $0x6;
	s22 =	simm.s32 @!p2 $0x0  }
0x94: {  	p0 =	por $0x1, $0x1;
	v20 =	vmov s1;
	s1 =	sadd.s32 $0xFFFFFFFF, s0;
	s28 =	ssub.s32 s28, s22  }
.LBB2_50:
0x95: {  	s22 =	smov.u32 s28  }
0x96: {  	p1 =	sne.s32 s1, $0x0;
	v21 =	vand.u32 $0xFFFFFF80, v20;
	s21 =	sand.u32 $0xFFFFFF80, s21;
	s22 =	simm.s32 @!p2 $0x208  }
0x97: {  	v20 =	vand.u32 $0x7F, v20;
	v21 =	vadd.s32 s21, v21;
	v22 =	vmov s22  }
0x98: {  	v20 =	vor.u32 v20, v21;
	_ =	sdelay $0x2  }
0x99: {  	v21 =	vmov s2  }
0x9a: {  	[tilespmem:v22+s20+$0x0] =	vst.idx.msk $0x1, v21  }
0x9b: {  	v20 =	vld.idx.msk [tilespmem:v20+s19+$0x0], $0xffff;
	_ =	sdelay $0x5  }
0x9c: {  	(v2sf) =	vpush v20, $0x0;
	_ =	sdelay $0xe  }
0x9d: {  	s2 =	sand.u32 $0x1, s0;
	s0 =	smov.u32 s1;
	s21 =	spop (v2sf)  }
0x9e: {  	p2 =	seq.s32 s2, $0x1;
	s2 =	sshra.s32 s21, $0x10;
	s21 =	sand.u32 $0xFFFF, s21  }
0x9f: {  	s21 =	smov.u32 @p2 s2  }
0xa0: {  	s22 =	sadd.s32 $0xFFFFFFF0, s21;
	p2 =	slt.s32 s21, $0x10  }
.Ltmp7:
0xa1: {  	s2 =	sand.u32 $0x7F, s22;
	s22 =	sshra.s32 s22, $0x7;
	(pc) =	sbr.rel @p1 .LBB2_50-.Ltmp7, $4  }
0xa2: {  	s2 =	simm.s32 @p2 $0x0;
	s22 =	smov.u32 @p2 s21  }
0xa3: {  	s26 =	simm.s32 $0x1;
	p2 =	sne.s32 s2, $0x0  }
0xa4: {  	s26 =	simm.s32 @!p2 $0x0  }
0xa5: {  	s1 =	sadd.s32 $0xFFFFFFFF, s1;
	s21 =	sshll.u32 s0, $0x6;
	v20 =	vmov s22;
	s28 =	ssub.s32 s28, s26  }
.Ltmp8:
0xa6: {  	(pc) =	sbr.rel .LBB2_52-.Ltmp8, $2  }
0xa7: {  	_ =	sdelay $0x2  }
0xa8: {  	s1 =	smov.u32 s0  }
.LBB2_40:
0xa9: {  	v22 =	vmul.u32 $0xFFFFFFFF, v0;
	_ =	sdelay $0x1  }
0xaa: {  	v39 =	vadd.s32 $0xF, v22  }
.LBB2_44:
0xab: {  	v21 =	vand.u32 $0xFFF, v21  }
0xac: {  	v22 =	vadd.s32 $0xFFFFFFF0, v21  }
0xad: {  	vm2 =	vgt.u32 v21, $0xF;
	v23 =	vshra.s32 v22, $0x7  }
0xae: {  	v23 =	vsel vm2, v23, v21;
	_ =	sdelay $0x1  }
0xaf: {  	s0 =	sshll.u32 s29, $0x6  }
0xb0: {  	s0 =	sand.u32 $0xFFFFFF80, s0  }
0xb1: {  	v26 =	vld [tilespmem:s0+$0x10000]  }
0xb2: {  	v24 =	vld.idx.msk [tilespmem:v23+s15+$0x0], $0xffff  }
0xb3: {  	v25 =	vld.idx.msk [tilespmem:v23+s16+$0x0], $0xffff  }
0xb4: {  	v27 =	vld.idx.msk [tilespmem:v23+s17+$0x0], $0xffff  }
0xb5: {  	s1 =	sand.u32 $0x1, s29;
	v28 =	vld.idx.msk [tilespmem:v23+s11+$0x0], $0xffff;
	v23 =	vshll.u32 v21, $0x10  }
0xb6: {  	s29 =	sadd.s32 $0x1, s29;
	p1 =	seq.s32 s1, $0x1;
	v23 =	vor.u32 v23, v26  }
0xb7: {  	v63 =	vpsel p1, v23, v21;
	p1 =	sne.s32 s29, s26  }
.Ltmp9:
0xb8: {  	_ = 	snop;
	(pc) =	sbr.rel @!p1 .LBB2_45-.Ltmp9, $3  }
0xb9: {  	_ =	sdelay $0x1  }
0xba: {  	v22 =	vand.u32 $0x7F, v22;
	v21 =	vsel vm2, $0x1, v19;
	v34 =	vsel vm2, $0xF149F2CA, v24  }
0xbb: {  	[tilespmem:s0+$0x10000] =	vst v63;
	v23 =	vsel vm2, v20, v25;
	v21 =	vadd.s32 v21, v27;
	v35 =	vsel vm2, v22, v28  }
.LBB2_3:
0xbc: {  	s30 =	sshll.u32 s29, $0x7;
	v24 =	vand.u32 $0xFFFFFF80, v35  }
0xbd: {  	v25 =	vand.u32 $0x7F, v35;
	v22 =	vmov s30;
	v24 =	vadd.s32 s30, v24  }
0xbe: {  	v24 =	vor.u32 v25, v24;
	_ =	sdelay $0x3  }
0xbf: {  	v25 =	vld.idx.msk [tilespmem:v22+s28+$0x0], $0xffff  }
0xc0: {  	v24 =	vld.idx.msk [tilespmem:v24+s28+$0x0], $0xffff;
	_ =	sdelay $0x4  }
0xc1: {  	v25 =	vadd.f32 v25, v20;
	v26 =	vadd.f32 v24, v23;
	_ =	sdelay $0x1  }
0xc2: {  	v23 =	vsub.f32 v25, v26;
	_ =	sdelay $0x1  }
0xc3: {  	v23 =	vand.u32 $0x7FFFFFFF, v23  }
0xc4: {  	v23 =	vsub.f32 $0.0e+00, v23;
	_ =	sdelay $0x1  }
0xc5: {  	v23 =	vmul.f32 $1.442695020e+00, v23;
	_ =	sdelay $0x1  }
0xc6: {  	(erf) = vpow2.f32 v23;
	_ =	sdelay $0x8  }
0xc7: {  	v23 =	vpop (erf)  }
0xc8: {  	v24 =	vadd.f32 $2.000000000e+00, v23;
	_ =	sdelay $0x1  }
0xc9: {  	(erf) = vrcp.f32 v24;
	_ =	sdelay $0x8  }
0xca: {  	v24 =	vpop (erf)  }
0xcb: {  	v27 =	vmul.f32 v24, v23;
	_ =	sdelay $0x1  }
0xcc: {  	v24 =	vmul.f32 v27, v27;
	_ =	sdelay $0x1  }
0xcd: {  	v23 =	vmul.f32 $7.692307980e-02, v24;
	_ =	sdelay $0x1  }
0xce: {  	v23 =	vadd.f32 $9.090909360e-02, v23;
	_ =	sdelay $0x1  }
0xcf: {  	v23 =	vmul.f32 v23, v24  }
0xd0: {  	(xrf0) =	vmax.scan.msk.f32 $0xffff, v20  }
0xd1: {  	v23 =	vadd.f32 $1.111111120e-01, v23;
	_ =	sdelay $0x1  }
0xd2: {  	v23 =	vmul.f32 v23, v24;
	_ =	sdelay $0x1  }
0xd3: {  	v23 =	vadd.f32 $1.428571490e-01, v23  }
0xd4: {  	v28, _, _ =	vpop (xrf0)  }
0xd5: {  	v29 =	vmul.f32 v23, v24;
	v23 =	vbroadcast v28, $0xF;
	_ =	sdelay $0x1  }
0xd6: {  	v28 =	vadd.f32 $2.000000030e-01, v29;
	vm2 =	veq.f32 v20, v23  }
0xd7: {  	v41 =	vmctz.xlane vm2  }
0xd8: {  	[tilespmem:$0x19200] =	vst v21;
	v28 =	vmul.f32 v28, v24  }
0xd9: {  	[tilespmem:$0x19280] =	vst v35  }
0xda: {  	[tilespmem:$0x19580] =	vst v39;
	v29 =	vadd.f32 $3.333333430e-01, v28;
	v28 =	vor.u32 s30, v0  }
0xdb: {  	[tilespmem:$0x19100] =	vst v25  }
0xdc: {  	[tilespmem:$0x19180] =	vst v26  }
0xdd: {  	v21 =	vmul.f32 v29, v24;
	v24 =	vld.idx.msk [tilespmem:v41+s11+$0x0], $0xffff  }
0xde: {  	v30 =	vld.idx.msk [tilespmem:v41+s12+$0x0], $0xffff  }
0xdf: {  	v27 =	vadd.f32 v27, v27;
	v21 =	vadd.f32 $1.000000000e+00, v21;
	v31 =	vld.idx.msk [tilespmem:v28+s28+$0x0], $0xffff;
	_ =	sdelay $0x1  }
0xe0: {  	v21 =	vmul.f32 v21, v27  }
0xe1: {  	v25 =	vmax.f32 v25, v26;
	v26 =	vshll.u32 v41, $0x7  }
0xe2: {  	v29 =	vadd.f32 v21, v25;
	v21 =	vshll.u32 v39, $0xC;
	v25 =	vshll.u32 v30, $0x13  }
0xe3: {  	vm2 =	vne.s32 v24, v0;
	v25 =	vadd.s32 v25, v26;
	v42 =	vadd.f32 v31, v23  }
0xe4: {  	v27 =	vor.u32 v0, v21;
	vm3 =	vmand vm2, vm1;
	v25 =	vadd.s32 $0x10010, v25  }
0xe5: {  	(xrf1) =	vsort.ascd.msk.f32 $0xffff, v29, v27;
	v26 =	vadd.s32 v1, v25;
	v21 =	vnsel vm3, $0xF149F2CA, v42  }
0xe6: {  	(xrf1) =	vsort.dscd.msk.f32 $0xffff, v21, v26;
	_ =	sdelay $0x4  }
0xe7: {  	v30 =	vor.u32 s30, v4;
	_ =	sdelay $0x4  }
0xe8: {  	v21 =	vld.idx.msk [tilespmem:v30+s28+$0x0], $0xffff;
	_ =	sdelay $0x2  }
0xe9: {  	v26, v31, _ =	vpop (xrf1)  }
0xea: {  	v32, v33, _ =	vpop (xrf1)  }
0xeb: {  	v21 =	vadd.f32 v21, v23;
	vm3 =	vgt.f32 v32, v26  }
0xec: {  	v26 =	vsel vm3, v32, v26;
	v31 =	vsel vm3, v33, v31;
	vm3 =	vne.s32 v24, v4  }
0xed: {  	(xrf1) =	vsort.ascd.msk.f32 $0xffff, v26, v31;
	v21 =	vnsel vm3, $0xF149F2CA, v21;
	v26 =	vadd.s32 v5, v25  }
0xee: {  	(xrf1) =	vsort.dscd.msk.f32 $0xffff, v21, v26;
	_ =	sdelay $0x4  }
0xef: {  	v31 =	vor.u32 s30, v6;
	_ =	sdelay $0x4  }
0xf0: {  	v21 =	vld.idx.msk [tilespmem:v31+s28+$0x0], $0xffff;
	_ =	sdelay $0x2  }
0xf1: {  	v26, v60, _ =	vpop (xrf1)  }
0xf2: {  	v61, v36, _ =	vpop (xrf1)  }
0xf3: {  	v21 =	vadd.f32 v21, v23;
	vm4 =	vgt.f32 v61, v26  }
0xf4: {  	v26 =	vsel vm4, v61, v26;
	v32 =	vsel vm4, v36, v60;
	vm4 =	vne.s32 v24, v6  }
0xf5: {  	(xrf1) =	vsort.ascd.msk.f32 $0xffff, v26, v32;
	v21 =	vnsel vm4, $0xF149F2CA, v21;
	v26 =	vadd.s32 v7, v25  }
0xf6: {  	(xrf1) =	vsort.dscd.msk.f32 $0xffff, v21, v26;
	_ =	sdelay $0x4  }
0xf7: {  	v32 =	vor.u32 s30, v8;
	_ =	sdelay $0x4  }
0xf8: {  	v21 =	vld.idx.msk [tilespmem:v32+s28+$0x0], $0xffff;
	_ =	sdelay $0x2  }
0xf9: {  	v26, v62, _ =	vpop (xrf1)  }
0xfa: {  	v63, v37, _ =	vpop (xrf1)  }
0xfb: {  	v21 =	vadd.f32 v21, v23;
	vm5 =	vgt.f32 v63, v26  }
0xfc: {  	v26 =	vsel vm5, v63, v26;
	v33 =	vsel vm5, v37, v62;
	vm5 =	vne.s32 v24, v8  }
0xfd: {  	(xrf1) =	vsort.ascd.msk.f32 $0xffff, v26, v33;
	v21 =	vnsel vm5, $0xF149F2CA, v21;
	v26 =	vadd.s32 v9, v25  }
0xfe: {  	(xrf1) =	vsort.dscd.msk.f32 $0xffff, v21, v26;
	_ =	sdelay $0x4  }
0xff: {  	v33 =	vor.u32 s30, v10;
	_ =	sdelay $0x4  }
0x100: {  	v21 =	vld.idx.msk [tilespmem:v33+s28+$0x0], $0xffff;
	_ =	sdelay $0x2  }
0x101: {  	v26, v40, _ =	vpop (xrf1)  }
0x102: {  	v43, v38, _ =	vpop (xrf1)  }
0x103: {  	v21 =	vadd.f32 v21, v23;
	vm6 =	vgt.f32 v43, v26  }
0x104: {  	v26 =	vsel vm6, v43, v26;
	v36 =	vsel vm6, v38, v40;
	vm6 =	vne.s32 v24, v10  }
0x105: {  	(xrf1) =	vsort.ascd.msk.f32 $0xffff, v26, v36;
	v21 =	vnsel vm6, $0xF149F2CA, v21;
	v26 =	vadd.s32 v11, v25  }
0x106: {  	(xrf1) =	vsort.dscd.msk.f32 $0xffff, v21, v26;
	_ =	sdelay $0x4  }
0x107: {  	v36 =	vor.u32 s30, v12;
	_ =	sdelay $0x4  }
0x108: {  	v21 =	vld.idx.msk [tilespmem:v36+s28+$0x0], $0xffff;
	_ =	sdelay $0x2  }
0x109: {  	v26, v44, _ =	vpop (xrf1)  }
0x10a: {  	v45, v40, _ =	vpop (xrf1)  }
0x10b: {  	v21 =	vadd.f32 v21, v23;
	vm7 =	vgt.f32 v45, v26  }
0x10c: {  	v26 =	vsel vm7, v45, v26;
	v37 =	vsel vm7, v40, v44;
	vm7 =	vne.s32 v24, v12  }
0x10d: {  	(xrf1) =	vsort.ascd.msk.f32 $0xffff, v26, v37;
	v21 =	vnsel vm7, $0xF149F2CA, v21;
	v26 =	vadd.s32 v13, v25  }
0x10e: {  	(xrf1) =	vsort.dscd.msk.f32 $0xffff, v21, v26;
	_ =	sdelay $0x4  }
0x10f: {  	v37 =	vor.u32 s30, v14;
	_ =	sdelay $0x4  }
0x110: {  	v21 =	vld.idx.msk [tilespmem:v37+s28+$0x0], $0xffff;
	_ =	sdelay $0x2  }
0x111: {  	v26, v46, _ =	vpop (xrf1)  }
0x112: {  	v47, v43, _ =	vpop (xrf1)  }
0x113: {  	v21 =	vadd.f32 v21, v23;
	vm8 =	vgt.f32 v47, v26  }
0x114: {  	v26 =	vsel vm8, v47, v26;
	v38 =	vsel vm8, v43, v46;
	vm8 =	vne.s32 v24, v14  }
0x115: {  	(xrf1) =	vsort.ascd.msk.f32 $0xffff, v26, v38;
	v21 =	vnsel vm8, $0xF149F2CA, v21;
	v26 =	vadd.s32 v15, v25  }
0x116: {  	(xrf1) =	vsort.dscd.msk.f32 $0xffff, v21, v26;
	_ =	sdelay $0x4  }
0x117: {  	v38 =	vor.u32 s30, v16;
	_ =	sdelay $0x4  }
0x118: {  	v21 =	vld.idx.msk [tilespmem:v38+s28+$0x0], $0xffff;
	_ =	sdelay $0x2  }
0x119: {  	v26, v48, _ =	vpop (xrf1)  }
0x11a: {  	v49, v44, _ =	vpop (xrf1)  }
0x11b: {  	v21 =	vadd.f32 v21, v23;
	vm9 =	vgt.f32 v49, v26  }
0x11c: {  	v26 =	vsel vm9, v49, v26;
	v40 =	vsel vm9, v44, v48;
	vm9 =	vne.s32 v24, v16  }
0x11d: {  	(xrf1) =	vsort.ascd.msk.f32 $0xffff, v26, v40;
	v21 =	vnsel vm9, $0xF149F2CA, v21;
	v26 =	vadd.s32 v17, v25  }
0x11e: {  	(xrf1) =	vsort.dscd.msk.f32 $0xffff, v21, v26;
	_ =	sdelay $0xc  }
0x11f: {  	v21, v26, _ =	vpop (xrf1)  }
0x120: {  	v51, v50, _ =	vpop (xrf1)  }
0x121: {  	vm10 =	vgt.f32 v51, v21  }
0x122: {  	v21 =	vsel vm10, v51, v21;
	v26 =	vsel vm10, v50, v26  }
0x123: {  	(xrf1) =	vsort.ascd.msk.f32 $0xffff, v21, v26;
	_ =	sdelay $0xd  }
0x124: {  	v40, v21, _ =	vpop (xrf1)  }
0x125: {  	v26 =	vbroadcast v40, $0x0;
	_ =	sdelay $0x1  }
0x126: {  	vm10 =	vge.f32 v42, v26  }
0x127: {  	vm10 =	vmand vm10, vm1  }
0x128: {  	[tilespmem:s13+$0x0] =	vst.msk vm10, v0  }
0x129: {  	v52 =	vmpcnt.ones.xlane vm10;
	v53 =	vld.idx.msk [tilespmem:v30+s28+$0x0], $0xffff;
	_ =	sdelay $0x1  }
0x12a: {  	(v2sf) =	vpush v52, $0x0;
	_ =	sdelay $0x2  }
0x12b: {  	v54 =	vadd.f32 v53, v23;
	_ =	sdelay $0x1  }
0x12c: {  	vm10 =	vge.f32 v54, v26  }
0x12d: {  	v42 =	vmpcnt.ones.xlane vm10;
	_ =	sdelay $0x1  }
0x12e: {  	(v2sf) =	vpush v42, $0x0;
	_ =	sdelay $0x6  }
0x12f: {  	s0 =	spop (v2sf)  }
0x130: {  	[tilespmem:s0+$0x19480] =	vst.msk vm10, v4  }
0x131: {  	v55 =	vld.idx.msk [tilespmem:v31+s28+$0x0], $0xffff;
	_ =	sdelay $0x4  }
0x132: {  	v42 =	vadd.f32 v55, v23  }
0x133: {  	s1 =	spop (v2sf)  }
0x134: {  	vm10 =	vge.f32 v42, v26;
	s0 =	sadd.s32 s0, s1  }
0x135: {  	v42 =	vmpcnt.ones.xlane vm10;
	[tilespmem:s0+$0x19480] =	vst.msk vm10, v6  }
0x136: {  	v56 =	vld.idx.msk [tilespmem:v32+s28+$0x0], $0xffff  }
0x137: {  	(v2sf) =	vpush v42, $0x0;
	_ =	sdelay $0x3  }
0x138: {  	v57 =	vadd.f32 v56, v23;
	_ =	sdelay $0x1  }
0x139: {  	vm10 =	vge.f32 v57, v26  }
0x13a: {  	v42 =	vmpcnt.ones.xlane vm10;
	_ =	sdelay $0x1  }
0x13b: {  	(v2sf) =	vpush v42, $0x0;
	_ =	sdelay $0x5  }
0x13c: {  	s22 =	spop (v2sf)  }
0x13d: {  	s0 =	sadd.s32 s0, s22  }
0x13e: {  	[tilespmem:s0+$0x19480] =	vst.msk vm10, v8  }
0x13f: {  	v58 =	vld.idx.msk [tilespmem:v33+s28+$0x0], $0xffff;
	_ =	sdelay $0x4  }
0x140: {  	v42 =	vadd.f32 v58, v23  }
0x141: {  	s31 =	spop (v2sf)  }
0x142: {  	vm10 =	vge.f32 v42, v26;
	s0 =	sadd.s32 s0, s31  }
0x143: {  	v42 =	vmpcnt.ones.xlane vm10;
	[tilespmem:s0+$0x19480] =	vst.msk vm10, v10  }
0x144: {  	v59 =	vld.idx.msk [tilespmem:v36+s28+$0x0], $0xffff  }
0x145: {  	(v2sf) =	vpush v42, $0x0;
	_ =	sdelay $0x3  }
0x146: {  	v60 =	vadd.f32 v59, v23;
	_ =	sdelay $0x1  }
0x147: {  	vm10 =	vge.f32 v60, v26  }
0x148: {  	v42 =	vmpcnt.ones.xlane vm10;
	_ =	sdelay $0x1  }
0x149: {  	(v2sf) =	vpush v42, $0x0;
	_ =	sdelay $0x5  }
0x14a: {  	s2 =	spop (v2sf)  }
0x14b: {  	s0 =	sadd.s32 s0, s2  }
0x14c: {  	[tilespmem:s0+$0x19480] =	vst.msk vm10, v12  }
0x14d: {  	v61 =	vld.idx.msk [tilespmem:v37+s28+$0x0], $0xffff;
	_ =	sdelay $0x4  }
0x14e: {  	v42 =	vadd.f32 v61, v23  }
0x14f: {  	s21 =	spop (v2sf)  }
0x150: {  	vm10 =	vge.f32 v42, v26;
	s0 =	sadd.s32 s0, s21  }
0x151: {  	[tilespmem:s0+$0x19480] =	vst.msk vm10, v14  }
0x152: {  	v62 =	vld.idx.msk [tilespmem:v38+s28+$0x0], $0xffff;
	_ =	sdelay $0x4  }
0x153: {  	v42 =	vadd.f32 v62, v23;
	_ =	sdelay $0x1  }
0x154: {  	v63 =	vmpcnt.ones.xlane vm10;
	vm10 =	vge.f32 v42, v26  }
0x155: {  	v42 =	vmpcnt.ones.xlane vm10  }
0x156: {  	(v2sf) =	vpush v63, $0x0  }
0x157: {  	(v2sf) =	vpush v42, $0x0;
	_ =	sdelay $0xd  }
0x158: {  	s22 =	spop (v2sf)  }
0x159: {  	s0 =	sadd.s32 s0, s22;
	s31 =	spop (v2sf)  }
0x15a: {  	s30 =	sadd.s32 s0, s31  }
0x15b: {  	p1 =	sgt.s32 s30, $0x0  }
.Ltmp10:
0x15c: {  	_ = 	snop;
	(pc) =	sbr.rel @!p1 .LBB2_4-.Ltmp10, $2  }
0x15d: {  	_ =	sdelay $0x2  }
0x15e: {  	[tilespmem:s0+$0x19480] =	vst.msk vm10, v16  }
0x15f: {  	v42 =	vmov s28;
	_ =	sdelay $0x4  }
0x160: {  	v44 =	vld.idx.msk [tilespmem:v42+s13+$0x0], $0xffff;
	_ =	sdelay $0x4  }
0x161: {  	v42 =	vand.u32 $0xFFFFFF80, v44  }
0x162: {  	v43 =	vand.u32 $0x7F, v44;
	v42 =	vadd.s32 v22, v42  }
0x163: {  	v42 =	vor.u32 v43, v42;
	_ =	sdelay $0x4  }
0x164: {  	p3 =	sgt.s32 s30, $0x1;
	v43 =	vld.idx.msk [tilespmem:v42+s3+$0x0], $0xffff  }
.Ltmp11:
0x165: {  	_ = 	snop;
	(pc) =	sbr.rel @!p3 .LBB2_6-.Ltmp11, $4  }
0x166: {  	_ = 	snop  }
0x167: {  	v39 =	vshll.u32 v39, $0x13;
	vm10 =	veq.s32 v35, v44  }
0x168: {  	s31 =	simm.s32 $0x18000;
	v39 =	vor.u32 v3, v39;
	vm11 =	veq.s32 v44, v24;
	v45 =	vsel vm10, v34, v20  }
0x169: {  	s0 =	simm.s32 $0x18880;
	s1 =	simm.s32 $0x1;
	p2 =	por $0x0, $0x0;
	vm10 =	vne.s32 v41, v0;
	v42 =	vmul.u32 $0x1001, v44;
	v43 =	vadd.f32 v45, v43  }
0x16a: {  	_ = 	snop  }
0x16b: {  	v41 =	vmov s1;
	vm11 =	vmor vm10, vm11;
	vm12 =	vge.f32 v43, v26  }
0x16c: {  	vm11 =	vmand vm11, vm12  }
0x16d: {  	v61 =	vnsel vm11, $0xF149F2CA, v43  }
0x16e: {  	v42 =	vadd.s32 v42, v39;
	[tilespmem:s31+$0x0] =	vst v61  }
0x16f: {  	[tilespmem:s0+$0x0] =	vst v42  }
0x170: {  	v41 =	vld.idx.msk [tilespmem:v41+s13+$0x0], $0xffff;
	_ =	sdelay $0x4  }
0x171: {  	v62 =	vand.u32 $0xFFFFFF80, v41  }
0x172: {  	v63 =	vand.u32 $0x7F, v41;
	v42 =	vadd.s32 v22, v62  }
0x173: {  	v42 =	vor.u32 v63, v42;
	_ =	sdelay $0x4  }
0x174: {  	v43 =	vld.idx.msk [tilespmem:v42+s3+$0x0], $0xffff  }
0x175: {  	p3 =	sgt.s32 s30, $0x2  }
.Ltmp12:
0x176: {  	_ = 	snop;
	(pc) =	sbr.rel @!p3 .LBB2_8-.Ltmp12, $4  }
0x177: {  	vm11 =	veq.s32 v35, v41  }
0x178: {  	v44 =	vsel vm11, v34, v20  }
0x179: {  	s21 =	simm.s32 $0x2;
	v43 =	vadd.f32 v44, v43  }
0x17a: {  	p2 =	por $0x1, $0x1;
	s1 =	simm.s32 $0x18000;
	s2 =	simm.s32 $0x18880;
	vm11 =	veq.s32 v41, v24;
	v42 =	vmul.u32 $0x1001, v41  }
.LBB2_9:
0x17b: {  	v41 =	vmov s21;
	vm12 =	vge.f32 v43, v26;
	vm11 =	vmor vm10, vm11  }
0x17c: {  	s21 =	sadd.s32 $0x1, s21;
	vm11 =	vmand vm11, vm12  }
0x17d: {  	s1 =	sadd.s32 $0x10, s1;
	p3 =	slt.s32 s21, s30;
	v43 =	vnsel vm11, $0xF149F2CA, v43  }
0x17e: {  	v42 =	vadd.s32 v42, v39;
	s2 =	sadd.s32 $0x10, s2;
	[tilespmem:s1+$0x0] =	vst v43  }
0x17f: {  	[tilespmem:s2+$0x0] =	vst v42  }
0x180: {  	v41 =	vld.idx.msk [tilespmem:v41+s13+$0x0], $0xffff;
	_ =	sdelay $0x5  }
0x181: {  	v43 =	vand.u32 $0xFFFFFF80, v41;
	v42 =	vmul.u32 $0x1001, v41  }
0x182: {  	v44 =	vand.u32 $0x7F, v41;
	v43 =	vadd.s32 v22, v43  }
0x183: {  	v43 =	vor.u32 v44, v43;
	_ =	sdelay $0x4  }
0x184: {  	v43 =	vld.idx.msk [tilespmem:v43+s3+$0x0], $0xffff;
	_ =	sdelay $0x2  }
.Ltmp13:
0x185: {  	(pc) =	sbr.rel @p3 .LBB2_9-.Ltmp13, $4  }
0x186: {  	vm11 =	veq.s32 v35, v41  }
0x187: {  	v44 =	vsel vm11, v34, v20  }
0x188: {  	v43 =	vadd.f32 v44, v43  }
0x189: {  	vm11 =	veq.s32 v41, v24  }
.LBB2_10:
0x18a: {  	vm12 =	vge.f32 v43, v26;
	vm10 =	vmor vm10, vm11  }
0x18b: {  	s1 =	sadd.s32 @p2 $0x10, s1;
	vm10 =	vmand vm10, vm12  }
0x18c: {  	s31 =	smov.u32 @p2 s1;
	s1 =	sadd.s32 @p2 $0x10, s2;
	v20 =	vnsel vm10, $0xF149F2CA, v43  }
0x18d: {  	s0 =	smov.u32 @p2 s1;
	[tilespmem:s31+$0x0] =	vst v20;
	v20 =	vadd.s32 v42, v39  }
0x18e: {  	s22 =	simm.s32 $0x18000;
	[tilespmem:s0+$0x0] =	vst v20  }
0x18f: {  	s31 =	simm.s32 $0x18880;
	v20 =	vld [tilespmem:s22+$0x0]  }
0x190: {  	p3 =	sgt.s32 s30, $0x1;
	v26 =	vld [tilespmem:s31+$0x0]  }
.Ltmp14:
0x191: {  	_ = 	snop;
	(pc) =	sbr.rel @!p3 .LBB2_11-.Ltmp14, $2  }
0x192: {  	_ =	sdelay $0x2  }
0x193: {  	p2 =	por $0x0, $0x0;
	s0 =	simm.s32 $0x18010;
	(xrf1) =	vsort.dscd.msk.f32 $0xffff, v20, v26  }
0x194: {  	_ =	sdelay $0x8  }
0x195: {  	v20 =	vld [tilespmem:s0+$0x0];
	s0 =	simm.s32 $0x18890  }
0x196: {  	v26 =	vld [tilespmem:s0+$0x0];
	_ =	sdelay $0x2  }
0x197: {  	v34, v35, _ =	vpop (xrf1)  }
0x198: {  	vm10 =	vgt.f32 v34, v40  }
0x199: {  	(xrf1) =	vsort.dscd.msk.f32 $0xffff, v20, v26;
	v20 =	vsel vm10, v34, v40;
	v26 =	vsel vm10, v35, v21  }
0x19a: {  	(xrf1) =	vsort.ascd.msk.f32 $0xffff, v20, v26;
	_ =	sdelay $0x3  }
0x19b: {  	p3 =	sgt.s32 s30, $0x2  }
.Ltmp15:
0x19c: {  	_ = 	snop;
	(pc) =	sbr.rel @!p3 .LBB2_14-.Ltmp15, $2  }
0x19d: {  	_ =	sdelay $0x2  }
0x19e: {  	s1 =	simm.s32 $0x2;
	s2 =	simm.s32 $0x18020;
	p2 =	por $0x1, $0x1  }
.LBB2_13:
0x19f: {  	v20 =	vld [tilespmem:s2+$0x0];
	s0 =	sadd.s32 $0x10, s0  }
0x1a0: {  	v26 =	vld [tilespmem:s0+$0x0]  }
0x1a1: {  	s1 =	sadd.s32 $0x1, s1  }
0x1a2: {  	p3 =	slt.s32 s1, s30;
	v34, v35, _ =	vpop (xrf1)  }
0x1a3: {  	v39, v41, _ =	vpop (xrf1)  }
0x1a4: {  	vm10 =	vgt.f32 v34, v39  }
0x1a5: {  	(xrf1) =	vsort.dscd.msk.f32 $0xffff, v20, v26;
	v20 =	vsel vm10, v34, v39;
	v26 =	vsel vm10, v35, v41  }
0x1a6: {  	(xrf1) =	vsort.ascd.msk.f32 $0xffff, v20, v26;
	_ =	sdelay $0x4  }
.Ltmp16:
0x1a7: {  	(pc) =	sbr.rel @p3 .LBB2_13-.Ltmp16, $2  }
0x1a8: {  	_ =	sdelay $0x2  }
0x1a9: {  	s2 =	sadd.s32 $0x10, s2  }
.LBB2_14:
0x1aa: {  	_ =	sdelay $0x2  }
0x1ab: {  	v20, v26, _ =	vpop (xrf1)  }
0x1ac: {  	v34, v35, _ =	vpop @p2 (xrf1)  }
0x1ad: {  	v34 =	vpsel p2, v34, v40  }
0x1ae: {  	v21 =	vpsel p2, v35, v21;
	vm10 =	vgt.f32 v20, v34  }
0x1af: {  	v20 =	vsel vm10, v20, v34;
	v21 =	vsel vm10, v26, v21  }
0x1b0: {  	(xrf1) =	vsort.ascd.msk.f32 $0xffff, v20, v21;
	_ =	sdelay $0xa  }
.Ltmp17:
0x1b1: {  	_ = 	snop;
	(pc) =	sbr.rel .LBB2_15-.Ltmp17, $3  }
0x1b2: {  	_ =	sdelay $0x1  }
0x1b3: {  	v20, v21, _ =	vpop (xrf1)  }
0x1b4: {  	v26 =	vbroadcast v20, $0x0  }
.LBB2_4:
0x1b5: {  	v20 =	vmov v40  }
.LBB2_15:
0x1b6: {  	_ =	sdelay $0x2  }
0x1b7: {  	s1 =	simm.s32 $0x0  }
0x1b8: {  	v34 =	vld.idx.msk [tilespmem:v28+s1+$0x0], $0xffff;
	_ =	sdelay $0x1  }
0x1b9: {  	v30 =	vld.idx.msk [tilespmem:v30+s1+$0x0], $0xffff  }
0x1ba: {  	v31 =	vld.idx.msk [tilespmem:v31+s1+$0x0], $0xffff  }
0x1bb: {  	vm10 =	veq.f32 v20, v26;
	v32 =	vld.idx.msk [tilespmem:v32+s1+$0x0], $0xffff  }
0x1bc: {  	v28 =	vmpcnt.ones.xlane vm10;
	vm10 =	veq.f32 v29, v26;
	v29 =	vadd.f32 v34, v23  }
0x1bd: {  	v58 =	vmpcnt.ones.xlane vm10  }
0x1be: {  	v59 =	vld.idx.msk [tilespmem:v36+s1+$0x0], $0xffff;
	(v2sf) =	vpush v28, $0x0;
	vm11 =	veq.f32 v29, v26;
	v29 =	vadd.f32 v30, v23  }
0x1bf: {  	(v2sf) =	vpush v58, $0x0;
	v30 =	vadd.f32 v31, v23;
	v31 =	vld.idx.msk [tilespmem:v33+s1+$0x0], $0xffff;
	vm2 =	vmand vm11, vm2  }
0x1c0: {  	vm2 =	vmand vm2, vm1;
	vm11 =	veq.f32 v29, v26;
	v29 =	vadd.f32 v32, v23  }
0x1c1: {  	v60 =	vmpcnt.ones.xlane vm2;
	vm2 =	vmand vm3, vm11;
	vm3 =	veq.f32 v30, v26;
	v30 =	vld.idx.msk [tilespmem:v37+s1+$0x0], $0xffff  }
0x1c2: {  	v61 =	vmpcnt.ones.xlane vm2;
	vm2 =	vmand vm4, vm3;
	vm3 =	veq.f32 v29, v26;
	v29 =	vld.idx.msk [tilespmem:v38+s1+$0x0], $0xffff  }
0x1c3: {  	v32 =	vadd.f32 v59, v23;
	(v2sf) =	vpush v60, $0x0  }
0x1c4: {  	v62 =	vmpcnt.ones.xlane vm2;
	vm2 =	vmand vm5, vm3;
	v31 =	vadd.f32 v31, v23  }
0x1c5: {  	vm3 =	veq.f32 v32, v26;
	(v2sf) =	vpush v61, $0x0;
	v63 =	vmpcnt.ones.xlane vm2  }
0x1c6: {  	(v2sf) =	vpush v62, $0x0;
	vm2 =	veq.f32 v31, v26;
	v30 =	vadd.f32 v30, v23  }
0x1c7: {  	(v2sf) =	vpush v63, $0x0;
	vm2 =	vmand vm6, vm2;
	v29 =	vadd.f32 v29, v23  }
0x1c8: {  	v31 =	vmpcnt.ones.xlane vm2;
	vm2 =	vmand vm7, vm3;
	vm3 =	veq.f32 v30, v26  }
0x1c9: {  	v30 =	vmpcnt.ones.xlane vm2;
	vm2 =	vmand vm8, vm3;
	vm3 =	veq.f32 v29, v26  }
0x1ca: {  	(v2sf) =	vpush v31, $0x0;
	v29 =	vmpcnt.ones.xlane vm2;
	vm2 =	vmand vm9, vm3  }
0x1cb: {  	(v2sf) =	vpush v30, $0x0;
	v30 =	vmpcnt.ones.xlane vm2  }
0x1cc: {  	(v2sf) =	vpush v29, $0x0  }
0x1cd: {  	(v2sf) =	vpush v30, $0x0;
	_ =	sdelay $0x5  }
0x1ce: {  	s31 =	spop (v2sf)  }
0x1cf: {  	s0 =	spop (v2sf)  }
0x1d0: {  	s2 =	spop (v2sf)  }
0x1d1: {  	s0 =	sadd.s32 s0, s2;
	s22 =	spop (v2sf)  }
0x1d2: {  	s0 =	sadd.s32 s22, s0;
	s21 =	spop (v2sf)  }
0x1d3: {  	p2 =	slt.s32 s30, $0x1;
	s0 =	sadd.s32 s21, s0;
	s22 =	spop (v2sf)  }
.Ltmp18:
0x1d4: {  	s0 =	sadd.s32 s22, s0;
	s21 =	spop (v2sf);
	(pc) =	sbr.rel @p2 .LBB2_29-.Ltmp18, $4  }
0x1d5: {  	s0 =	sadd.s32 s21, s0;
	s22 =	spop (v2sf)  }
0x1d6: {  	s0 =	sadd.s32 s22, s0;
	s21 =	spop (v2sf)  }
0x1d7: {  	s0 =	sadd.s32 s21, s0;
	s22 =	spop (v2sf)  }
0x1d8: {  	s2 =	simm.s32 $0x18000;
	s0 =	sadd.s32 s22, s0  }
0x1d9: {  	s1 =	sadd.s32 $0x1, s1  }
0x1da: {  	p6 =	slt.s32 s1, s30  }
.Ltmp19:
0x1db: {  	_ = 	snop;
	(pc) =	sbr.rel @!p6 .LBB2_17-.Ltmp19, $3  }
0x1dc: {  	_ =	sdelay $0x1  }
0x1dd: {  	p2 =	por $0x0, $0x0  }
0x1de: {  	p3 =	por $0x0, $0x0;
	p4 =	por $0x0, $0x0;
	p5 =	por $0x0, $0x0  }
0x1df: {  	s1 =	sadd.s32 $0x1, s1  }
0x1e0: {  	v29 =	vld [tilespmem:s2+$0x0];
	p6 =	slt.s32 s1, s30  }
.Ltmp20:
0x1e1: {  	_ = 	snop;
	(pc) =	sbr.rel @!p6 .LBB2_19-.Ltmp20, $2  }
0x1e2: {  	_ =	sdelay $0x2  }
0x1e3: {  	s2 =	sadd.s32 $0x10, s2;
	p2 =	por $0x1, $0x1;
	vm2 =	veq.f32 v29, v26  }
0x1e4: {  	s1 =	sadd.s32 $0x1, s1  }
0x1e5: {  	v29 =	vld [tilespmem:s2+$0x0];
	p6 =	slt.s32 s1, s30  }
.Ltmp21:
0x1e6: {  	_ = 	snop;
	(pc) =	sbr.rel @!p6 .LBB2_21-.Ltmp21, $3  }
0x1e7: {  	_ = 	snop  }
0x1e8: {  	v30 =	vmpcnt.ones.xlane vm2;
	_ =	sdelay $0x1  }
0x1e9: {  	s2 =	sadd.s32 $0x10, s2;
	p3 =	por $0x1, $0x1;
	(v2sf) =	vpush v30, $0x0;
	vm2 =	veq.f32 v29, v26  }
0x1ea: {  	v30 =	vmpcnt.ones.xlane vm2;
	_ =	sdelay $0x1  }
0x1eb: {  	(v2sf) =	vpush v30, $0x0;
	_ =	sdelay $0x1  }
0x1ec: {  	s1 =	sadd.s32 $0x1, s1  }
0x1ed: {  	v29 =	vld [tilespmem:s2+$0x0];
	p6 =	slt.s32 s1, s30  }
.Ltmp22:
0x1ee: {  	_ = 	snop;
	(pc) =	sbr.rel @!p6 .LBB2_23-.Ltmp22, $2  }
0x1ef: {  	_ =	sdelay $0x2  }
0x1f0: {  	s2 =	sadd.s32 $0x10, s2;
	p4 =	por $0x1, $0x1;
	vm2 =	veq.f32 v29, v26  }
0x1f1: {  	v30 =	vmpcnt.ones.xlane vm2;
	_ =	sdelay $0x1  }
0x1f2: {  	(v2sf) =	vpush v30, $0x0;
	_ =	sdelay $0x1  }
0x1f3: {  	s22 =	sadd.s32 $0x1, s1  }
0x1f4: {  	v29 =	vld [tilespmem:s2+$0x0];
	p6 =	slt.s32 s22, s30  }
.Ltmp23:
0x1f5: {  	_ = 	snop;
	(pc) =	sbr.rel @!p6 .LBB2_25-.Ltmp23, $3  }
0x1f6: {  	_ =	sdelay $0x1  }
0x1f7: {  	s2 =	sadd.s32 $0x10, s2  }
0x1f8: {  	p5 =	por $0x1, $0x1;
	s1 =	smov.u32 s0;
	s21 =	spop (v2sf);
	vm2 =	veq.f32 v29, v26  }
.LBB2_26:
0x1f9: {  	s22 =	sadd.s32 $0x1, s22  }
0x1fa: {  	v29 =	vld [tilespmem:s2+$0x0];
	v30 =	vmpcnt.ones.xlane vm2;
	s1 =	sadd.s32 s1, s21;
	p6 =	slt.s32 s22, s30  }
.Ltmp24:
0x1fb: {  	(pc) =	sbr.rel @p6 .LBB2_26-.Ltmp24, $2  }
0x1fc: {  	(v2sf) =	vpush v30, $0x0;
	_ =	sdelay $0x2  }
0x1fd: {  	s2 =	sadd.s32 $0x10, s2;
	vm2 =	veq.f32 v29, v26;
	s21 =	spop (v2sf)  }
0x1fe: {  	_ = 	snop  }
.LBB2_28:
0x1ff: {  	v29 =	vld [tilespmem:s2+$0x0];
	_ =	sdelay $0x2  }
0x200: {  	v30 =	vmpcnt.ones.xlane @p2 vm2;
	_ =	sdelay $0x1  }
0x201: {  	(v2sf) =	vpush @p2 v30, $0x0;
	vm2 =	veq.f32 v29, v26  }
0x202: {  	v29 =	vmpcnt.ones.xlane vm2;
	_ =	sdelay $0x1  }
0x203: {  	(v2sf) =	vpush v29, $0x0;
	_ =	sdelay $0x7  }
0x204: {  	s2 =	spop @p4 (v2sf);
	s1 =	sadd.s32 @p5 s1, s21;
	s21 =	smov.u32 s0  }
0x205: {  	s2 =	smov.u32 @p4 s2;
	s21 =	smov.u32 @p5 s1  }
0x206: {  	s1 =	sadd.s32 @p4 s21, s2;
	s21 =	smov.u32 s0;
	s2 =	spop @p3 (v2sf)  }
0x207: {  	s21 =	smov.u32 @p4 s1;
	s2 =	smov.u32 @p3 s2  }
0x208: {  	s1 =	sadd.s32 @p3 s21, s2;
	s21 =	smov.u32 s0;
	s2 =	spop @p2 (v2sf)  }
0x209: {  	s21 =	smov.u32 @p3 s1;
	s2 =	smov.u32 @p2 s2  }
0x20a: {  	s1 =	sadd.s32 @p2 s21, s2  }
0x20b: {  	s0 =	smov.u32 @p2 s1;
	s22 =	spop (v2sf)  }
0x20c: {  	s0 =	sadd.s32 s0, s22  }
.LBB2_29:
0x20d: {  	p2 =	seq.s32 s0, s31  }
.Ltmp25:
0x20e: {  	_ = 	snop;
	(pc) =	sbr.rel @p2 .LBB2_39-.Ltmp25, $1  }
0x20f: {  	_ =	sdelay $0x3  }
0x210: {  	v27 =	vnsel vm10, $0x40000000, v27  }
0x211: {  	v29 =	vxor.u32 $0x80000000, v27  }
0x212: {  	(xrf1) =	vsort.dscd.msk.u32 $0xffff, v29, v27;
	_ =	sdelay $0xd  }
0x213: {  	v27, _, _ =	vpop (xrf1)  }
0x214: {  	v27 =	vxor.u32 $0x80000000, v27  }
0x215: {  	vm2 =	vlt.s32 v27, $0x40000000  }
0x216: {  	v29 =	vnsel vm2, $0x40000000, v27  }
0x217: {  	s0 =	simm.s32 $0x0;
	v29 =	vxor.u32 $0x80000000, v29  }
0x218: {  	(xrf1) =	vsort.ascd.msk.u32 $0xffff, v29, v27;
	v29 =	vor.u32 s0, v0  }
0x219: {  	v30 =	vor.u32 v22, v29;
	_ =	sdelay $0x4  }
0x21a: {  	v30 =	vld.idx.msk [tilespmem:v30+s3+$0x0], $0xffff;
	_ =	sdelay $0x4  }
0x21b: {  	v31 =	vmov s0;
	v30 =	vadd.f32 v30, v23  }
0x21c: {  	vm2 =	vne.s32 v31, v0;
	v32 =	vmul.u32 $0x1001, v29;
	vm3 =	vne.s32 v29, v24  }
0x21d: {  	vm2 =	vmand vm2, vm3;
	vm4 =	veq.f32 v30, v26  }
0x21e: {  	v29 =	vadd.s32 v25, v32;
	vm2 =	vmand vm2, vm4  }
0x21f: {  	v29 =	vnsel vm2, $0x40000000, v29  }
0x220: {  	v30 =	vxor.u32 $0x80000000, v29  }
0x221: {  	s31 =	simm.s32 $0x10;
	v27, _, _ =	vpop (xrf1);
	(xrf1) =	vsort.dscd.msk.u32 $0xffff, v30, v29  }
0x222: {  	v29 =	vor.u32 s31, v0  }
0x223: {  	v30 =	vor.u32 v22, v29;
	_ =	sdelay $0x4  }
0x224: {  	v30 =	vld.idx.msk [tilespmem:v30+s3+$0x0], $0xffff;
	_ =	sdelay $0x4  }
0x225: {  	v31 =	vmov s31;
	v30 =	vadd.f32 v30, v23  }
0x226: {  	vm2 =	vne.s32 v31, v0;
	v63 =	vmul.u32 $0x1001, v29;
	vm3 =	vne.s32 v29, v24  }
0x227: {  	v27 =	vxor.u32 $0x80000000, v27;
	vm2 =	vmand vm2, vm3;
	vm15 =	veq.f32 v30, v26;
	v29, _, _ =	vpop (xrf1)  }
0x228: {  	v30 =	vadd.s32 v25, v63;
	vm2 =	vmand vm2, vm15;
	v29 =	vxor.u32 $0x80000000, v29  }
0x229: {  	v30 =	vnsel vm2, $0x40000000, v30;
	vm2 =	vlt.s32 v27, v29  }
0x22a: {  	v31 =	vxor.u32 $0x80000000, v30;
	v29 =	vsel vm2, v27, v29  }
0x22b: {  	s0 =	simm.s32 $0x20;
	(xrf1) =	vsort.dscd.msk.u32 $0xffff, v31, v30;
	v30 =	vxor.u32 $0x80000000, v29  }
0x22c: {  	v27 =	vor.u32 s0, v0;
	(xrf1) =	vsort.ascd.msk.u32 $0xffff, v30, v29  }
0x22d: {  	s1 =	simm.s32 $0x30;
	v29 =	vor.u32 v22, v27  }
.LBB2_31:
0x22e: {  	p2 =	seq.s32 s1, $0x70;
	_ =	sdelay $0x3  }
0x22f: {  	v29 =	vld.idx.msk [tilespmem:v29+s3+$0x0], $0xffff;
	_ =	sdelay $0x5  }
0x230: {  	v32 =	vmov s0;
	v31 =	vmul.u32 $0x1001, v27;
	s0 =	smov.u32 s1;
	v29 =	vadd.f32 v29, v23  }
0x231: {  	vm3 =	vne.s32 v27, v24;
	vm2 =	vne.s32 v32, v0;
	v27, _, _ =	vpop (xrf1)  }
0x232: {  	vm2 =	vmand vm2, vm3;
	vm4 =	veq.f32 v29, v26;
	v29 =	vadd.s32 v25, v31;
	v30, _, _ =	vpop (xrf1)  }
0x233: {  	vm2 =	vmand vm2, vm4;
	v27 =	vxor.u32 $0x80000000, v27;
	v30 =	vxor.u32 $0x80000000, v30  }
.Ltmp26:
0x234: {  	v29 =	vnsel vm2, $0x40000000, v29;
	vm2 =	vlt.s32 v30, v27;
	(pc) =	sbr.rel @!p2 .LBB2_31-.Ltmp26, $4  }
0x235: {  	v31 =	vxor.u32 $0x80000000, v29;
	v30 =	vsel vm2, v30, v27  }
0x236: {  	(xrf1) =	vsort.dscd.msk.u32 $0xffff, v31, v29;
	v29 =	vxor.u32 $0x80000000, v30  }
0x237: {  	v27 =	vor.u32 s1, v0;
	(xrf1) =	vsort.ascd.msk.u32 $0xffff, v29, v30  }
0x238: {  	s1 =	sadd.s32 $0x10, s1;
	v29 =	vor.u32 v22, v27  }
0x239: {  	_ =	sdelay $0x3  }
0x23a: {  	v22 =	vld.idx.msk [tilespmem:v29+s3+$0x0], $0xffff;
	_ =	sdelay $0x4  }
0x23b: {  	v22 =	vadd.f32 v22, v23;
	v23 =	vmul.u32 $0x1001, v27;
	_ =	sdelay $0x1  }
0x23c: {  	v29 =	vmov s0  }
0x23d: {  	vm3 =	vne.s32 v27, v24;
	vm2 =	vne.s32 v29, v0;
	v24, _, _ =	vpop (xrf1)  }
0x23e: {  	vm2 =	vmand vm2, vm3;
	vm4 =	veq.f32 v22, v26;
	v22 =	vadd.s32 v25, v23;
	v23, _, _ =	vpop (xrf1)  }
0x23f: {  	vm2 =	vmand vm2, vm4;
	v24 =	vxor.u32 $0x80000000, v24;
	v23 =	vxor.u32 $0x80000000, v23  }
0x240: {  	v22 =	vnsel vm2, $0x40000000, v22;
	vm2 =	vlt.s32 v23, v24  }
0x241: {  	v25 =	vxor.u32 $0x80000000, v22;
	v23 =	vsel vm2, v23, v24  }
0x242: {  	(xrf1) =	vsort.dscd.msk.u32 $0xffff, v25, v22;
	v22 =	vxor.u32 $0x80000000, v23  }
0x243: {  	(xrf1) =	vsort.ascd.msk.u32 $0xffff, v22, v23;
	_ =	sdelay $0xc  }
0x244: {  	v22, _, _ =	vpop (xrf1)  }
0x245: {  	v23, _, _ =	vpop (xrf1)  }
0x246: {  	v22 =	vxor.u32 $0x80000000, v22;
	v23 =	vxor.u32 $0x80000000, v23  }
0x247: {  	vm2 =	vlt.s32 v23, v22  }
0x248: {  	v22 =	vsel vm2, v23, v22  }
0x249: {  	v23 =	vxor.u32 $0x80000000, v22  }
0x24a: {  	(xrf1) =	vsort.ascd.msk.u32 $0xffff, v23, v22;
	_ =	sdelay $0xa  }
.Ltmp27:
0x24b: {  	_ = 	snop;
	(pc) =	sbr.rel @!p1 .LBB2_38-.Ltmp27, $3  }
0x24c: {  	_ =	sdelay $0x1  }
0x24d: {  	v22, _, _ =	vpop (xrf1)  }
0x24e: {  	v22 =	vxor.u32 $0x80000000, v22  }
0x24f: {  	s1 =	simm.s32 $0x18000  }
0x250: {  	s0 =	simm.s32 $0x18880;
	v23 =	vld [tilespmem:s1+$0x0]  }
0x251: {  	v24 =	vld [tilespmem:s0+$0x0];
	_ =	sdelay $0x1  }
0x252: {  	p2 =	sgt.s32 s30, $0x1  }
.Ltmp28:
0x253: {  	_ = 	snop;
	(pc) =	sbr.rel @!p2 .LBB2_34-.Ltmp28, $4  }
0x254: {  	vm2 =	veq.f32 v23, v26  }
0x255: {  	v23 =	vnsel vm2, $0x40000000, v24  }
0x256: {  	v24 =	vxor.u32 $0x80000000, v23  }
0x257: {  	p1 =	por $0x0, $0x0;
	s0 =	simm.s32 $0x18010;
	(xrf1) =	vsort.dscd.msk.u32 $0xffff, v24, v23  }
0x258: {  	_ =	sdelay $0x8  }
0x259: {  	v23 =	vld [tilespmem:s0+$0x0];
	s0 =	simm.s32 $0x18890  }
0x25a: {  	v24 =	vld [tilespmem:s0+$0x0];
	_ =	sdelay $0x2  }
0x25b: {  	v25, _, _ =	vpop (xrf1)  }
0x25c: {  	vm2 =	veq.f32 v23, v26;
	v23 =	vxor.u32 $0x80000000, v25  }
0x25d: {  	v24 =	vnsel vm2, $0x40000000, v24;
	vm2 =	vlt.s32 v22, v23  }
0x25e: {  	v25 =	vxor.u32 $0x80000000, v24;
	v23 =	vsel vm2, v22, v23  }
0x25f: {  	(xrf1) =	vsort.dscd.msk.u32 $0xffff, v25, v24;
	v24 =	vxor.u32 $0x80000000, v23  }
0x260: {  	(xrf1) =	vsort.ascd.msk.u32 $0xffff, v24, v23;
	_ =	sdelay $0x3  }
0x261: {  	p2 =	sgt.s32 s30, $0x2  }
.Ltmp29:
0x262: {  	_ = 	snop;
	(pc) =	sbr.rel @!p2 .LBB2_37-.Ltmp29, $2  }
0x263: {  	_ =	sdelay $0x2  }
0x264: {  	s1 =	simm.s32 $0x2;
	s2 =	simm.s32 $0x18020;
	p1 =	por $0x1, $0x1  }
.LBB2_36:
0x265: {  	v23 =	vld [tilespmem:s2+$0x0];
	s0 =	sadd.s32 $0x10, s0  }
0x266: {  	s1 =	sadd.s32 $0x1, s1;
	v24 =	vld [tilespmem:s0+$0x0]  }
0x267: {  	p2 =	slt.s32 s1, s30  }
0x268: {  	v25, _, _ =	vpop (xrf1)  }
0x269: {  	v27, _, _ =	vpop (xrf1)  }
0x26a: {  	vm2 =	veq.f32 v23, v26;
	v23 =	vxor.u32 $0x80000000, v25;
	v25 =	vxor.u32 $0x80000000, v27  }
0x26b: {  	v24 =	vnsel vm2, $0x40000000, v24;
	vm2 =	vlt.s32 v25, v23  }
0x26c: {  	v27 =	vxor.u32 $0x80000000, v24;
	v23 =	vsel vm2, v25, v23  }
0x26d: {  	(xrf1) =	vsort.dscd.msk.u32 $0xffff, v27, v24;
	v24 =	vxor.u32 $0x80000000, v23  }
0x26e: {  	(xrf1) =	vsort.ascd.msk.u32 $0xffff, v24, v23;
	_ =	sdelay $0x4  }
.Ltmp30:
0x26f: {  	(pc) =	sbr.rel @p2 .LBB2_36-.Ltmp30, $2  }
0x270: {  	_ =	sdelay $0x2  }
0x271: {  	s2 =	sadd.s32 $0x10, s2  }
.LBB2_37:
0x272: {  	_ =	sdelay $0x2  }
0x273: {  	v23, _, _ =	vpop (xrf1)  }
0x274: {  	v24, _, _ =	vpop @p1 (xrf1)  }
0x275: {  	v24 =	vxor.u32 @p1 $0x80000000, v24  }
0x276: {  	v23 =	vxor.u32 $0x80000000, v23;
	v22 =	vpsel p1, v24, v22  }
0x277: {  	vm2 =	vlt.s32 v22, v23  }
0x278: {  	v22 =	vsel vm2, v22, v23  }
0x279: {  	v23 =	vxor.u32 $0x80000000, v22  }
0x27a: {  	(xrf1) =	vsort.ascd.msk.u32 $0xffff, v23, v22;
	_ =	sdelay $0xd  }
0x27b: {  	v22, _, _ =	vpop (xrf1)  }
0x27c: {  	v22 =	vxor.u32 $0x80000000, v22  }
.LBB2_38:
0x27d: {  	v23 =	vbroadcast v28, $0x0;
	_ =	sdelay $0x1  }
0x27e: {  	vm2 =	vgt.s32 v23, v0  }
0x27f: {  	v21 =	vsel vm2, v22, v21  }
.LBB2_39:
0x280: {  	_ =	sdelay $0x1  }
0x281: {  	[tilespmem:$0x19300] =	vst v20  }
0x282: {  	[tilespmem:$0x19380] =	vst v21  }
0x283: {  	v22 =	vld.idx.msk [tilespmem:v18+s14+$0x0], $0xffff;
	_ =	sdelay $0x4  }
0x284: {  	vm2 =	veq.f32 v22, v20  }
0x285: {  	vm2 =	vmand vm2, vm1  }
0x286: {  	v22 =	vmpcnt.ones.xlane vm2;
	_ =	sdelay $0x1  }
0x287: {  	(v2sf) =	vpush v22, $0x0;
	_ =	sdelay $0xe  }
0x288: {  	s0 =	spop (v2sf)  }
0x289: {  	p1 =	seq.s32 s0, $0x0  }
.Ltmp31:
0x28a: {  	_ = 	snop;
	(pc) =	sbr.rel @p1 .LBB2_40-.Ltmp31, $1  }
0x28b: {  	_ =	sdelay $0x3  }
0x28c: {  	s0 =	simm.s32 $0x0  }
0x28d: {  	s1 =	simm.s32 $0x3;
	v22 =	vmov s0  }
0x28e: {  	s2 =	simm.s32 $0x2;
	v23 =	vmov s1;
	v22 =	vand.u32 $0xFFFFFFFC, v22  }
0x28f: {  	s21 =	simm.s32 $0x1;
	v24 =	vmov s2;
	v22 =	vbroadcast v22, $0x0  }
0x290: {  	v25 =	vmov s21;
	v24 =	vand.u32 $0xFFFFFFFE, v24  }
0x291: {  	v25 =	vand.u32 $0xFFFFFFFD, v25;
	v30 =	vbroadcast v24, $0x0  }
0x292: {  	v24 =	vbroadcast v25, $0x0  }
0x293: {  	v31 =	vld.idx.msk [tilespmem:v23+s14+$0x0], $0xffff  }
0x294: {  	v29 =	vld.idx.msk [tilespmem:v23+s18+$0x0], $0xffff  }
0x295: {  	v32 =	vld.idx.msk [tilespmem:v22+s14+$0x0], $0xffff  }
0x296: {  	s22 =	simm.s32 $0x4;
	s30 =	simm.s32 $0x7;
	s31 =	simm.s32 $0x5;
	v33 =	vld.idx.msk [tilespmem:v22+s18+$0x0], $0xffff  }
0x297: {  	s2 =	simm.s32 $0x6;
	v26 =	vmov s30;
	v28 =	vmov s31;
	v22 =	vmov s22;
	v27 =	vld.idx.msk [tilespmem:v30+s14+$0x0], $0xffff  }
0x298: {  	v34 =	vmov s2;
	v35 =	vand.u32 $0xFFFFFFFD, v28;
	v28 =	vld.idx.msk [tilespmem:v24+s14+$0x0], $0xffff;
	v22 =	vand.u32 $0xFFFFFFFC, v22  }
0x299: {  	v23 =	vimm.s32 $0x0;
	v25 =	vbroadcast v22, $0x0;
	vm4 =	vlt.s32 v29, v21;
	v29 =	vld.idx.msk [tilespmem:v24+s18+$0x0], $0xffff  }
0x29a: {  	v30 =	vld.idx.msk [tilespmem:v30+s18+$0x0], $0xffff;
	v22 =	vand.u32 $0xFFFFFFFE, v34;
	vm3 =	veq.f32 v31, v20;
	v24 =	vbroadcast v35, $0x0  }
0x29b: {  	vm2 =	vgt.f32 v31, v20;
	v22 =	vbroadcast v22, $0x0;
	vm3 =	vmand vm3, vm4  }
0x29c: {  	s0 =	simm.s32 $0x8;
	vm4 =	vgt.f32 v32, v20;
	vm5 =	veq.f32 v32, v20;
	vm6 =	vlt.s32 v33, v21  }
.LBB2_42:
0x29d: {  	p1 =	slt.u32 s0, $0xC;
	vm7 =	vgt.f32 v28, v20;
	vm8 =	vgt.f32 v27, v20;
	vm9 =	veq.f32 v27, v20  }
0x29e: {  	vm5 =	vmand vm5, vm6;
	vm6 =	veq.f32 v28, v20;
	vm10 =	vlt.s32 v29, v21  }
0x29f: {  	vm4 =	vmor vm4, vm5;
	vm5 =	vmand vm6, vm10;
	vm6 =	vlt.s32 v30, v21;
	v31 =	vld.idx.msk [tilespmem:v26+s14+$0x0], $0xffff  }
0x2a0: {  	v32 =	vld.idx.msk [tilespmem:v26+s18+$0x0], $0xffff;
	v26 =	vsel vm4, $0x1, v19;
	vm4 =	vmor vm7, vm5;
	vm5 =	vmand vm9, vm6  }
0x2a1: {  	v33 =	vld.idx.msk [tilespmem:v25+s14+$0x0], $0xffff;
	v23 =	vadd.s32 v26, v23;
	v26 =	vsel vm4, $0x1, v19;
	vm4 =	vmor vm8, vm5  }
0x2a2: {  	vm2 =	vmor vm2, vm3;
	v34 =	vld.idx.msk [tilespmem:v25+s18+$0x0], $0xffff;
	v23 =	vadd.s32 v26, v23;
	v25 =	vsel vm4, $0x1, v19  }
0x2a3: {  	s1 =	sadd.s32 $0x3, s0;
	v27 =	vld.idx.msk [tilespmem:v22+s14+$0x0], $0xffff;
	v23 =	vadd.s32 v25, v23;
	v25 =	vsel vm2, $0x1, v19  }
0x2a4: {  	v29 =	vmov s0;
	s2 =	sadd.s32 $0x1, s0;
	s21 =	sadd.s32 $0x2, s0;
	v26 =	vmov s1;
	v28 =	vld.idx.msk [tilespmem:v24+s14+$0x0], $0xffff;
	v23 =	vadd.s32 v25, v23  }
.Ltmp32:
0x2a5: {  	v30 =	vmov s2;
	v35 =	vmov s21;
	v25 =	vand.u32 $0xFFFFFFFC, v29;
	v29 =	vld.idx.msk [tilespmem:v24+s18+$0x0], $0xffff;
	(pc) =	sbr.rel @p1 .LBB2_42-.Ltmp32, $4  }
0x2a6: {  	v35 =	vand.u32 $0xFFFFFFFE, v35;
	v25 =	vbroadcast v25, $0x0;
	v24 =	vand.u32 $0xFFFFFFFD, v30;
	v30 =	vld.idx.msk [tilespmem:v22+s18+$0x0], $0xffff  }
0x2a7: {  	vm3 =	veq.f32 v31, v20;
	vm4 =	vlt.s32 v32, v21;
	v22 =	vbroadcast v35, $0x0  }
0x2a8: {  	vm2 =	vgt.f32 v31, v20;
	v24 =	vbroadcast v24, $0x0;
	vm3 =	vmand vm3, vm4  }
0x2a9: {  	s0 =	sadd.s32 $0x4, s0;
	vm4 =	vgt.f32 v33, v20;
	vm5 =	veq.f32 v33, v20;
	vm6 =	vlt.s32 v34, v21  }
0x2aa: {  	_ =	sdelay $0x3  }
0x2ab: {  	v31 =	vld.idx.msk [tilespmem:v26+s14+$0x0], $0xffff  }
0x2ac: {  	vm7 =	vgt.f32 v28, v20;
	v54 =	vld.idx.msk [tilespmem:v26+s18+$0x0], $0xffff  }
0x2ad: {  	vm8 =	vgt.f32 v27, v20;
	vm5 =	vmand vm5, vm6;
	vm13 =	veq.f32 v27, v20;
	v55 =	vld.idx.msk [tilespmem:v25+s14+$0x0], $0xffff  }
0x2ae: {  	vm9 =	veq.f32 v28, v20;
	vm10 =	vlt.s32 v29, v21;
	v57 =	vld.idx.msk [tilespmem:v25+s18+$0x0], $0xffff;
	vm2 =	vmor vm2, vm3  }
0x2af: {  	v59 =	vld.idx.msk [tilespmem:v22+s14+$0x0], $0xffff;
	vm4 =	vmor vm4, vm5;
	vm14 =	vmand vm9, vm10;
	vm15 =	vlt.s32 v30, v21  }
0x2b0: {  	v61 =	vld.idx.msk [tilespmem:v24+s14+$0x0], $0xffff;
	v56 =	vsel vm4, $0x1, v19;
	vm10 =	vmor vm7, vm14;
	vm11 =	vmand vm13, vm15  }
0x2b1: {  	v62 =	vld.idx.msk [tilespmem:v24+s18+$0x0], $0xffff;
	v23 =	vadd.s32 v56, v23;
	v58 =	vsel vm10, $0x1, v19;
	vm12 =	vmor vm8, vm11  }
0x2b2: {  	v63 =	vsel vm2, $0x1, v19;
	v23 =	vadd.s32 v58, v23;
	v60 =	vsel vm12, $0x1, v19  }
0x2b3: {  	v22 =	vld.idx.msk [tilespmem:v22+s18+$0x0], $0xffff;
	v23 =	vadd.s32 v60, v23;
	vm2 =	veq.f32 v31, v20;
	vm3 =	vlt.s32 v54, v21  }
0x2b4: {  	vm4 =	vgt.f32 v31, v20;
	vm13 =	veq.f32 v55, v20;
	vm14 =	vlt.s32 v57, v21  }
0x2b5: {  	vm7 =	vgt.f32 v61, v20;
	vm8 =	vgt.f32 v59, v20;
	vm9 =	veq.f32 v59, v20  }
0x2b6: {  	vm15 =	veq.f32 v61, v20;
	vm12 =	vlt.s32 v62, v21;
	v23 =	vadd.s32 v63, v23  }
0x2b7: {  	vm2 =	vmand vm2, vm3;
	vm3 =	vgt.f32 v55, v20;
	vm5 =	vmand vm13, vm14  }
0x2b8: {  	vm13 =	vmand vm15, vm12;
	vm14 =	vlt.s32 v22, v21;
	vm3 =	vmor vm3, vm5  }
.Ltmp33:
0x2b9: {  	vm15 =	vmand vm9, vm14;
	v22 =	vsel vm3, $0x1, v19;
	vm3 =	vmor vm7, vm13;
	(pc) =	sbr.rel .LBB2_44-.Ltmp33, $4  }
0x2ba: {  	v22 =	vadd.s32 v22, v23;
	v23 =	vsel vm3, $0x1, v19;
	vm3 =	vmor vm8, vm15  }
0x2bb: {  	vm2 =	vmor vm4, vm2;
	v22 =	vadd.s32 v23, v22;
	v23 =	vsel vm3, $0x1, v19  }
0x2bc: {  	v22 =	vadd.s32 v23, v22;
	v23 =	vsel vm2, $0x1, v19  }
0x2bd: {  	v39 =	vadd.s32 v23, v22  }
.LBB2_6:
.Ltmp34:
0x2be: {  	(pc) =	sbr.rel .LBB2_10-.Ltmp34, $2  }
0x2bf: {  	_ =	sdelay $0x2  }
0x2c0: {  	s1 =	simm.s32 $0x18000;
	s2 =	simm.s32 $0x18880  }
.LBB2_11:
.Ltmp35:
0x2c1: {  	(pc) =	sbr.rel .LBB2_14-.Ltmp35, $2  }
0x2c2: {  	_ =	sdelay $0x2  }
0x2c3: {  	_ = 	snop  }
.LBB2_17:
.Ltmp36:
0x2c4: {  	(pc) =	sbr.rel .LBB2_28-.Ltmp36, $2  }
0x2c5: {  	_ =	sdelay $0x2  }
0x2c6: {  	s1 =	smov.u32 s0  }
.LBB2_8:
.Ltmp37:
0x2c7: {  	(pc) =	sbr.rel .LBB2_10-.Ltmp37, $2  }
0x2c8: {  	_ =	sdelay $0x2  }
0x2c9: {  	s1 =	simm.s32 $0x18000;
	s2 =	simm.s32 $0x18880  }
.LBB2_19:
.Ltmp38:
0x2ca: {  	(pc) =	sbr.rel .LBB2_28-.Ltmp38, $2  }
0x2cb: {  	_ =	sdelay $0x2  }
0x2cc: {  	s1 =	smov.u32 s0  }
.LBB2_21:
.Ltmp39:
0x2cd: {  	(pc) =	sbr.rel .LBB2_28-.Ltmp39, $2  }
0x2ce: {  	_ =	sdelay $0x2  }
0x2cf: {  	s1 =	smov.u32 s0  }
.LBB2_23:
.Ltmp40:
0x2d0: {  	(pc) =	sbr.rel .LBB2_28-.Ltmp40, $2  }
0x2d1: {  	_ =	sdelay $0x2  }
0x2d2: {  	s1 =	smov.u32 s0  }
.LBB2_25:
.Ltmp41:
0x2d3: {  	(pc) =	sbr.rel .LBB2_28-.Ltmp41, $2  }
0x2d4: {  	_ =	sdelay $0x2  }
0x2d5: {  	s1 =	smov.u32 s0  }
.LBB2_34:
.Ltmp42:
0x2d6: {  	(pc) =	sbr.rel .LBB2_37-.Ltmp42, $2  }
0x2d7: {  	_ =	sdelay $0x2  }
0x2d8: {  	_ = 	snop  }
.LBB2_49:
.Ltmp43:
0x2d9: {  	(pc) =	sbr.rel .LBB2_52-.Ltmp43, $2  }
0x2da: {  	_ =	sdelay $0x2  }
0x2db: {  	s1 =	smov.u32 s0  }
.LBB2_54:
0x2dc: {  	_ =	sfence.sel $0x180000  }
0x2dd: {  	[bflag:$0x0] =	sbarrier.arrive $0xFFFF  }
0x2de: {  	_ =	strace $0x90000047  }
0x2df: {  	s0 =	stileid.u32;
	[bflag:$0x2] =	sbarrier.arrive $0xFFFF  }
0x2e0: {  	p0 =	sne.s32 s0, $0x0;
	s0 =	rddreg [dreg:$0x5]  }
0x2e1: {  	s0 =	sadd.s32 @!p0 $0x100000, s0  }
0x2e2: {  	[sflag:s0] =	ssyncadd.tile.s32 @!p0 $0x1;
	_ =	shalt  }
.Lfunc_end2:
_tile_overlayer_lowered:
.L_overlay_start_2:
0x2e3: {  	(tag) =	ssettag $0x2  }
0x2e4: {  	s0 =	rddreg [dreg:$0x0];
	s2 =	stileid.u32  }
0x2e5: {  	s1 =	rddreg [dreg:$0x1];
	p0 =	sne.s32 s2, $0x0  }
0x2e6: {  	s3 =	rddreg [dreg:$0x2];
	[bflag:$0x3] =	sbarrier.arrive $0xFFFF;
	s2 =	simm.s32 @!p0 $0x1C01  }
0x2e7: {  	[timem:s3], [sflag:s2] =	dma.local @!p0 [hbm:s0], s1  }
0x2e8: {  	s0 =	simm.s32 @!p0 $0x1  }
0x2e9: {  	_ =	swait.ge @!p0 [sflag:s0], s1  }
0x2ea: {  	s1 =	ssub.s32 @!p0 $0x0, s1;
	[sflag:s0] =	ssyncset.done @!p0 $0x0  }
0x2eb: {  	[sflag:s0] =	ssyncadd.s32 @!p0 s1  }
0x2ec: {  	[bflag:$0x3] =	sbarrier.arrive $0xFFFF  }
0x2ed: {  	_ =	shalt  }

</sc_bundles>
